<compile_context>
chip_gen: v7x
topology: tpu7x:2x2x1
jax: 0.10.2.dev20260603
libtpu: 0.0.44.dev20260713+nightly
codegen_flags: <defaults>
</compile_context>

<pallas_src>
import dataclasses

import jax
import jax.numpy as jnp
from jax import lax
from jax.experimental import pallas as pl
from jax.experimental.pallas import tpu as pltpu
from jax.experimental.pallas import tpu_sc as plsc

N = 320000
D = 128
S = 10000
L = 16
NW = 32
SEG_PER = 320
S_PAD = NW * SEG_PER
C = 256
HC = 128
NB = 48
SC_SEGS = 16 * SEG_PER
ACC_ROWS = SC_SEGS + 128
ZROWS = ACC_ROWS // 16
DUMP = SC_SEGS
EBLOCKS = ((0, 128), (128, 128), (256, 64))
ZBLOCKS = ((0, 128), (128, 128), (256, 72))


def _sc_body(x_hbm, bounds_hbm, ids_hbm, out_hbm,
             xbuf0, xbuf1, idb0, idb1, ix0, ix1, cnt_ref, bounds_vmem,
             acc_sh, sem0, sem1):
    core = lax.axis_index("c")
    sub = lax.axis_index("s")
    w = core * 16 + sub
    s_lo = w * SEG_PER
    sc_base = core * SC_SEGS
    iota = lax.iota(jnp.int32, L)
    ones = jnp.ones((L,), jnp.float32)

    pltpu.sync_copy(bounds_hbm, bounds_vmem.at[pl.ds(0, NB)])
    bv = bounds_vmem[pl.ds(w, L)]
    r_lo = bv[0]
    r_hi = bv[1]

    @pl.loop(0, SEG_PER, step=L)
    def _(k):
        cnt_ref[pl.ds(k, L)] = jnp.zeros((L,), jnp.float32)

    @pl.loop(0, HC)
    def _(r):
        for j in range(D // L):
            xbuf0[r, pl.ds(j * L, L)] = jnp.zeros((L,), jnp.float32)

    for off, sz in ZBLOCKS:
        pltpu.sync_copy(xbuf0.at[pl.ds(0, sz)],
                        acc_sh.at[pl.ds(sub * ZROWS + off, sz)])
    plsc.subcore_barrier()

    base = (r_lo // 16) * 16
    nchunks = (r_hi - base + C - 1) // C

    def chunk_start(cix):
        return jnp.minimum(base + cix * C, N - C)

    def issue(cix, xb, ib, sem):
        start = chunk_start(cix)
        pltpu.async_copy(x_hbm.at[pl.ds(start, C)], xb, sem)
        pltpu.async_copy(ids_hbm.at[pl.ds(start, C)], ib.at[pl.ds(0, C)], sem)

    def wait(xb, ib, sem):
        start = chunk_start(0)
        pltpu.make_async_copy(x_hbm.at[pl.ds(start, C)], xb, sem).wait()
        pltpu.make_async_copy(
            ids_hbm.at[pl.ds(start, C)], ib.at[pl.ds(0, C)], sem).wait()

    def process(cix, xb, ib, ix):
        start = chunk_start(cix)
        lo = jnp.maximum(r_lo, base + cix * C)
        hi = jnp.minimum(base + (cix + 1) * C, r_hi)

        for h in range(C // HC):
            for o in range(0, HC, L):
                iv = ib[pl.ds(h * HC + o, L)]
                rowv = start + h * HC + o + iota
                m = (rowv >= lo) & (rowv < hi)
                ix[h, pl.ds(o, L)] = jnp.where(m, iv - sc_base, DUMP)
                plsc.addupdate_scatter(cnt_ref, [iv - s_lo], ones, mask=m)

        for h in range(C // HC):
            pltpu.sync_copy(xb.at[pl.ds(h * HC, HC)],
                            acc_sh.at[ix.at[h]], add=True)

    @pl.when(nchunks > 0)
    def _():
        issue(0, xbuf0, idb0, sem0)

    def pair_body(p, _):
        c0 = 2 * p
        c1 = c0 + 1
        wait(xbuf0, idb0, sem0)

        @pl.when(c1 < nchunks)
        def _():
            issue(c1, xbuf1, idb1, sem1)

        process(c0, xbuf0, idb0, ix0)

        @pl.when(c1 < nchunks)
        def _():
            wait(xbuf1, idb1, sem1)

            @pl.when(c1 + 1 < nchunks)
            def _():
                issue(c1 + 1, xbuf0, idb0, sem0)

            process(c1, xbuf1, idb1, ix1)

        return 0

    lax.fori_loop(0, (nchunks + 1) // 2, pair_body, 0)

    plsc.subcore_barrier()

    for off, sz in EBLOCKS:
        pltpu.sync_copy(acc_sh.at[pl.ds(sub * SEG_PER + off, sz)],
                        xbuf0.at[pl.ds(0, sz)])

        @pl.loop(0, sz)
        def _(k):
            cv = plsc.load_gather(cnt_ref, [jnp.full((L,), off + k)])
            inv = 1.0 / jnp.maximum(cv, 1.0)
            vs = [xbuf0[k, pl.ds(j * L, L)] for j in range(D // L)]
            for j, v in enumerate(vs):
                xbuf0[k, pl.ds(j * L, L)] = v * inv

        @pl.when(w < NW - 1)
        def _():
            pltpu.sync_copy(xbuf0.at[pl.ds(0, sz)],
                            out_hbm.at[pl.ds(s_lo + off, sz)])

        if off == 0:
            @pl.when(w == NW - 1)
            def _():
                pltpu.sync_copy(xbuf0.at[pl.ds(0, S - (NW - 1) * SEG_PER)],
                                out_hbm.at[pl.ds(s_lo, S - (NW - 1) * SEG_PER)])


def _make_sc_kernel():
    mesh = plsc.VectorSubcoreMesh(
        core_axis_name="c", subcore_axis_name="s", num_cores=2, num_subcores=16
    )
    cp = pltpu.CompilerParams()
    if "needs_layout_passes" in pltpu.CompilerParams.__dataclass_fields__:
        cp = dataclasses.replace(cp, needs_layout_passes=False)
    return pl.kernel(
        _sc_body,
        out_type=jax.ShapeDtypeStruct((S, D), jnp.float32),
        mesh=mesh,
        scratch_types=[
            pltpu.VMEM((C, D), jnp.float32),
            pltpu.VMEM((C, D), jnp.float32),
            pltpu.VMEM((C + L,), jnp.int32),
            pltpu.VMEM((C + L,), jnp.int32),
            pltpu.VMEM((C // HC, HC), jnp.int32),
            pltpu.VMEM((C // HC, HC), jnp.int32),
            pltpu.VMEM((SEG_PER,), jnp.float32),
            pltpu.VMEM((NB + L,), jnp.int32),
            pltpu.VMEM_SHARED((ACC_ROWS, D), jnp.float32),
            pltpu.SemaphoreType.DMA,
            pltpu.SemaphoreType.DMA,
        ],
        compiler_params=cp,
    )


@jax.jit
def kernel(X, cluster_assignment):
    ids = cluster_assignment.astype(jnp.int32)
    queries = jnp.arange(NW + 1, dtype=jnp.int32) * SEG_PER
    bounds = jnp.searchsorted(ids, queries, side="left",
                              method="compare_all").astype(jnp.int32)
    bounds = jnp.concatenate(
        [bounds, jnp.zeros((NB - NW - 1,), jnp.int32)])
    return _make_sc_kernel()(X, bounds, ids)

# --- scband reference (transcript-rebuilt; emitter-appended) ---
"""Pipeline reference for scband-cluster-pooling-layer-14705968021778 (READ-ONLY COPY).

The authoritative reference and input builder live on the scoring server;
editing this copy changes nothing except your own understanding.
"""

import jax, jax.numpy as jnp
import numpy as np

N = 320000
D = 128
NUM_SEGMENTS = 10000

def setup_inputs(seed: int = 0) -> dict:
    key = jax.random.key(seed)
    k1, k2 = jax.random.split(key)
    X = jax.random.normal(k1, (N, D), dtype=jnp.float32)
    cluster_assignment = jnp.sort(jax.random.randint(k2, (N,), 0, NUM_SEGMENTS))
    return {"X": X, "cluster_assignment": cluster_assignment}

def reference(X, cluster_assignment):
    # global_mean_pool: segment-wise mean of node features by cluster id
    sums = jax.ops.segment_sum(X, cluster_assignment, num_segments=NUM_SEGMENTS)
    counts = jax.ops.segment_sum(
        jnp.ones((X.shape[0],), dtype=X.dtype), cluster_assignment,
        num_segments=NUM_SEGMENTS)
    counts = jnp.maximum(counts, 1.0)
    pooled = sums / counts[:, None]
    return pooled

if __name__ == "__main__":
    import jax
    _d = setup_inputs()
    print(jax.jit(kernel)(*tuple(_d.values())))

</pallas_src>

<mosaic_0001>
#map = affine_map<(d0, d1) -> (0, 0)>
#map1 = affine_map<(d0, d1) -> (0)>
module attributes {stable_mosaic.version = 14 : i64} {
  func.func @_sc_body(%arg0: i32, %arg1: i32, %arg2: memref<320000x128xf32, #tpu.memory_space<hbm>>, %arg3: memref<48xi32, #tpu.memory_space<hbm>>, %arg4: memref<320000xi32, #tpu.memory_space<hbm>>, %arg5: memref<10000x128xf32, #tpu.memory_space<hbm>>, %arg6: memref<256x128xf32, #tpu.memory_space<vmem>>, %arg7: memref<256x128xf32, #tpu.memory_space<vmem>>, %arg8: memref<272xi32, #tpu.memory_space<vmem>>, %arg9: memref<272xi32, #tpu.memory_space<vmem>>, %arg10: memref<2x128xi32, #tpu.memory_space<vmem>>, %arg11: memref<2x128xi32, #tpu.memory_space<vmem>>, %arg12: memref<320xf32, #tpu.memory_space<vmem>>, %arg13: memref<64xi32, #tpu.memory_space<vmem>>, %arg14: memref<5248x128xf32, #tpu.memory_space<vmem_shared>>, %arg15: memref<!tpu.dma_semaphore, #tpu.memory_space<semaphore_mem>>, %arg16: memref<!tpu.dma_semaphore, #tpu.memory_space<semaphore_mem>>) attributes {dimension_semantics = [#tpu.dimension_semantics<core_parallel>, #tpu.dimension_semantics<subcore_parallel>], iteration_bounds = array<i64: 2, 16>, scalar_prefetch = 0 : i64, scratch_operands = 11 : i64, tpu.core_type = #tpu.core_type<sc_vector_subcore>, window_params = [{transform_indices = #map}, {transform_indices = #map1}, {transform_indices = #map1}, {transform_indices = #map}]} {
    %mul3A = arith.constant 16 : i32
    %mul3A_0 = arith.muli %arg0, %mul3A : i32
    %add3A = arith.addi %mul3A_0, %arg1 : i32
    %mul3A_1 = arith.constant 320 : i32
    %mul3A_2 = arith.muli %add3A, %mul3A_1 : i32
    %mul3A_3 = arith.constant 5120 : i32
    %mul3A_4 = arith.muli %arg0, %mul3A_3 : i32
    %iota3A = tpu.iota {dimensions = array<i32: 0>} : vector<16xi32>
    %broadcast_in_dim3A = arith.constant 1.000000e+00 : f32
    %broadcast_in_dim3A_5 = vector.broadcast %broadcast_in_dim3A : f32 to vector<16xf32>
    "tpu.region"() ({
      %run_scoped3A = tpu.sem_alloc : memref<!tpu.dma_semaphore, #tpu.memory_space<semaphore_mem>>
      %dma_start3A = arith.constant 0 : i32
      %dma_start3A_162 = tpu.memref_slice %arg13[%dma_start3A] : memref<64xi32, #tpu.memory_space<vmem>> -> memref<48xi32, #tpu.memory_space<vmem>>
      %dma_start3A_163 = arith.constant 0 : i32
      %dma_start3A_164 = tpu.memref_slice %arg13[%dma_start3A_163] : memref<64xi32, #tpu.memory_space<vmem>> -> memref<48xi32, #tpu.memory_space<vmem>>
      tpu.enqueue_dma source(%arg3 : memref<48xi32, #tpu.memory_space<hbm>>) target(%dma_start3A_164 : memref<48xi32, #tpu.memory_space<vmem>>) target_semaphore(%run_scoped3A : memref<!tpu.dma_semaphore, #tpu.memory_space<semaphore_mem>>)
      %dma_wait3A = arith.constant 0 : i32
      %dma_wait3A_165 = tpu.memref_slice %arg13[%dma_wait3A] : memref<64xi32, #tpu.memory_space<vmem>> -> memref<48xi32, #tpu.memory_space<vmem>>
      %dma_wait3A_166 = arith.constant 0 : i32
      %dma_wait3A_167 = tpu.memref_slice %arg13[%dma_wait3A_166] : memref<64xi32, #tpu.memory_space<vmem>> -> memref<48xi32, #tpu.memory_space<vmem>>
      tpu.wait_dma2 semaphore(%run_scoped3A : memref<!tpu.dma_semaphore, #tpu.memory_space<semaphore_mem>>) src(%arg3 : memref<48xi32, #tpu.memory_space<hbm>>) dst(%dma_wait3A_167 : memref<48xi32, #tpu.memory_space<vmem>>)
      tpu.yield
    }) : () -> ()
    %get3A = arith.index_cast %add3A : i32 to index
    %get3A_6 = tpu.vector_load %arg13[%get3A] {strides = array<i32>} : memref<64xi32, #tpu.memory_space<vmem>>, vector<16xi32>,
    %slice3A = vector.extract_strided_slice %get3A_6 {offsets = [0], sizes = [1], strides = [1]} : vector<16xi32> to vector<1xi32>
    %squeeze3A = vector.extract %slice3A[0] : i32 from vector<1xi32>
    %slice3A_7 = vector.extract_strided_slice %get3A_6 {offsets = [1], sizes = [1], strides = [1]} : vector<16xi32> to vector<1xi32>
    %squeeze3A_8 = vector.extract %slice3A_7[0] : i32 from vector<1xi32>
    %scan3A = arith.constant 0 : i32
    %scan3A_9 = arith.constant 20 : i32
    %scan3A_10 = arith.addi %scan3A, %scan3A_9 : i32
    %scan3A_11 = arith.constant 1 : i32
    scf.for %scan3A_162 = %scan3A to %scan3A_10 step %scan3A_11  : i32 {
      %mul3A_163 = arith.constant 16 : i32
      %mul3A_164 = arith.muli %scan3A_162, %mul3A_163 : i32
      %add3A_165 = arith.constant 0 : i32
      %add3A_166 = arith.addi %add3A_165, %mul3A_164 : i32
      %broadcast_in_dim3A_167 = arith.constant 0.000000e+00 : f32
      %broadcast_in_dim3A_168 = vector.broadcast %broadcast_in_dim3A_167 : f32 to vector<16xf32>
      %swap3A = arith.index_cast %add3A_166 : i32 to index
      %swap3A_169 = tpu.vector_load %arg12[%swap3A] {strides = array<i32>} : memref<320xf32, #tpu.memory_space<vmem>>, vector<16xf32>,
      tpu.vector_store %arg12[%swap3A], %broadcast_in_dim3A_168 {strides = array<i32>} : memref<320xf32, #tpu.memory_space<vmem>>, vector<16xf32>,
    }
    %scan3A_12 = arith.constant 20 : i32
    %scan3A_13 = arith.constant 0 : i32
    %scan3A_14 = arith.constant 128 : i32
    %scan3A_15 = arith.addi %scan3A_13, %scan3A_14 : i32
    %scan3A_16 = arith.constant 1 : i32
    scf.for %scan3A_162 = %scan3A_13 to %scan3A_15 step %scan3A_16  : i32 {
      %mul3A_163 = arith.constant 1 : i32
      %mul3A_164 = arith.muli %scan3A_162, %mul3A_163 : i32
      %add3A_165 = arith.constant 0 : i32
      %add3A_166 = arith.addi %add3A_165, %mul3A_164 : i32
      %broadcast_in_dim3A_167 = arith.constant 0.000000e+00 : f32
      %broadcast_in_dim3A_168 = vector.broadcast %broadcast_in_dim3A_167 : f32 to vector<16xf32>
      %swap3A = arith.index_cast %add3A_166 : i32 to index
      %swap3A_169 = arith.constant 0 : index
      %swap3A_170 = tpu.vector_load %arg6[%swap3A, %swap3A_169] {strides = array<i32>} : memref<256x128xf32, #tpu.memory_space<vmem>>, vector<16xf32>,
      tpu.vector_store %arg6[%swap3A, %swap3A_169], %broadcast_in_dim3A_168 {strides = array<i32>} : memref<256x128xf32, #tpu.memory_space<vmem>>, vector<16xf32>,
      %broadcast_in_dim3A_171 = arith.constant 0.000000e+00 : f32
      %broadcast_in_dim3A_172 = vector.broadcast %broadcast_in_dim3A_171 : f32 to vector<16xf32>
      %swap3A_173 = arith.index_cast %add3A_166 : i32 to index
      %swap3A_174 = arith.constant 16 : index
      %swap3A_175 = tpu.vector_load %arg6[%swap3A_173, %swap3A_174] {strides = array<i32>} : memref<256x128xf32, #tpu.memory_space<vmem>>, vector<16xf32>,
      tpu.vector_store %arg6[%swap3A_173, %swap3A_174], %broadcast_in_dim3A_172 {strides = array<i32>} : memref<256x128xf32, #tpu.memory_space<vmem>>, vector<16xf32>,
      %broadcast_in_dim3A_176 = arith.constant 0.000000e+00 : f32
      %broadcast_in_dim3A_177 = vector.broadcast %broadcast_in_dim3A_176 : f32 to vector<16xf32>
      %swap3A_178 = arith.index_cast %add3A_166 : i32 to index
      %swap3A_179 = arith.constant 32 : index
      %swap3A_180 = tpu.vector_load %arg6[%swap3A_178, %swap3A_179] {strides = array<i32>} : memref<256x128xf32, #tpu.memory_space<vmem>>, vector<16xf32>,
      tpu.vector_store %arg6[%swap3A_178, %swap3A_179], %broadcast_in_dim3A_177 {strides = array<i32>} : memref<256x128xf32, #tpu.memory_space<vmem>>, vector<16xf32>,
      %broadcast_in_dim3A_181 = arith.constant 0.000000e+00 : f32
      %broadcast_in_dim3A_182 = vector.broadcast %broadcast_in_dim3A_181 : f32 to vector<16xf32>
      %swap3A_183 = arith.index_cast %add3A_166 : i32 to index
      %swap3A_184 = arith.constant 48 : index
      %swap3A_185 = tpu.vector_load %arg6[%swap3A_183, %swap3A_184] {strides = array<i32>} : memref<256x128xf32, #tpu.memory_space<vmem>>, vector<16xf32>,
      tpu.vector_store %arg6[%swap3A_183, %swap3A_184], %broadcast_in_dim3A_182 {strides = array<i32>} : memref<256x128xf32, #tpu.memory_space<vmem>>, vector<16xf32>,
      %broadcast_in_dim3A_186 = arith.constant 0.000000e+00 : f32
      %broadcast_in_dim3A_187 = vector.broadcast %broadcast_in_dim3A_186 : f32 to vector<16xf32>
      %swap3A_188 = arith.index_cast %add3A_166 : i32 to index
      %swap3A_189 = arith.constant 64 : index
      %swap3A_190 = tpu.vector_load %arg6[%swap3A_188, %swap3A_189] {strides = array<i32>} : memref<256x128xf32, #tpu.memory_space<vmem>>, vector<16xf32>,
      tpu.vector_store %arg6[%swap3A_188, %swap3A_189], %broadcast_in_dim3A_187 {strides = array<i32>} : memref<256x128xf32, #tpu.memory_space<vmem>>, vector<16xf32>,
      %broadcast_in_dim3A_191 = arith.constant 0.000000e+00 : f32
      %broadcast_in_dim3A_192 = vector.broadcast %broadcast_in_dim3A_191 : f32 to vector<16xf32>
      %swap3A_193 = arith.index_cast %add3A_166 : i32 to index
      %swap3A_194 = arith.constant 80 : index
      %swap3A_195 = tpu.vector_load %arg6[%swap3A_193, %swap3A_194] {strides = array<i32>} : memref<256x128xf32, #tpu.memory_space<vmem>>, vector<16xf32>,
      tpu.vector_store %arg6[%swap3A_193, %swap3A_194], %broadcast_in_dim3A_192 {strides = array<i32>} : memref<256x128xf32, #tpu.memory_space<vmem>>, vector<16xf32>,
      %broadcast_in_dim3A_196 = arith.constant 0.000000e+00 : f32
      %broadcast_in_dim3A_197 = vector.broadcast %broadcast_in_dim3A_196 : f32 to vector<16xf32>
      %swap3A_198 = arith.index_cast %add3A_166 : i32 to index
      %swap3A_199 = arith.constant 96 : index
      %swap3A_200 = tpu.vector_load %arg6[%swap3A_198, %swap3A_199] {strides = array<i32>} : memref<256x128xf32, #tpu.memory_space<vmem>>, vector<16xf32>,
      tpu.vector_store %arg6[%swap3A_198, %swap3A_199], %broadcast_in_dim3A_197 {strides = array<i32>} : memref<256x128xf32, #tpu.memory_space<vmem>>, vector<16xf32>,
      %broadcast_in_dim3A_201 = arith.constant 0.000000e+00 : f32
      %broadcast_in_dim3A_202 = vector.broadcast %broadcast_in_dim3A_201 : f32 to vector<16xf32>
      %swap3A_203 = arith.index_cast %add3A_166 : i32 to index
      %swap3A_204 = arith.constant 112 : index
      %swap3A_205 = tpu.vector_load %arg6[%swap3A_203, %swap3A_204] {strides = array<i32>} : memref<256x128xf32, #tpu.memory_space<vmem>>, vector<16xf32>,
      tpu.vector_store %arg6[%swap3A_203, %swap3A_204], %broadcast_in_dim3A_202 {strides = array<i32>} : memref<256x128xf32, #tpu.memory_space<vmem>>, vector<16xf32>,
    }
    %scan3A_17 = arith.constant 128 : i32
    %mul3A_18 = arith.constant 328 : i32
    %mul3A_19 = arith.muli %arg1, %mul3A_18 : i32
    %add3A_20 = arith.constant 0 : i32
    %add3A_21 = arith.addi %mul3A_19, %add3A_20 : i32
    "tpu.region"() ({
      %run_scoped3A = tpu.sem_alloc : memref<!tpu.dma_semaphore, #tpu.memory_space<semaphore_mem>>
      %dma_start3A = arith.constant 0 : i32
      %dma_start3A_162 = arith.constant 0 : i32
      %dma_start3A_163 = tpu.memref_slice %arg6[%dma_start3A, %dma_start3A_162] : memref<256x128xf32, #tpu.memory_space<vmem>> -> memref<128x128xf32, #tpu.memory_space<vmem>>
      %dma_start3A_164 = arith.constant 0 : i32
      %dma_start3A_165 = tpu.memref_slice %arg14[%add3A_21, %dma_start3A_164] : memref<5248x128xf32, #tpu.memory_space<vmem_shared>> -> memref<128x128xf32, #tpu.memory_space<vmem_shared>>
      %dma_start3A_166 = arith.constant 0 : i32
      %dma_start3A_167 = tpu.memref_slice %arg14[%add3A_21, %dma_start3A_166] : memref<5248x128xf32, #tpu.memory_space<vmem_shared>> -> memref<128x128xf32, #tpu.memory_space<vmem_shared>>
      %dma_start3A_168 = arith.constant 0 : i32
      %dma_start3A_169 = arith.constant 0 : i32
      %dma_start3A_170 = tpu.memref_slice %arg6[%dma_start3A_168, %dma_start3A_169] : memref<256x128xf32, #tpu.memory_space<vmem>> -> memref<128x128xf32, #tpu.memory_space<vmem>>
      tpu.enqueue_dma source(%dma_start3A_170 : memref<128x128xf32, #tpu.memory_space<vmem>>) target(%dma_start3A_167 : memref<128x128xf32, #tpu.memory_space<vmem_shared>>) target_semaphore(%run_scoped3A : memref<!tpu.dma_semaphore, #tpu.memory_space<semaphore_mem>>)
      %dma_wait3A = arith.constant 0 : i32
      %dma_wait3A_171 = arith.constant 0 : i32
      %dma_wait3A_172 = tpu.memref_slice %arg6[%dma_wait3A, %dma_wait3A_171] : memref<256x128xf32, #tpu.memory_space<vmem>> -> memref<128x128xf32, #tpu.memory_space<vmem>>
      %dma_wait3A_173 = arith.constant 0 : i32
      %dma_wait3A_174 = tpu.memref_slice %arg14[%add3A_21, %dma_wait3A_173] : memref<5248x128xf32, #tpu.memory_space<vmem_shared>> -> memref<128x128xf32, #tpu.memory_space<vmem_shared>>
      %dma_wait3A_175 = arith.constant 0 : i32
      %dma_wait3A_176 = tpu.memref_slice %arg14[%add3A_21, %dma_wait3A_175] : memref<5248x128xf32, #tpu.memory_space<vmem_shared>> -> memref<128x128xf32, #tpu.memory_space<vmem_shared>>
      %dma_wait3A_177 = arith.constant 0 : i32
      %dma_wait3A_178 = arith.constant 0 : i32
      %dma_wait3A_179 = tpu.memref_slice %arg6[%dma_wait3A_177, %dma_wait3A_178] : memref<256x128xf32, #tpu.memory_space<vmem>> -> memref<128x128xf32, #tpu.memory_space<vmem>>
      tpu.wait_dma2 semaphore(%run_scoped3A : memref<!tpu.dma_semaphore, #tpu.memory_space<semaphore_mem>>) src(%dma_wait3A_179 : memref<128x128xf32, #tpu.memory_space<vmem>>) dst(%dma_wait3A_176 : memref<128x128xf32, #tpu.memory_space<vmem_shared>>)
      tpu.yield
    }) : () -> ()
    %mul3A_22 = arith.constant 328 : i32
    %mul3A_23 = arith.muli %arg1, %mul3A_22 : i32
    %add3A_24 = arith.constant 128 : i32
    %add3A_25 = arith.addi %mul3A_23, %add3A_24 : i32
    "tpu.region"() ({
      %run_scoped3A = tpu.sem_alloc : memref<!tpu.dma_semaphore, #tpu.memory_space<semaphore_mem>>
      %dma_start3A = arith.constant 0 : i32
      %dma_start3A_162 = arith.constant 0 : i32
      %dma_start3A_163 = tpu.memref_slice %arg6[%dma_start3A, %dma_start3A_162] : memref<256x128xf32, #tpu.memory_space<vmem>> -> memref<128x128xf32, #tpu.memory_space<vmem>>
      %dma_start3A_164 = arith.constant 0 : i32
      %dma_start3A_165 = tpu.memref_slice %arg14[%add3A_25, %dma_start3A_164] : memref<5248x128xf32, #tpu.memory_space<vmem_shared>> -> memref<128x128xf32, #tpu.memory_space<vmem_shared>>
      %dma_start3A_166 = arith.constant 0 : i32
      %dma_start3A_167 = tpu.memref_slice %arg14[%add3A_25, %dma_start3A_166] : memref<5248x128xf32, #tpu.memory_space<vmem_shared>> -> memref<128x128xf32, #tpu.memory_space<vmem_shared>>
      %dma_start3A_168 = arith.constant 0 : i32
      %dma_start3A_169 = arith.constant 0 : i32
      %dma_start3A_170 = tpu.memref_slice %arg6[%dma_start3A_168, %dma_start3A_169] : memref<256x128xf32, #tpu.memory_space<vmem>> -> memref<128x128xf32, #tpu.memory_space<vmem>>
      tpu.enqueue_dma source(%dma_start3A_170 : memref<128x128xf32, #tpu.memory_space<vmem>>) target(%dma_start3A_167 : memref<128x128xf32, #tpu.memory_space<vmem_shared>>) target_semaphore(%run_scoped3A : memref<!tpu.dma_semaphore, #tpu.memory_space<semaphore_mem>>)
      %dma_wait3A = arith.constant 0 : i32
      %dma_wait3A_171 = arith.constant 0 : i32
      %dma_wait3A_172 = tpu.memref_slice %arg6[%dma_wait3A, %dma_wait3A_171] : memref<256x128xf32, #tpu.memory_space<vmem>> -> memref<128x128xf32, #tpu.memory_space<vmem>>
      %dma_wait3A_173 = arith.constant 0 : i32
      %dma_wait3A_174 = tpu.memref_slice %arg14[%add3A_25, %dma_wait3A_173] : memref<5248x128xf32, #tpu.memory_space<vmem_shared>> -> memref<128x128xf32, #tpu.memory_space<vmem_shared>>
      %dma_wait3A_175 = arith.constant 0 : i32
      %dma_wait3A_176 = tpu.memref_slice %arg14[%add3A_25, %dma_wait3A_175] : memref<5248x128xf32, #tpu.memory_space<vmem_shared>> -> memref<128x128xf32, #tpu.memory_space<vmem_shared>>
      %dma_wait3A_177 = arith.constant 0 : i32
      %dma_wait3A_178 = arith.constant 0 : i32
      %dma_wait3A_179 = tpu.memref_slice %arg6[%dma_wait3A_177, %dma_wait3A_178] : memref<256x128xf32, #tpu.memory_space<vmem>> -> memref<128x128xf32, #tpu.memory_space<vmem>>
      tpu.wait_dma2 semaphore(%run_scoped3A : memref<!tpu.dma_semaphore, #tpu.memory_space<semaphore_mem>>) src(%dma_wait3A_179 : memref<128x128xf32, #tpu.memory_space<vmem>>) dst(%dma_wait3A_176 : memref<128x128xf32, #tpu.memory_space<vmem_shared>>)
      tpu.yield
    }) : () -> ()
    %mul3A_26 = arith.constant 328 : i32
    %mul3A_27 = arith.muli %arg1, %mul3A_26 : i32
    %add3A_28 = arith.constant 256 : i32
    %add3A_29 = arith.addi %mul3A_27, %add3A_28 : i32
    "tpu.region"() ({
      %run_scoped3A = tpu.sem_alloc : memref<!tpu.dma_semaphore, #tpu.memory_space<semaphore_mem>>
      %dma_start3A = arith.constant 0 : i32
      %dma_start3A_162 = arith.constant 0 : i32
      %dma_start3A_163 = tpu.memref_slice %arg6[%dma_start3A, %dma_start3A_162] : memref<256x128xf32, #tpu.memory_space<vmem>> -> memref<72x128xf32, #tpu.memory_space<vmem>>
      %dma_start3A_164 = arith.constant 0 : i32
      %dma_start3A_165 = tpu.memref_slice %arg14[%add3A_29, %dma_start3A_164] : memref<5248x128xf32, #tpu.memory_space<vmem_shared>> -> memref<72x128xf32, #tpu.memory_space<vmem_shared>>
      %dma_start3A_166 = arith.constant 0 : i32
      %dma_start3A_167 = tpu.memref_slice %arg14[%add3A_29, %dma_start3A_166] : memref<5248x128xf32, #tpu.memory_space<vmem_shared>> -> memref<72x128xf32, #tpu.memory_space<vmem_shared>>
      %dma_start3A_168 = arith.constant 0 : i32
      %dma_start3A_169 = arith.constant 0 : i32
      %dma_start3A_170 = tpu.memref_slice %arg6[%dma_start3A_168, %dma_start3A_169] : memref<256x128xf32, #tpu.memory_space<vmem>> -> memref<72x128xf32, #tpu.memory_space<vmem>>
      tpu.enqueue_dma source(%dma_start3A_170 : memref<72x128xf32, #tpu.memory_space<vmem>>) target(%dma_start3A_167 : memref<72x128xf32, #tpu.memory_space<vmem_shared>>) target_semaphore(%run_scoped3A : memref<!tpu.dma_semaphore, #tpu.memory_space<semaphore_mem>>)
      %dma_wait3A = arith.constant 0 : i32
      %dma_wait3A_171 = arith.constant 0 : i32
      %dma_wait3A_172 = tpu.memref_slice %arg6[%dma_wait3A, %dma_wait3A_171] : memref<256x128xf32, #tpu.memory_space<vmem>> -> memref<72x128xf32, #tpu.memory_space<vmem>>
      %dma_wait3A_173 = arith.constant 0 : i32
      %dma_wait3A_174 = tpu.memref_slice %arg14[%add3A_29, %dma_wait3A_173] : memref<5248x128xf32, #tpu.memory_space<vmem_shared>> -> memref<72x128xf32, #tpu.memory_space<vmem_shared>>
      %dma_wait3A_175 = arith.constant 0 : i32
      %dma_wait3A_176 = tpu.memref_slice %arg14[%add3A_29, %dma_wait3A_175] : memref<5248x128xf32, #tpu.memory_space<vmem_shared>> -> memref<72x128xf32, #tpu.memory_space<vmem_shared>>
      %dma_wait3A_177 = arith.constant 0 : i32
      %dma_wait3A_178 = arith.constant 0 : i32
      %dma_wait3A_179 = tpu.memref_slice %arg6[%dma_wait3A_177, %dma_wait3A_178] : memref<256x128xf32, #tpu.memory_space<vmem>> -> memref<72x128xf32, #tpu.memory_space<vmem>>
      tpu.wait_dma2 semaphore(%run_scoped3A : memref<!tpu.dma_semaphore, #tpu.memory_space<semaphore_mem>>) src(%dma_wait3A_179 : memref<72x128xf32, #tpu.memory_space<vmem>>) dst(%dma_wait3A_176 : memref<72x128xf32, #tpu.memory_space<vmem_shared>>)
      tpu.yield
    }) : () -> ()
    %barrier3A = arith.constant 0 : index
    tpu.barrier barrier_id(%barrier3A)
    %jit3A = arith.constant 16 : i32
    %div3A = arith.divsi %squeeze3A, %jit3A : i32
    %sign3A = arith.constant 0 : i32
    %sign3A_30 = arith.cmpi sgt, %squeeze3A, %sign3A : i32
    %sign3A_31 = arith.extui %sign3A_30 : i1 to i32
    %sign3A_32 = arith.constant 0 : i32
    %sign3A_33 = arith.cmpi slt, %squeeze3A, %sign3A_32 : i32
    %sign3A_34 = arith.extui %sign3A_33 : i1 to i32
    %sign3A_35 = arith.subi %sign3A_31, %sign3A_34 : i32
    %sign3A_36 = arith.constant 0 : i32
    %sign3A_37 = arith.cmpi sgt, %jit3A, %sign3A_36 : i32
    %sign3A_38 = arith.extui %sign3A_37 : i1 to i32
    %sign3A_39 = arith.constant 0 : i32
    %sign3A_40 = arith.cmpi slt, %jit3A, %sign3A_39 : i32
    %sign3A_41 = arith.extui %sign3A_40 : i1 to i32
    %sign3A_42 = arith.subi %sign3A_38, %sign3A_41 : i32
    %ne3A = arith.cmpi ne, %sign3A_35, %sign3A_42 : i32
    %rem3A = arith.remsi %squeeze3A, %jit3A : i32
    %ne3A_43 = arith.constant 0 : i32
    %ne3A_44 = arith.cmpi ne, %rem3A, %ne3A_43 : i32
    %and3A = arith.andi %ne3A, %ne3A_44 : i1
    %sub3A = arith.constant 1 : i32
    %sub3A_45 = arith.subi %div3A, %sub3A : i32
    %select_n3A = arith.select %and3A, %sub3A_45, %div3A : i32
    %mul3A_46 = arith.constant 16 : i32
    %mul3A_47 = arith.muli %select_n3A, %mul3A_46 : i32
    %sub3A_48 = arith.subi %squeeze3A_8, %mul3A_47 : i32
    %add3A_49 = arith.constant 256 : i32
    %add3A_50 = arith.addi %sub3A_48, %add3A_49 : i32
    %sub3A_51 = arith.constant 1 : i32
    %sub3A_52 = arith.subi %add3A_50, %sub3A_51 : i32
    %jit3A_53 = arith.constant 256 : i32
    %div3A_54 = arith.divsi %sub3A_52, %jit3A_53 : i32
    %sign3A_55 = arith.constant 0 : i32
    %sign3A_56 = arith.cmpi sgt, %sub3A_52, %sign3A_55 : i32
    %sign3A_57 = arith.extui %sign3A_56 : i1 to i32
    %sign3A_58 = arith.constant 0 : i32
    %sign3A_59 = arith.cmpi slt, %sub3A_52, %sign3A_58 : i32
    %sign3A_60 = arith.extui %sign3A_59 : i1 to i32
    %sign3A_61 = arith.subi %sign3A_57, %sign3A_60 : i32
    %sign3A_62 = arith.constant 0 : i32
    %sign3A_63 = arith.cmpi sgt, %jit3A_53, %sign3A_62 : i32
    %sign3A_64 = arith.extui %sign3A_63 : i1 to i32
    %sign3A_65 = arith.constant 0 : i32
    %sign3A_66 = arith.cmpi slt, %jit3A_53, %sign3A_65 : i32
    %sign3A_67 = arith.extui %sign3A_66 : i1 to i32
    %sign3A_68 = arith.subi %sign3A_64, %sign3A_67 : i32
    %ne3A_69 = arith.cmpi ne, %sign3A_61, %sign3A_68 : i32
    %rem3A_70 = arith.remsi %sub3A_52, %jit3A_53 : i32
    %ne3A_71 = arith.constant 0 : i32
    %ne3A_72 = arith.cmpi ne, %rem3A_70, %ne3A_71 : i32
    %and3A_73 = arith.andi %ne3A_69, %ne3A_72 : i1
    %sub3A_74 = arith.constant 1 : i32
    %sub3A_75 = arith.subi %div3A_54, %sub3A_74 : i32
    %select_n3A_76 = arith.select %and3A_73, %sub3A_75, %div3A_54 : i32
    %gt3A = arith.constant 0 : i32
    %gt3A_77 = arith.cmpi sgt, %select_n3A_76, %gt3A : i32
    %convert_element_type3A = arith.extui %gt3A_77 : i1 to i32
    %cond3A = arith.constant 0 : i32
    %cond3A_78 = arith.cmpi ne, %convert_element_type3A, %cond3A : i32
    scf.if %cond3A_78 {
      %add3A_162 = arith.constant 0 : i32
      %add3A_163 = arith.addi %mul3A_47, %add3A_162 : i32
      %min3A = arith.constant 319744 : i32
      %min3A_164 = arith.minsi %add3A_163, %min3A : i32
      %dma_start3A = arith.constant 0 : i32
      %dma_start3A_165 = tpu.memref_slice %arg2[%min3A_164, %dma_start3A] : memref<320000x128xf32, #tpu.memory_space<hbm>> -> memref<256x128xf32, #tpu.memory_space<hbm>>
      %dma_start3A_166 = arith.constant 0 : i32
      %dma_start3A_167 = tpu.memref_slice %arg2[%min3A_164, %dma_start3A_166] : memref<320000x128xf32, #tpu.memory_space<hbm>> -> memref<256x128xf32, #tpu.memory_space<hbm>>
      tpu.enqueue_dma source(%dma_start3A_167 : memref<256x128xf32, #tpu.memory_space<hbm>>) target(%arg6 : memref<256x128xf32, #tpu.memory_space<vmem>>) target_semaphore(%arg15 : memref<!tpu.dma_semaphore, #tpu.memory_space<semaphore_mem>>)
      %dma_start3A_168 = arith.constant 0 : i32
      %dma_start3A_169 = tpu.memref_slice %arg8[%dma_start3A_168] : memref<272xi32, #tpu.memory_space<vmem>> -> memref<256xi32, #tpu.memory_space<vmem>>
      %dma_start3A_170 = tpu.memref_slice %arg4[%min3A_164] : memref<320000xi32, #tpu.memory_space<hbm>> -> memref<256xi32, #tpu.memory_space<hbm>>
      %dma_start3A_171 = arith.constant 0 : i32
      %dma_start3A_172 = tpu.memref_slice %arg8[%dma_start3A_171] : memref<272xi32, #tpu.memory_space<vmem>> -> memref<256xi32, #tpu.memory_space<vmem>>
      %dma_start3A_173 = tpu.memref_slice %arg4[%min3A_164] : memref<320000xi32, #tpu.memory_space<hbm>> -> memref<256xi32, #tpu.memory_space<hbm>>
      tpu.enqueue_dma source(%dma_start3A_173 : memref<256xi32, #tpu.memory_space<hbm>>) target(%dma_start3A_172 : memref<256xi32, #tpu.memory_space<vmem>>) target_semaphore(%arg15 : memref<!tpu.dma_semaphore, #tpu.memory_space<semaphore_mem>>)
    } else {
    }
    %add3A_79 = arith.constant 1 : i32
    %add3A_80 = arith.addi %select_n3A_76, %add3A_79 : i32
    %jit3A_81 = arith.constant 2 : i32
    %div3A_82 = arith.divsi %add3A_80, %jit3A_81 : i32
    %sign3A_83 = arith.constant 0 : i32
    %sign3A_84 = arith.cmpi sgt, %add3A_80, %sign3A_83 : i32
    %sign3A_85 = arith.extui %sign3A_84 : i1 to i32
    %sign3A_86 = arith.constant 0 : i32
    %sign3A_87 = arith.cmpi slt, %add3A_80, %sign3A_86 : i32
    %sign3A_88 = arith.extui %sign3A_87 : i1 to i32
    %sign3A_89 = arith.subi %sign3A_85, %sign3A_88 : i32
    %sign3A_90 = arith.constant 0 : i32
    %sign3A_91 = arith.cmpi sgt, %jit3A_81, %sign3A_90 : i32
    %sign3A_92 = arith.extui %sign3A_91 : i1 to i32
    %sign3A_93 = arith.constant 0 : i32
    %sign3A_94 = arith.cmpi slt, %jit3A_81, %sign3A_93 : i32
    %sign3A_95 = arith.extui %sign3A_94 : i1 to i32
    %sign3A_96 = arith.subi %sign3A_92, %sign3A_95 : i32
    %ne3A_97 = arith.cmpi ne, %sign3A_89, %sign3A_96 : i32
    %rem3A_98 = arith.remsi %add3A_80, %jit3A_81 : i32
    %ne3A_99 = arith.constant 0 : i32
    %ne3A_100 = arith.cmpi ne, %rem3A_98, %ne3A_99 : i32
    %and3A_101 = arith.andi %ne3A_97, %ne3A_100 : i1
    %sub3A_102 = arith.constant 1 : i32
    %sub3A_103 = arith.subi %div3A_82, %sub3A_102 : i32
    %select_n3A_104 = arith.select %and3A_101, %sub3A_103, %div3A_82 : i32
    %while3A = arith.constant 0 : i32
    %while3A_105 = arith.constant 0 : i32
    %while3A_106 = arith.subi %select_n3A_104, %while3A : i32
    %while3A_107 = arith.addi %while3A, %while3A_106 : i32
    %while3A_108 = arith.constant 1 : i32
    %while3A_109 = arith.divsi %while3A_106, %while3A_108 : i32
    %while3A_110 = arith.muli %while3A_109, %while3A_108 : i32
    %while3A_111 = arith.addi %while3A, %while3A_110 : i32
    %while3A_112 = arith.constant 1 : i32
    %while3A_113 = scf.for %while3A_162 = %while3A to %while3A_111 step %while3A_112 iter_args(%while3A_163 = %while3A_105) -> (i32)  : i32 {
      %mul3A_164 = arith.constant 2 : i32
      %mul3A_165 = arith.muli %mul3A_164, %while3A_162 : i32
      %add3A_166 = arith.constant 1 : i32
      %add3A_167 = arith.addi %mul3A_165, %add3A_166 : i32
      %add3A_168 = arith.constant 0 : i32
      %add3A_169 = arith.addi %mul3A_47, %add3A_168 : i32
      %min3A = arith.constant 319744 : i32
      %min3A_170 = arith.minsi %add3A_169, %min3A : i32
      %dma_wait3A = arith.constant 0 : i32
      %dma_wait3A_171 = tpu.memref_slice %arg2[%min3A_170, %dma_wait3A] : memref<320000x128xf32, #tpu.memory_space<hbm>> -> memref<256x128xf32, #tpu.memory_space<hbm>>
      %dma_wait3A_172 = arith.constant 0 : i32
      %dma_wait3A_173 = tpu.memref_slice %arg2[%min3A_170, %dma_wait3A_172] : memref<320000x128xf32, #tpu.memory_space<hbm>> -> memref<256x128xf32, #tpu.memory_space<hbm>>
      tpu.wait_dma2 semaphore(%arg15 : memref<!tpu.dma_semaphore, #tpu.memory_space<semaphore_mem>>) src(%dma_wait3A_173 : memref<256x128xf32, #tpu.memory_space<hbm>>) dst(%arg6 : memref<256x128xf32, #tpu.memory_space<vmem>>)
      %dma_wait3A_174 = arith.constant 0 : i32
      %dma_wait3A_175 = tpu.memref_slice %arg8[%dma_wait3A_174] : memref<272xi32, #tpu.memory_space<vmem>> -> memref<256xi32, #tpu.memory_space<vmem>>
      %dma_wait3A_176 = tpu.memref_slice %arg4[%min3A_170] : memref<320000xi32, #tpu.memory_space<hbm>> -> memref<256xi32, #tpu.memory_space<hbm>>
      %dma_wait3A_177 = arith.constant 0 : i32
      %dma_wait3A_178 = tpu.memref_slice %arg8[%dma_wait3A_177] : memref<272xi32, #tpu.memory_space<vmem>> -> memref<256xi32, #tpu.memory_space<vmem>>
      %dma_wait3A_179 = tpu.memref_slice %arg4[%min3A_170] : memref<320000xi32, #tpu.memory_space<hbm>> -> memref<256xi32, #tpu.memory_space<hbm>>
      tpu.wait_dma2 semaphore(%arg15 : memref<!tpu.dma_semaphore, #tpu.memory_space<semaphore_mem>>) src(%dma_wait3A_179 : memref<256xi32, #tpu.memory_space<hbm>>) dst(%dma_wait3A_178 : memref<256xi32, #tpu.memory_space<vmem>>)
      %lt3A_180 = arith.cmpi slt, %add3A_167, %select_n3A_76 : i32
      %convert_element_type3A_181 = arith.extui %lt3A_180 : i1 to i32
      %cond3A_182 = arith.constant 0 : i32
      %cond3A_183 = arith.cmpi ne, %convert_element_type3A_181, %cond3A_182 : i32
      scf.if %cond3A_183 {
        %mul3A_586 = arith.constant 256 : i32
        %mul3A_587 = arith.muli %add3A_167, %mul3A_586 : i32
        %add3A_588 = arith.addi %mul3A_47, %mul3A_587 : i32
        %min3A_589 = arith.constant 319744 : i32
        %min3A_590 = arith.minsi %add3A_588, %min3A_589 : i32
        %dma_start3A = arith.constant 0 : i32
        %dma_start3A_591 = tpu.memref_slice %arg2[%min3A_590, %dma_start3A] : memref<320000x128xf32, #tpu.memory_space<hbm>> -> memref<256x128xf32, #tpu.memory_space<hbm>>
        %dma_start3A_592 = arith.constant 0 : i32
        %dma_start3A_593 = tpu.memref_slice %arg2[%min3A_590, %dma_start3A_592] : memref<320000x128xf32, #tpu.memory_space<hbm>> -> memref<256x128xf32, #tpu.memory_space<hbm>>
        tpu.enqueue_dma source(%dma_start3A_593 : memref<256x128xf32, #tpu.memory_space<hbm>>) target(%arg7 : memref<256x128xf32, #tpu.memory_space<vmem>>) target_semaphore(%arg16 : memref<!tpu.dma_semaphore, #tpu.memory_space<semaphore_mem>>)
        %dma_start3A_594 = arith.constant 0 : i32
        %dma_start3A_595 = tpu.memref_slice %arg9[%dma_start3A_594] : memref<272xi32, #tpu.memory_space<vmem>> -> memref<256xi32, #tpu.memory_space<vmem>>
        %dma_start3A_596 = tpu.memref_slice %arg4[%min3A_590] : memref<320000xi32, #tpu.memory_space<hbm>> -> memref<256xi32, #tpu.memory_space<hbm>>
        %dma_start3A_597 = arith.constant 0 : i32
        %dma_start3A_598 = tpu.memref_slice %arg9[%dma_start3A_597] : memref<272xi32, #tpu.memory_space<vmem>> -> memref<256xi32, #tpu.memory_space<vmem>>
        %dma_start3A_599 = tpu.memref_slice %arg4[%min3A_590] : memref<320000xi32, #tpu.memory_space<hbm>> -> memref<256xi32, #tpu.memory_space<hbm>>
        tpu.enqueue_dma source(%dma_start3A_599 : memref<256xi32, #tpu.memory_space<hbm>>) target(%dma_start3A_598 : memref<256xi32, #tpu.memory_space<vmem>>) target_semaphore(%arg16 : memref<!tpu.dma_semaphore, #tpu.memory_space<semaphore_mem>>)
      } else {
      }
      %mul3A_184 = arith.constant 256 : i32
      %mul3A_185 = arith.muli %mul3A_165, %mul3A_184 : i32
      %add3A_186 = arith.addi %mul3A_47, %mul3A_185 : i32
      %min3A_187 = arith.constant 319744 : i32
      %min3A_188 = arith.minsi %add3A_186, %min3A_187 : i32
      %mul3A_189 = arith.constant 256 : i32
      %mul3A_190 = arith.muli %mul3A_165, %mul3A_189 : i32
      %add3A_191 = arith.addi %mul3A_47, %mul3A_190 : i32
      %max3A = arith.maxsi %squeeze3A, %add3A_191 : i32
      %add3A_192 = arith.constant 1 : i32
      %add3A_193 = arith.addi %mul3A_165, %add3A_192 : i32
      %mul3A_194 = arith.constant 256 : i32
      %mul3A_195 = arith.muli %add3A_193, %mul3A_194 : i32
      %add3A_196 = arith.addi %mul3A_47, %mul3A_195 : i32
      %min3A_197 = arith.minsi %add3A_196, %squeeze3A_8 : i32
      %get3A_198 = arith.constant 0 : index
      %get3A_199 = tpu.vector_load %arg8[%get3A_198] {strides = array<i32>} : memref<272xi32, #tpu.memory_space<vmem>>, vector<16xi32>,
      %add3A_200 = arith.constant 0 : i32
      %add3A_201 = arith.addi %min3A_188, %add3A_200 : i32
      %add3A_202 = arith.constant 0 : i32
      %add3A_203 = arith.addi %add3A_201, %add3A_202 : i32
      %add3A_204 = vector.broadcast %add3A_203 : i32 to vector<16xi32>
      %add3A_205 = arith.addi %add3A_204, %iota3A : vector<16xi32>
      %ge3A = vector.broadcast %max3A : i32 to vector<16xi32>
      %ge3A_206 = arith.cmpi sge, %add3A_205, %ge3A : vector<16xi32>
      %lt3A_207 = vector.broadcast %min3A_197 : i32 to vector<16xi32>
      %lt3A_208 = arith.cmpi slt, %add3A_205, %lt3A_207 : vector<16xi32>
      %and3A_209 = arith.andi %ge3A_206, %lt3A_208 : vector<16xi1>
      %sub3A_210 = vector.broadcast %mul3A_4 : i32 to vector<16xi32>
      %sub3A_211 = arith.subi %get3A_199, %sub3A_210 : vector<16xi32>
      %jit3A_212 = arith.constant 5120 : i32
      %broadcast_in_dim3A_213 = vector.broadcast %jit3A_212 : i32 to vector<16xi32>
      %select_n3A_214 = arith.select %and3A_209, %sub3A_211, %broadcast_in_dim3A_213 : vector<16xi1>, vector<16xi32>
      %swap3A = arith.constant 0 : i32
      %swap3A_215 = arith.index_cast %swap3A : i32 to index
      %swap3A_216 = arith.constant 0 : index
      %swap3A_217 = tpu.vector_load %arg10[%swap3A_215, %swap3A_216] {strides = array<i32>} : memref<2x128xi32, #tpu.memory_space<vmem>>, vector<16xi32>,
      tpu.vector_store %arg10[%swap3A_215, %swap3A_216], %select_n3A_214 {strides = array<i32>} : memref<2x128xi32, #tpu.memory_space<vmem>>, vector<16xi32>,
      %sub3A_218 = vector.broadcast %mul3A_2 : i32 to vector<16xi32>
      %sub3A_219 = arith.subi %get3A_199, %sub3A_218 : vector<16xi32>
      tpu.vector_store_idx %arg12[%sub3A_219], %broadcast_in_dim3A_5 masked %and3A_209 {add = true} : memref<320xf32, #tpu.memory_space<vmem>>[vector<16xi32>], vector<16xf32>, vector<16xi1>
      %get3A_220 = arith.constant 16 : index
      %get3A_221 = tpu.vector_load %arg8[%get3A_220] {strides = array<i32>} : memref<272xi32, #tpu.memory_space<vmem>>, vector<16xi32>,
      %add3A_222 = arith.constant 0 : i32
      %add3A_223 = arith.addi %min3A_188, %add3A_222 : i32
      %add3A_224 = arith.constant 16 : i32
      %add3A_225 = arith.addi %add3A_223, %add3A_224 : i32
      %add3A_226 = vector.broadcast %add3A_225 : i32 to vector<16xi32>
      %add3A_227 = arith.addi %add3A_226, %iota3A : vector<16xi32>
      %ge3A_228 = vector.broadcast %max3A : i32 to vector<16xi32>
      %ge3A_229 = arith.cmpi sge, %add3A_227, %ge3A_228 : vector<16xi32>
      %lt3A_230 = vector.broadcast %min3A_197 : i32 to vector<16xi32>
      %lt3A_231 = arith.cmpi slt, %add3A_227, %lt3A_230 : vector<16xi32>
      %and3A_232 = arith.andi %ge3A_229, %lt3A_231 : vector<16xi1>
      %sub3A_233 = vector.broadcast %mul3A_4 : i32 to vector<16xi32>
      %sub3A_234 = arith.subi %get3A_221, %sub3A_233 : vector<16xi32>
      %jit3A_235 = arith.constant 5120 : i32
      %broadcast_in_dim3A_236 = vector.broadcast %jit3A_235 : i32 to vector<16xi32>
      %select_n3A_237 = arith.select %and3A_232, %sub3A_234, %broadcast_in_dim3A_236 : vector<16xi1>, vector<16xi32>
      %swap3A_238 = arith.constant 0 : i32
      %swap3A_239 = arith.index_cast %swap3A_238 : i32 to index
      %swap3A_240 = arith.constant 16 : index
      %swap3A_241 = tpu.vector_load %arg10[%swap3A_239, %swap3A_240] {strides = array<i32>} : memref<2x128xi32, #tpu.memory_space<vmem>>, vector<16xi32>,
      tpu.vector_store %arg10[%swap3A_239, %swap3A_240], %select_n3A_237 {strides = array<i32>} : memref<2x128xi32, #tpu.memory_space<vmem>>, vector<16xi32>,
      %sub3A_242 = vector.broadcast %mul3A_2 : i32 to vector<16xi32>
      %sub3A_243 = arith.subi %get3A_221, %sub3A_242 : vector<16xi32>
      tpu.vector_store_idx %arg12[%sub3A_243], %broadcast_in_dim3A_5 masked %and3A_232 {add = true} : memref<320xf32, #tpu.memory_space<vmem>>[vector<16xi32>], vector<16xf32>, vector<16xi1>
      %get3A_244 = arith.constant 32 : index
      %get3A_245 = tpu.vector_load %arg8[%get3A_244] {strides = array<i32>} : memref<272xi32, #tpu.memory_space<vmem>>, vector<16xi32>,
      %add3A_246 = arith.constant 0 : i32
      %add3A_247 = arith.addi %min3A_188, %add3A_246 : i32
      %add3A_248 = arith.constant 32 : i32
      %add3A_249 = arith.addi %add3A_247, %add3A_248 : i32
      %add3A_250 = vector.broadcast %add3A_249 : i32 to vector<16xi32>
      %add3A_251 = arith.addi %add3A_250, %iota3A : vector<16xi32>
      %ge3A_252 = vector.broadcast %max3A : i32 to vector<16xi32>
      %ge3A_253 = arith.cmpi sge, %add3A_251, %ge3A_252 : vector<16xi32>
      %lt3A_254 = vector.broadcast %min3A_197 : i32 to vector<16xi32>
      %lt3A_255 = arith.cmpi slt, %add3A_251, %lt3A_254 : vector<16xi32>
      %and3A_256 = arith.andi %ge3A_253, %lt3A_255 : vector<16xi1>
      %sub3A_257 = vector.broadcast %mul3A_4 : i32 to vector<16xi32>
      %sub3A_258 = arith.subi %get3A_245, %sub3A_257 : vector<16xi32>
      %jit3A_259 = arith.constant 5120 : i32
      %broadcast_in_dim3A_260 = vector.broadcast %jit3A_259 : i32 to vector<16xi32>
      %select_n3A_261 = arith.select %and3A_256, %sub3A_258, %broadcast_in_dim3A_260 : vector<16xi1>, vector<16xi32>
      %swap3A_262 = arith.constant 0 : i32
      %swap3A_263 = arith.index_cast %swap3A_262 : i32 to index
      %swap3A_264 = arith.constant 32 : index
      %swap3A_265 = tpu.vector_load %arg10[%swap3A_263, %swap3A_264] {strides = array<i32>} : memref<2x128xi32, #tpu.memory_space<vmem>>, vector<16xi32>,
      tpu.vector_store %arg10[%swap3A_263, %swap3A_264], %select_n3A_261 {strides = array<i32>} : memref<2x128xi32, #tpu.memory_space<vmem>>, vector<16xi32>,
      %sub3A_266 = vector.broadcast %mul3A_2 : i32 to vector<16xi32>
      %sub3A_267 = arith.subi %get3A_245, %sub3A_266 : vector<16xi32>
      tpu.vector_store_idx %arg12[%sub3A_267], %broadcast_in_dim3A_5 masked %and3A_256 {add = true} : memref<320xf32, #tpu.memory_space<vmem>>[vector<16xi32>], vector<16xf32>, vector<16xi1>
      %get3A_268 = arith.constant 48 : index
      %get3A_269 = tpu.vector_load %arg8[%get3A_268] {strides = array<i32>} : memref<272xi32, #tpu.memory_space<vmem>>, vector<16xi32>,
      %add3A_270 = arith.constant 0 : i32
      %add3A_271 = arith.addi %min3A_188, %add3A_270 : i32
      %add3A_272 = arith.constant 48 : i32
      %add3A_273 = arith.addi %add3A_271, %add3A_272 : i32
      %add3A_274 = vector.broadcast %add3A_273 : i32 to vector<16xi32>
      %add3A_275 = arith.addi %add3A_274, %iota3A : vector<16xi32>
      %ge3A_276 = vector.broadcast %max3A : i32 to vector<16xi32>
      %ge3A_277 = arith.cmpi sge, %add3A_275, %ge3A_276 : vector<16xi32>
      %lt3A_278 = vector.broadcast %min3A_197 : i32 to vector<16xi32>
      %lt3A_279 = arith.cmpi slt, %add3A_275, %lt3A_278 : vector<16xi32>
      %and3A_280 = arith.andi %ge3A_277, %lt3A_279 : vector<16xi1>
      %sub3A_281 = vector.broadcast %mul3A_4 : i32 to vector<16xi32>
      %sub3A_282 = arith.subi %get3A_269, %sub3A_281 : vector<16xi32>
      %jit3A_283 = arith.constant 5120 : i32
      %broadcast_in_dim3A_284 = vector.broadcast %jit3A_283 : i32 to vector<16xi32>
      %select_n3A_285 = arith.select %and3A_280, %sub3A_282, %broadcast_in_dim3A_284 : vector<16xi1>, vector<16xi32>
      %swap3A_286 = arith.constant 0 : i32
      %swap3A_287 = arith.index_cast %swap3A_286 : i32 to index
      %swap3A_288 = arith.constant 48 : index
      %swap3A_289 = tpu.vector_load %arg10[%swap3A_287, %swap3A_288] {strides = array<i32>} : memref<2x128xi32, #tpu.memory_space<vmem>>, vector<16xi32>,
      tpu.vector_store %arg10[%swap3A_287, %swap3A_288], %select_n3A_285 {strides = array<i32>} : memref<2x128xi32, #tpu.memory_space<vmem>>, vector<16xi32>,
      %sub3A_290 = vector.broadcast %mul3A_2 : i32 to vector<16xi32>
      %sub3A_291 = arith.subi %get3A_269, %sub3A_290 : vector<16xi32>
      tpu.vector_store_idx %arg12[%sub3A_291], %broadcast_in_dim3A_5 masked %and3A_280 {add = true} : memref<320xf32, #tpu.memory_space<vmem>>[vector<16xi32>], vector<16xf32>, vector<16xi1>
      %get3A_292 = arith.constant 64 : index
      %get3A_293 = tpu.vector_load %arg8[%get3A_292] {strides = array<i32>} : memref<272xi32, #tpu.memory_space<vmem>>, vector<16xi32>,
      %add3A_294 = arith.constant 0 : i32
      %add3A_295 = arith.addi %min3A_188, %add3A_294 : i32
      %add3A_296 = arith.constant 64 : i32
      %add3A_297 = arith.addi %add3A_295, %add3A_296 : i32
      %add3A_298 = vector.broadcast %add3A_297 : i32 to vector<16xi32>
      %add3A_299 = arith.addi %add3A_298, %iota3A : vector<16xi32>
      %ge3A_300 = vector.broadcast %max3A : i32 to vector<16xi32>
      %ge3A_301 = arith.cmpi sge, %add3A_299, %ge3A_300 : vector<16xi32>
      %lt3A_302 = vector.broadcast %min3A_197 : i32 to vector<16xi32>
      %lt3A_303 = arith.cmpi slt, %add3A_299, %lt3A_302 : vector<16xi32>
      %and3A_304 = arith.andi %ge3A_301, %lt3A_303 : vector<16xi1>
      %sub3A_305 = vector.broadcast %mul3A_4 : i32 to vector<16xi32>
      %sub3A_306 = arith.subi %get3A_293, %sub3A_305 : vector<16xi32>
      %jit3A_307 = arith.constant 5120 : i32
      %broadcast_in_dim3A_308 = vector.broadcast %jit3A_307 : i32 to vector<16xi32>
      %select_n3A_309 = arith.select %and3A_304, %sub3A_306, %broadcast_in_dim3A_308 : vector<16xi1>, vector<16xi32>
      %swap3A_310 = arith.constant 0 : i32
      %swap3A_311 = arith.index_cast %swap3A_310 : i32 to index
      %swap3A_312 = arith.constant 64 : index
      %swap3A_313 = tpu.vector_load %arg10[%swap3A_311, %swap3A_312] {strides = array<i32>} : memref<2x128xi32, #tpu.memory_space<vmem>>, vector<16xi32>,
      tpu.vector_store %arg10[%swap3A_311, %swap3A_312], %select_n3A_309 {strides = array<i32>} : memref<2x128xi32, #tpu.memory_space<vmem>>, vector<16xi32>,
      %sub3A_314 = vector.broadcast %mul3A_2 : i32 to vector<16xi32>
      %sub3A_315 = arith.subi %get3A_293, %sub3A_314 : vector<16xi32>
      tpu.vector_store_idx %arg12[%sub3A_315], %broadcast_in_dim3A_5 masked %and3A_304 {add = true} : memref<320xf32, #tpu.memory_space<vmem>>[vector<16xi32>], vector<16xf32>, vector<16xi1>
      %get3A_316 = arith.constant 80 : index
      %get3A_317 = tpu.vector_load %arg8[%get3A_316] {strides = array<i32>} : memref<272xi32, #tpu.memory_space<vmem>>, vector<16xi32>,
      %add3A_318 = arith.constant 0 : i32
      %add3A_319 = arith.addi %min3A_188, %add3A_318 : i32
      %add3A_320 = arith.constant 80 : i32
      %add3A_321 = arith.addi %add3A_319, %add3A_320 : i32
      %add3A_322 = vector.broadcast %add3A_321 : i32 to vector<16xi32>
      %add3A_323 = arith.addi %add3A_322, %iota3A : vector<16xi32>
      %ge3A_324 = vector.broadcast %max3A : i32 to vector<16xi32>
      %ge3A_325 = arith.cmpi sge, %add3A_323, %ge3A_324 : vector<16xi32>
      %lt3A_326 = vector.broadcast %min3A_197 : i32 to vector<16xi32>
      %lt3A_327 = arith.cmpi slt, %add3A_323, %lt3A_326 : vector<16xi32>
      %and3A_328 = arith.andi %ge3A_325, %lt3A_327 : vector<16xi1>
      %sub3A_329 = vector.broadcast %mul3A_4 : i32 to vector<16xi32>
      %sub3A_330 = arith.subi %get3A_317, %sub3A_329 : vector<16xi32>
      %jit3A_331 = arith.constant 5120 : i32
      %broadcast_in_dim3A_332 = vector.broadcast %jit3A_331 : i32 to vector<16xi32>
      %select_n3A_333 = arith.select %and3A_328, %sub3A_330, %broadcast_in_dim3A_332 : vector<16xi1>, vector<16xi32>
      %swap3A_334 = arith.constant 0 : i32
      %swap3A_335 = arith.index_cast %swap3A_334 : i32 to index
      %swap3A_336 = arith.constant 80 : index
      %swap3A_337 = tpu.vector_load %arg10[%swap3A_335, %swap3A_336] {strides = array<i32>} : memref<2x128xi32, #tpu.memory_space<vmem>>, vector<16xi32>,
      tpu.vector_store %arg10[%swap3A_335, %swap3A_336], %select_n3A_333 {strides = array<i32>} : memref<2x128xi32, #tpu.memory_space<vmem>>, vector<16xi32>,
      %sub3A_338 = vector.broadcast %mul3A_2 : i32 to vector<16xi32>
      %sub3A_339 = arith.subi %get3A_317, %sub3A_338 : vector<16xi32>
      tpu.vector_store_idx %arg12[%sub3A_339], %broadcast_in_dim3A_5 masked %and3A_328 {add = true} : memref<320xf32, #tpu.memory_space<vmem>>[vector<16xi32>], vector<16xf32>, vector<16xi1>
      %get3A_340 = arith.constant 96 : index
      %get3A_341 = tpu.vector_load %arg8[%get3A_340] {strides = array<i32>} : memref<272xi32, #tpu.memory_space<vmem>>, vector<16xi32>,
      %add3A_342 = arith.constant 0 : i32
      %add3A_343 = arith.addi %min3A_188, %add3A_342 : i32
      %add3A_344 = arith.constant 96 : i32
      %add3A_345 = arith.addi %add3A_343, %add3A_344 : i32
      %add3A_346 = vector.broadcast %add3A_345 : i32 to vector<16xi32>
      %add3A_347 = arith.addi %add3A_346, %iota3A : vector<16xi32>
      %ge3A_348 = vector.broadcast %max3A : i32 to vector<16xi32>
      %ge3A_349 = arith.cmpi sge, %add3A_347, %ge3A_348 : vector<16xi32>
      %lt3A_350 = vector.broadcast %min3A_197 : i32 to vector<16xi32>
      %lt3A_351 = arith.cmpi slt, %add3A_347, %lt3A_350 : vector<16xi32>
      %and3A_352 = arith.andi %ge3A_349, %lt3A_351 : vector<16xi1>
      %sub3A_353 = vector.broadcast %mul3A_4 : i32 to vector<16xi32>
      %sub3A_354 = arith.subi %get3A_341, %sub3A_353 : vector<16xi32>
      %jit3A_355 = arith.constant 5120 : i32
      %broadcast_in_dim3A_356 = vector.broadcast %jit3A_355 : i32 to vector<16xi32>
      %select_n3A_357 = arith.select %and3A_352, %sub3A_354, %broadcast_in_dim3A_356 : vector<16xi1>, vector<16xi32>
      %swap3A_358 = arith.constant 0 : i32
      %swap3A_359 = arith.index_cast %swap3A_358 : i32 to index
      %swap3A_360 = arith.constant 96 : index
      %swap3A_361 = tpu.vector_load %arg10[%swap3A_359, %swap3A_360] {strides = array<i32>} : memref<2x128xi32, #tpu.memory_space<vmem>>, vector<16xi32>,
      tpu.vector_store %arg10[%swap3A_359, %swap3A_360], %select_n3A_357 {strides = array<i32>} : memref<2x128xi32, #tpu.memory_space<vmem>>, vector<16xi32>,
      %sub3A_362 = vector.broadcast %mul3A_2 : i32 to vector<16xi32>
      %sub3A_363 = arith.subi %get3A_341, %sub3A_362 : vector<16xi32>
      tpu.vector_store_idx %arg12[%sub3A_363], %broadcast_in_dim3A_5 masked %and3A_352 {add = true} : memref<320xf32, #tpu.memory_space<vmem>>[vector<16xi32>], vector<16xf32>, vector<16xi1>
      %get3A_364 = arith.constant 112 : index
      %get3A_365 = tpu.vector_load %arg8[%get3A_364] {strides = array<i32>} : memref<272xi32, #tpu.memory_space<vmem>>, vector<16xi32>,
      %add3A_366 = arith.constant 0 : i32
      %add3A_367 = arith.addi %min3A_188, %add3A_366 : i32
      %add3A_368 = arith.constant 112 : i32
      %add3A_369 = arith.addi %add3A_367, %add3A_368 : i32
      %add3A_370 = vector.broadcast %add3A_369 : i32 to vector<16xi32>
      %add3A_371 = arith.addi %add3A_370, %iota3A : vector<16xi32>
      %ge3A_372 = vector.broadcast %max3A : i32 to vector<16xi32>
      %ge3A_373 = arith.cmpi sge, %add3A_371, %ge3A_372 : vector<16xi32>
      %lt3A_374 = vector.broadcast %min3A_197 : i32 to vector<16xi32>
      %lt3A_375 = arith.cmpi slt, %add3A_371, %lt3A_374 : vector<16xi32>
      %and3A_376 = arith.andi %ge3A_373, %lt3A_375 : vector<16xi1>
      %sub3A_377 = vector.broadcast %mul3A_4 : i32 to vector<16xi32>
      %sub3A_378 = arith.subi %get3A_365, %sub3A_377 : vector<16xi32>
      %jit3A_379 = arith.constant 5120 : i32
      %broadcast_in_dim3A_380 = vector.broadcast %jit3A_379 : i32 to vector<16xi32>
      %select_n3A_381 = arith.select %and3A_376, %sub3A_378, %broadcast_in_dim3A_380 : vector<16xi1>, vector<16xi32>
      %swap3A_382 = arith.constant 0 : i32
      %swap3A_383 = arith.index_cast %swap3A_382 : i32 to index
      %swap3A_384 = arith.constant 112 : index
      %swap3A_385 = tpu.vector_load %arg10[%swap3A_383, %swap3A_384] {strides = array<i32>} : memref<2x128xi32, #tpu.memory_space<vmem>>, vector<16xi32>,
      tpu.vector_store %arg10[%swap3A_383, %swap3A_384], %select_n3A_381 {strides = array<i32>} : memref<2x128xi32, #tpu.memory_space<vmem>>, vector<16xi32>,
      %sub3A_386 = vector.broadcast %mul3A_2 : i32 to vector<16xi32>
      %sub3A_387 = arith.subi %get3A_365, %sub3A_386 : vector<16xi32>
      tpu.vector_store_idx %arg12[%sub3A_387], %broadcast_in_dim3A_5 masked %and3A_376 {add = true} : memref<320xf32, #tpu.memory_space<vmem>>[vector<16xi32>], vector<16xf32>, vector<16xi1>
      %get3A_388 = arith.constant 128 : index
      %get3A_389 = tpu.vector_load %arg8[%get3A_388] {strides = array<i32>} : memref<272xi32, #tpu.memory_space<vmem>>, vector<16xi32>,
      %add3A_390 = arith.constant 128 : i32
      %add3A_391 = arith.addi %min3A_188, %add3A_390 : i32
      %add3A_392 = arith.constant 0 : i32
      %add3A_393 = arith.addi %add3A_391, %add3A_392 : i32
      %add3A_394 = vector.broadcast %add3A_393 : i32 to vector<16xi32>
      %add3A_395 = arith.addi %add3A_394, %iota3A : vector<16xi32>
      %ge3A_396 = vector.broadcast %max3A : i32 to vector<16xi32>
      %ge3A_397 = arith.cmpi sge, %add3A_395, %ge3A_396 : vector<16xi32>
      %lt3A_398 = vector.broadcast %min3A_197 : i32 to vector<16xi32>
      %lt3A_399 = arith.cmpi slt, %add3A_395, %lt3A_398 : vector<16xi32>
      %and3A_400 = arith.andi %ge3A_397, %lt3A_399 : vector<16xi1>
      %sub3A_401 = vector.broadcast %mul3A_4 : i32 to vector<16xi32>
      %sub3A_402 = arith.subi %get3A_389, %sub3A_401 : vector<16xi32>
      %jit3A_403 = arith.constant 5120 : i32
      %broadcast_in_dim3A_404 = vector.broadcast %jit3A_403 : i32 to vector<16xi32>
      %select_n3A_405 = arith.select %and3A_400, %sub3A_402, %broadcast_in_dim3A_404 : vector<16xi1>, vector<16xi32>
      %swap3A_406 = arith.constant 1 : i32
      %swap3A_407 = arith.index_cast %swap3A_406 : i32 to index
      %swap3A_408 = arith.constant 0 : index
      %swap3A_409 = tpu.vector_load %arg10[%swap3A_407, %swap3A_408] {strides = array<i32>} : memref<2x128xi32, #tpu.memory_space<vmem>>, vector<16xi32>,
      tpu.vector_store %arg10[%swap3A_407, %swap3A_408], %select_n3A_405 {strides = array<i32>} : memref<2x128xi32, #tpu.memory_space<vmem>>, vector<16xi32>,
      %sub3A_410 = vector.broadcast %mul3A_2 : i32 to vector<16xi32>
      %sub3A_411 = arith.subi %get3A_389, %sub3A_410 : vector<16xi32>
      tpu.vector_store_idx %arg12[%sub3A_411], %broadcast_in_dim3A_5 masked %and3A_400 {add = true} : memref<320xf32, #tpu.memory_space<vmem>>[vector<16xi32>], vector<16xf32>, vector<16xi1>
      %get3A_412 = arith.constant 144 : index
      %get3A_413 = tpu.vector_load %arg8[%get3A_412] {strides = array<i32>} : memref<272xi32, #tpu.memory_space<vmem>>, vector<16xi32>,
      %add3A_414 = arith.constant 128 : i32
      %add3A_415 = arith.addi %min3A_188, %add3A_414 : i32
      %add3A_416 = arith.constant 16 : i32
      %add3A_417 = arith.addi %add3A_415, %add3A_416 : i32
      %add3A_418 = vector.broadcast %add3A_417 : i32 to vector<16xi32>
      %add3A_419 = arith.addi %add3A_418, %iota3A : vector<16xi32>
      %ge3A_420 = vector.broadcast %max3A : i32 to vector<16xi32>
      %ge3A_421 = arith.cmpi sge, %add3A_419, %ge3A_420 : vector<16xi32>
      %lt3A_422 = vector.broadcast %min3A_197 : i32 to vector<16xi32>
      %lt3A_423 = arith.cmpi slt, %add3A_419, %lt3A_422 : vector<16xi32>
      %and3A_424 = arith.andi %ge3A_421, %lt3A_423 : vector<16xi1>
      %sub3A_425 = vector.broadcast %mul3A_4 : i32 to vector<16xi32>
      %sub3A_426 = arith.subi %get3A_413, %sub3A_425 : vector<16xi32>
      %jit3A_427 = arith.constant 5120 : i32
      %broadcast_in_dim3A_428 = vector.broadcast %jit3A_427 : i32 to vector<16xi32>
      %select_n3A_429 = arith.select %and3A_424, %sub3A_426, %broadcast_in_dim3A_428 : vector<16xi1>, vector<16xi32>
      %swap3A_430 = arith.constant 1 : i32
      %swap3A_431 = arith.index_cast %swap3A_430 : i32 to index
      %swap3A_432 = arith.constant 16 : index
      %swap3A_433 = tpu.vector_load %arg10[%swap3A_431, %swap3A_432] {strides = array<i32>} : memref<2x128xi32, #tpu.memory_space<vmem>>, vector<16xi32>,
      tpu.vector_store %arg10[%swap3A_431, %swap3A_432], %select_n3A_429 {strides = array<i32>} : memref<2x128xi32, #tpu.memory_space<vmem>>, vector<16xi32>,
      %sub3A_434 = vector.broadcast %mul3A_2 : i32 to vector<16xi32>
      %sub3A_435 = arith.subi %get3A_413, %sub3A_434 : vector<16xi32>
      tpu.vector_store_idx %arg12[%sub3A_435], %broadcast_in_dim3A_5 masked %and3A_424 {add = true} : memref<320xf32, #tpu.memory_space<vmem>>[vector<16xi32>], vector<16xf32>, vector<16xi1>
      %get3A_436 = arith.constant 160 : index
      %get3A_437 = tpu.vector_load %arg8[%get3A_436] {strides = array<i32>} : memref<272xi32, #tpu.memory_space<vmem>>, vector<16xi32>,
      %add3A_438 = arith.constant 128 : i32
      %add3A_439 = arith.addi %min3A_188, %add3A_438 : i32
      %add3A_440 = arith.constant 32 : i32
      %add3A_441 = arith.addi %add3A_439, %add3A_440 : i32
      %add3A_442 = vector.broadcast %add3A_441 : i32 to vector<16xi32>
      %add3A_443 = arith.addi %add3A_442, %iota3A : vector<16xi32>
      %ge3A_444 = vector.broadcast %max3A : i32 to vector<16xi32>
      %ge3A_445 = arith.cmpi sge, %add3A_443, %ge3A_444 : vector<16xi32>
      %lt3A_446 = vector.broadcast %min3A_197 : i32 to vector<16xi32>
      %lt3A_447 = arith.cmpi slt, %add3A_443, %lt3A_446 : vector<16xi32>
      %and3A_448 = arith.andi %ge3A_445, %lt3A_447 : vector<16xi1>
      %sub3A_449 = vector.broadcast %mul3A_4 : i32 to vector<16xi32>
      %sub3A_450 = arith.subi %get3A_437, %sub3A_449 : vector<16xi32>
      %jit3A_451 = arith.constant 5120 : i32
      %broadcast_in_dim3A_452 = vector.broadcast %jit3A_451 : i32 to vector<16xi32>
      %select_n3A_453 = arith.select %and3A_448, %sub3A_450, %broadcast_in_dim3A_452 : vector<16xi1>, vector<16xi32>
      %swap3A_454 = arith.constant 1 : i32
      %swap3A_455 = arith.index_cast %swap3A_454 : i32 to index
      %swap3A_456 = arith.constant 32 : index
      %swap3A_457 = tpu.vector_load %arg10[%swap3A_455, %swap3A_456] {strides = array<i32>} : memref<2x128xi32, #tpu.memory_space<vmem>>, vector<16xi32>,
      tpu.vector_store %arg10[%swap3A_455, %swap3A_456], %select_n3A_453 {strides = array<i32>} : memref<2x128xi32, #tpu.memory_space<vmem>>, vector<16xi32>,
      %sub3A_458 = vector.broadcast %mul3A_2 : i32 to vector<16xi32>
      %sub3A_459 = arith.subi %get3A_437, %sub3A_458 : vector<16xi32>
      tpu.vector_store_idx %arg12[%sub3A_459], %broadcast_in_dim3A_5 masked %and3A_448 {add = true} : memref<320xf32, #tpu.memory_space<vmem>>[vector<16xi32>], vector<16xf32>, vector<16xi1>
      %get3A_460 = arith.constant 176 : index
      %get3A_461 = tpu.vector_load %arg8[%get3A_460] {strides = array<i32>} : memref<272xi32, #tpu.memory_space<vmem>>, vector<16xi32>,
      %add3A_462 = arith.constant 128 : i32
      %add3A_463 = arith.addi %min3A_188, %add3A_462 : i32
      %add3A_464 = arith.constant 48 : i32
      %add3A_465 = arith.addi %add3A_463, %add3A_464 : i32
      %add3A_466 = vector.broadcast %add3A_465 : i32 to vector<16xi32>
      %add3A_467 = arith.addi %add3A_466, %iota3A : vector<16xi32>
      %ge3A_468 = vector.broadcast %max3A : i32 to vector<16xi32>
      %ge3A_469 = arith.cmpi sge, %add3A_467, %ge3A_468 : vector<16xi32>
      %lt3A_470 = vector.broadcast %min3A_197 : i32 to vector<16xi32>
      %lt3A_471 = arith.cmpi slt, %add3A_467, %lt3A_470 : vector<16xi32>
      %and3A_472 = arith.andi %ge3A_469, %lt3A_471 : vector<16xi1>
      %sub3A_473 = vector.broadcast %mul3A_4 : i32 to vector<16xi32>
      %sub3A_474 = arith.subi %get3A_461, %sub3A_473 : vector<16xi32>
      %jit3A_475 = arith.constant 5120 : i32
      %broadcast_in_dim3A_476 = vector.broadcast %jit3A_475 : i32 to vector<16xi32>
      %select_n3A_477 = arith.select %and3A_472, %sub3A_474, %broadcast_in_dim3A_476 : vector<16xi1>, vector<16xi32>
      %swap3A_478 = arith.constant 1 : i32
      %swap3A_479 = arith.index_cast %swap3A_478 : i32 to index
      %swap3A_480 = arith.constant 48 : index
      %swap3A_481 = tpu.vector_load %arg10[%swap3A_479, %swap3A_480] {strides = array<i32>} : memref<2x128xi32, #tpu.memory_space<vmem>>, vector<16xi32>,
      tpu.vector_store %arg10[%swap3A_479, %swap3A_480], %select_n3A_477 {strides = array<i32>} : memref<2x128xi32, #tpu.memory_space<vmem>>, vector<16xi32>,
      %sub3A_482 = vector.broadcast %mul3A_2 : i32 to vector<16xi32>
      %sub3A_483 = arith.subi %get3A_461, %sub3A_482 : vector<16xi32>
      tpu.vector_store_idx %arg12[%sub3A_483], %broadcast_in_dim3A_5 masked %and3A_472 {add = true} : memref<320xf32, #tpu.memory_space<vmem>>[vector<16xi32>], vector<16xf32>, vector<16xi1>
      %get3A_484 = arith.constant 192 : index
      %get3A_485 = tpu.vector_load %arg8[%get3A_484] {strides = array<i32>} : memref<272xi32, #tpu.memory_space<vmem>>, vector<16xi32>,
      %add3A_486 = arith.constant 128 : i32
      %add3A_487 = arith.addi %min3A_188, %add3A_486 : i32
      %add3A_488 = arith.constant 64 : i32
      %add3A_489 = arith.addi %add3A_487, %add3A_488 : i32
      %add3A_490 = vector.broadcast %add3A_489 : i32 to vector<16xi32>
      %add3A_491 = arith.addi %add3A_490, %iota3A : vector<16xi32>
      %ge3A_492 = vector.broadcast %max3A : i32 to vector<16xi32>
      %ge3A_493 = arith.cmpi sge, %add3A_491, %ge3A_492 : vector<16xi32>
      %lt3A_494 = vector.broadcast %min3A_197 : i32 to vector<16xi32>
      %lt3A_495 = arith.cmpi slt, %add3A_491, %lt3A_494 : vector<16xi32>
      %and3A_496 = arith.andi %ge3A_493, %lt3A_495 : vector<16xi1>
      %sub3A_497 = vector.broadcast %mul3A_4 : i32 to vector<16xi32>
      %sub3A_498 = arith.subi %get3A_485, %sub3A_497 : vector<16xi32>
      %jit3A_499 = arith.constant 5120 : i32
      %broadcast_in_dim3A_500 = vector.broadcast %jit3A_499 : i32 to vector<16xi32>
      %select_n3A_501 = arith.select %and3A_496, %sub3A_498, %broadcast_in_dim3A_500 : vector<16xi1>, vector<16xi32>
      %swap3A_502 = arith.constant 1 : i32
      %swap3A_503 = arith.index_cast %swap3A_502 : i32 to index
      %swap3A_504 = arith.constant 64 : index
      %swap3A_505 = tpu.vector_load %arg10[%swap3A_503, %swap3A_504] {strides = array<i32>} : memref<2x128xi32, #tpu.memory_space<vmem>>, vector<16xi32>,
      tpu.vector_store %arg10[%swap3A_503, %swap3A_504], %select_n3A_501 {strides = array<i32>} : memref<2x128xi32, #tpu.memory_space<vmem>>, vector<16xi32>,
      %sub3A_506 = vector.broadcast %mul3A_2 : i32 to vector<16xi32>
      %sub3A_507 = arith.subi %get3A_485, %sub3A_506 : vector<16xi32>
      tpu.vector_store_idx %arg12[%sub3A_507], %broadcast_in_dim3A_5 masked %and3A_496 {add = true} : memref<320xf32, #tpu.memory_space<vmem>>[vector<16xi32>], vector<16xf32>, vector<16xi1>
      %get3A_508 = arith.constant 208 : index
      %get3A_509 = tpu.vector_load %arg8[%get3A_508] {strides = array<i32>} : memref<272xi32, #tpu.memory_space<vmem>>, vector<16xi32>,
      %add3A_510 = arith.constant 128 : i32
      %add3A_511 = arith.addi %min3A_188, %add3A_510 : i32
      %add3A_512 = arith.constant 80 : i32
      %add3A_513 = arith.addi %add3A_511, %add3A_512 : i32
      %add3A_514 = vector.broadcast %add3A_513 : i32 to vector<16xi32>
      %add3A_515 = arith.addi %add3A_514, %iota3A : vector<16xi32>
      %ge3A_516 = vector.broadcast %max3A : i32 to vector<16xi32>
      %ge3A_517 = arith.cmpi sge, %add3A_515, %ge3A_516 : vector<16xi32>
      %lt3A_518 = vector.broadcast %min3A_197 : i32 to vector<16xi32>
      %lt3A_519 = arith.cmpi slt, %add3A_515, %lt3A_518 : vector<16xi32>
      %and3A_520 = arith.andi %ge3A_517, %lt3A_519 : vector<16xi1>
      %sub3A_521 = vector.broadcast %mul3A_4 : i32 to vector<16xi32>
      %sub3A_522 = arith.subi %get3A_509, %sub3A_521 : vector<16xi32>
      %jit3A_523 = arith.constant 5120 : i32
      %broadcast_in_dim3A_524 = vector.broadcast %jit3A_523 : i32 to vector<16xi32>
      %select_n3A_525 = arith.select %and3A_520, %sub3A_522, %broadcast_in_dim3A_524 : vector<16xi1>, vector<16xi32>
      %swap3A_526 = arith.constant 1 : i32
      %swap3A_527 = arith.index_cast %swap3A_526 : i32 to index
      %swap3A_528 = arith.constant 80 : index
      %swap3A_529 = tpu.vector_load %arg10[%swap3A_527, %swap3A_528] {strides = array<i32>} : memref<2x128xi32, #tpu.memory_space<vmem>>, vector<16xi32>,
      tpu.vector_store %arg10[%swap3A_527, %swap3A_528], %select_n3A_525 {strides = array<i32>} : memref<2x128xi32, #tpu.memory_space<vmem>>, vector<16xi32>,
      %sub3A_530 = vector.broadcast %mul3A_2 : i32 to vector<16xi32>
      %sub3A_531 = arith.subi %get3A_509, %sub3A_530 : vector<16xi32>
      tpu.vector_store_idx %arg12[%sub3A_531], %broadcast_in_dim3A_5 masked %and3A_520 {add = true} : memref<320xf32, #tpu.memory_space<vmem>>[vector<16xi32>], vector<16xf32>, vector<16xi1>
      %get3A_532 = arith.constant 224 : index
      %get3A_533 = tpu.vector_load %arg8[%get3A_532] {strides = array<i32>} : memref<272xi32, #tpu.memory_space<vmem>>, vector<16xi32>,
      %add3A_534 = arith.constant 128 : i32
      %add3A_535 = arith.addi %min3A_188, %add3A_534 : i32
      %add3A_536 = arith.constant 96 : i32
      %add3A_537 = arith.addi %add3A_535, %add3A_536 : i32
      %add3A_538 = vector.broadcast %add3A_537 : i32 to vector<16xi32>
      %add3A_539 = arith.addi %add3A_538, %iota3A : vector<16xi32>
      %ge3A_540 = vector.broadcast %max3A : i32 to vector<16xi32>
      %ge3A_541 = arith.cmpi sge, %add3A_539, %ge3A_540 : vector<16xi32>
      %lt3A_542 = vector.broadcast %min3A_197 : i32 to vector<16xi32>
      %lt3A_543 = arith.cmpi slt, %add3A_539, %lt3A_542 : vector<16xi32>
      %and3A_544 = arith.andi %ge3A_541, %lt3A_543 : vector<16xi1>
      %sub3A_545 = vector.broadcast %mul3A_4 : i32 to vector<16xi32>
      %sub3A_546 = arith.subi %get3A_533, %sub3A_545 : vector<16xi32>
      %jit3A_547 = arith.constant 5120 : i32
      %broadcast_in_dim3A_548 = vector.broadcast %jit3A_547 : i32 to vector<16xi32>
      %select_n3A_549 = arith.select %and3A_544, %sub3A_546, %broadcast_in_dim3A_548 : vector<16xi1>, vector<16xi32>
      %swap3A_550 = arith.constant 1 : i32
      %swap3A_551 = arith.index_cast %swap3A_550 : i32 to index
      %swap3A_552 = arith.constant 96 : index
      %swap3A_553 = tpu.vector_load %arg10[%swap3A_551, %swap3A_552] {strides = array<i32>} : memref<2x128xi32, #tpu.memory_space<vmem>>, vector<16xi32>,
      tpu.vector_store %arg10[%swap3A_551, %swap3A_552], %select_n3A_549 {strides = array<i32>} : memref<2x128xi32, #tpu.memory_space<vmem>>, vector<16xi32>,
      %sub3A_554 = vector.broadcast %mul3A_2 : i32 to vector<16xi32>
      %sub3A_555 = arith.subi %get3A_533, %sub3A_554 : vector<16xi32>
      tpu.vector_store_idx %arg12[%sub3A_555], %broadcast_in_dim3A_5 masked %and3A_544 {add = true} : memref<320xf32, #tpu.memory_space<vmem>>[vector<16xi32>], vector<16xf32>, vector<16xi1>
      %get3A_556 = arith.constant 240 : index
      %get3A_557 = tpu.vector_load %arg8[%get3A_556] {strides = array<i32>} : memref<272xi32, #tpu.memory_space<vmem>>, vector<16xi32>,
      %add3A_558 = arith.constant 128 : i32
      %add3A_559 = arith.addi %min3A_188, %add3A_558 : i32
      %add3A_560 = arith.constant 112 : i32
      %add3A_561 = arith.addi %add3A_559, %add3A_560 : i32
      %add3A_562 = vector.broadcast %add3A_561 : i32 to vector<16xi32>
      %add3A_563 = arith.addi %add3A_562, %iota3A : vector<16xi32>
      %ge3A_564 = vector.broadcast %max3A : i32 to vector<16xi32>
      %ge3A_565 = arith.cmpi sge, %add3A_563, %ge3A_564 : vector<16xi32>
      %lt3A_566 = vector.broadcast %min3A_197 : i32 to vector<16xi32>
      %lt3A_567 = arith.cmpi slt, %add3A_563, %lt3A_566 : vector<16xi32>
      %and3A_568 = arith.andi %ge3A_565, %lt3A_567 : vector<16xi1>
      %sub3A_569 = vector.broadcast %mul3A_4 : i32 to vector<16xi32>
      %sub3A_570 = arith.subi %get3A_557, %sub3A_569 : vector<16xi32>
      %jit3A_571 = arith.constant 5120 : i32
      %broadcast_in_dim3A_572 = vector.broadcast %jit3A_571 : i32 to vector<16xi32>
      %select_n3A_573 = arith.select %and3A_568, %sub3A_570, %broadcast_in_dim3A_572 : vector<16xi1>, vector<16xi32>
      %swap3A_574 = arith.constant 1 : i32
      %swap3A_575 = arith.index_cast %swap3A_574 : i32 to index
      %swap3A_576 = arith.constant 112 : index
      %swap3A_577 = tpu.vector_load %arg10[%swap3A_575, %swap3A_576] {strides = array<i32>} : memref<2x128xi32, #tpu.memory_space<vmem>>, vector<16xi32>,
      tpu.vector_store %arg10[%swap3A_575, %swap3A_576], %select_n3A_573 {strides = array<i32>} : memref<2x128xi32, #tpu.memory_space<vmem>>, vector<16xi32>,
      %sub3A_578 = vector.broadcast %mul3A_2 : i32 to vector<16xi32>
      %sub3A_579 = arith.subi %get3A_557, %sub3A_578 : vector<16xi32>
      tpu.vector_store_idx %arg12[%sub3A_579], %broadcast_in_dim3A_5 masked %and3A_568 {add = true} : memref<320xf32, #tpu.memory_space<vmem>>[vector<16xi32>], vector<16xf32>, vector<16xi1>
      %run_scoped3A = arith.constant 0 : i32
      "tpu.region"() ({
        %run_scoped3A_586 = tpu.sem_alloc : memref<!tpu.dma_semaphore, #tpu.memory_space<semaphore_mem>>
        %dma_start3A = arith.constant 0 : i32
        %dma_start3A_587 = arith.constant 0 : i32
        %dma_start3A_588 = tpu.memref_slice %arg6[%dma_start3A, %dma_start3A_587] : memref<256x128xf32, #tpu.memory_space<vmem>> -> memref<128x128xf32, #tpu.memory_space<vmem>>
        %dma_start3A_589 = arith.constant 0 : i32
        %dma_start3A_590 = tpu.memref_slice %arg10[%run_scoped3A, %dma_start3A_589] : memref<2x128xi32, #tpu.memory_space<vmem>> -> memref<1x128xi32, #tpu.memory_space<vmem>>
        %dma_start3A_591 = tpu.memref_squeeze %dma_start3A_590 : memref<1x128xi32, #tpu.memory_space<vmem>> -> memref<128xi32, #tpu.memory_space<vmem>>
        %dma_start3A_592 = arith.constant 0 : i32
        %dma_start3A_593 = arith.constant 0 : i32
        %dma_start3A_594 = tpu.memref_slice %arg14[%dma_start3A_592, %dma_start3A_593] : memref<5248x128xf32, #tpu.memory_space<vmem_shared>> -> memref<5248x128xf32, #tpu.memory_space<vmem_shared>>
        tpu.enqueue_indirect_dma source(%dma_start3A_588 : memref<128x128xf32, #tpu.memory_space<vmem>>) target(%dma_start3A_594 : memref<5248x128xf32, #tpu.memory_space<vmem_shared>>) offsets(%dma_start3A_591 : memref<128xi32, #tpu.memory_space<vmem>>) semaphore(%run_scoped3A_586 : memref<!tpu.dma_semaphore, #tpu.memory_space<semaphore_mem>>) {add = true}
        %dma_wait3A_595 = arith.constant 0 : i32
        %dma_wait3A_596 = arith.constant 0 : i32
        %dma_wait3A_597 = tpu.memref_slice %arg6[%dma_wait3A_595, %dma_wait3A_596] : memref<256x128xf32, #tpu.memory_space<vmem>> -> memref<128x128xf32, #tpu.memory_space<vmem>>
        %dma_wait3A_598 = arith.constant 0 : i32
        %dma_wait3A_599 = tpu.memref_slice %arg10[%run_scoped3A, %dma_wait3A_598] : memref<2x128xi32, #tpu.memory_space<vmem>> -> memref<1x128xi32, #tpu.memory_space<vmem>>
        %dma_wait3A_600 = tpu.memref_squeeze %dma_wait3A_599 : memref<1x128xi32, #tpu.memory_space<vmem>> -> memref<128xi32, #tpu.memory_space<vmem>>
        %dma_wait3A_601 = arith.constant 0 : i32
        %dma_wait3A_602 = arith.constant 0 : i32
        %dma_wait3A_603 = tpu.memref_slice %arg14[%dma_wait3A_601, %dma_wait3A_602] : memref<5248x128xf32, #tpu.memory_space<vmem_shared>> -> memref<5248x128xf32, #tpu.memory_space<vmem_shared>>
        tpu.wait_indirect_dma semaphore(%run_scoped3A_586 : memref<!tpu.dma_semaphore, #tpu.memory_space<semaphore_mem>>) src(%dma_wait3A_597 : memref<128x128xf32, #tpu.memory_space<vmem>>) dst(%dma_wait3A_603 : memref<5248x128xf32, #tpu.memory_space<vmem_shared>>)
        tpu.yield
      }) : () -> ()
      %run_scoped3A_580 = arith.constant 1 : i32
      "tpu.region"() ({
        %run_scoped3A_586 = tpu.sem_alloc : memref<!tpu.dma_semaphore, #tpu.memory_space<semaphore_mem>>
        %dma_start3A = arith.constant 128 : i32
        %dma_start3A_587 = arith.constant 0 : i32
        %dma_start3A_588 = tpu.memref_slice %arg6[%dma_start3A, %dma_start3A_587] : memref<256x128xf32, #tpu.memory_space<vmem>> -> memref<128x128xf32, #tpu.memory_space<vmem>>
        %dma_start3A_589 = arith.constant 0 : i32
        %dma_start3A_590 = tpu.memref_slice %arg10[%run_scoped3A_580, %dma_start3A_589] : memref<2x128xi32, #tpu.memory_space<vmem>> -> memref<1x128xi32, #tpu.memory_space<vmem>>
        %dma_start3A_591 = tpu.memref_squeeze %dma_start3A_590 : memref<1x128xi32, #tpu.memory_space<vmem>> -> memref<128xi32, #tpu.memory_space<vmem>>
        %dma_start3A_592 = arith.constant 0 : i32
        %dma_start3A_593 = arith.constant 0 : i32
        %dma_start3A_594 = tpu.memref_slice %arg14[%dma_start3A_592, %dma_start3A_593] : memref<5248x128xf32, #tpu.memory_space<vmem_shared>> -> memref<5248x128xf32, #tpu.memory_space<vmem_shared>>
        tpu.enqueue_indirect_dma source(%dma_start3A_588 : memref<128x128xf32, #tpu.memory_space<vmem>>) target(%dma_start3A_594 : memref<5248x128xf32, #tpu.memory_space<vmem_shared>>) offsets(%dma_start3A_591 : memref<128xi32, #tpu.memory_space<vmem>>) semaphore(%run_scoped3A_586 : memref<!tpu.dma_semaphore, #tpu.memory_space<semaphore_mem>>) {add = true}
        %dma_wait3A_595 = arith.constant 128 : i32
        %dma_wait3A_596 = arith.constant 0 : i32
        %dma_wait3A_597 = tpu.memref_slice %arg6[%dma_wait3A_595, %dma_wait3A_596] : memref<256x128xf32, #tpu.memory_space<vmem>> -> memref<128x128xf32, #tpu.memory_space<vmem>>
        %dma_wait3A_598 = arith.constant 0 : i32
        %dma_wait3A_599 = tpu.memref_slice %arg10[%run_scoped3A_580, %dma_wait3A_598] : memref<2x128xi32, #tpu.memory_space<vmem>> -> memref<1x128xi32, #tpu.memory_space<vmem>>
        %dma_wait3A_600 = tpu.memref_squeeze %dma_wait3A_599 : memref<1x128xi32, #tpu.memory_space<vmem>> -> memref<128xi32, #tpu.memory_space<vmem>>
        %dma_wait3A_601 = arith.constant 0 : i32
        %dma_wait3A_602 = arith.constant 0 : i32
        %dma_wait3A_603 = tpu.memref_slice %arg14[%dma_wait3A_601, %dma_wait3A_602] : memref<5248x128xf32, #tpu.memory_space<vmem_shared>> -> memref<5248x128xf32, #tpu.memory_space<vmem_shared>>
        tpu.wait_indirect_dma semaphore(%run_scoped3A_586 : memref<!tpu.dma_semaphore, #tpu.memory_space<semaphore_mem>>) src(%dma_wait3A_597 : memref<128x128xf32, #tpu.memory_space<vmem>>) dst(%dma_wait3A_603 : memref<5248x128xf32, #tpu.memory_space<vmem_shared>>)
        tpu.yield
      }) : () -> ()
      %lt3A_581 = arith.cmpi slt, %add3A_167, %select_n3A_76 : i32
      %convert_element_type3A_582 = arith.extui %lt3A_581 : i1 to i32
      %cond3A_583 = arith.constant 0 : i32
      %cond3A_584 = arith.cmpi ne, %convert_element_type3A_582, %cond3A_583 : i32
      scf.if %cond3A_584 {
        %add3A_586 = arith.constant 0 : i32
        %add3A_587 = arith.addi %mul3A_47, %add3A_586 : i32
        %min3A_588 = arith.constant 319744 : i32
        %min3A_589 = arith.minsi %add3A_587, %min3A_588 : i32
        %dma_wait3A_590 = arith.constant 0 : i32
        %dma_wait3A_591 = tpu.memref_slice %arg2[%min3A_589, %dma_wait3A_590] : memref<320000x128xf32, #tpu.memory_space<hbm>> -> memref<256x128xf32, #tpu.memory_space<hbm>>
        %dma_wait3A_592 = arith.constant 0 : i32
        %dma_wait3A_593 = tpu.memref_slice %arg2[%min3A_589, %dma_wait3A_592] : memref<320000x128xf32, #tpu.memory_space<hbm>> -> memref<256x128xf32, #tpu.memory_space<hbm>>
        tpu.wait_dma2 semaphore(%arg16 : memref<!tpu.dma_semaphore, #tpu.memory_space<semaphore_mem>>) src(%dma_wait3A_593 : memref<256x128xf32, #tpu.memory_space<hbm>>) dst(%arg7 : memref<256x128xf32, #tpu.memory_space<vmem>>)
        %dma_wait3A_594 = arith.constant 0 : i32
        %dma_wait3A_595 = tpu.memref_slice %arg9[%dma_wait3A_594] : memref<272xi32, #tpu.memory_space<vmem>> -> memref<256xi32, #tpu.memory_space<vmem>>
        %dma_wait3A_596 = tpu.memref_slice %arg4[%min3A_589] : memref<320000xi32, #tpu.memory_space<hbm>> -> memref<256xi32, #tpu.memory_space<hbm>>
        %dma_wait3A_597 = arith.constant 0 : i32
        %dma_wait3A_598 = tpu.memref_slice %arg9[%dma_wait3A_597] : memref<272xi32, #tpu.memory_space<vmem>> -> memref<256xi32, #tpu.memory_space<vmem>>
        %dma_wait3A_599 = tpu.memref_slice %arg4[%min3A_589] : memref<320000xi32, #tpu.memory_space<hbm>> -> memref<256xi32, #tpu.memory_space<hbm>>
        tpu.wait_dma2 semaphore(%arg16 : memref<!tpu.dma_semaphore, #tpu.memory_space<semaphore_mem>>) src(%dma_wait3A_599 : memref<256xi32, #tpu.memory_space<hbm>>) dst(%dma_wait3A_598 : memref<256xi32, #tpu.memory_space<vmem>>)
        %add3A_600 = arith.constant 1 : i32
        %add3A_601 = arith.addi %add3A_167, %add3A_600 : i32
        %lt3A_602 = arith.cmpi slt, %add3A_601, %select_n3A_76 : i32
        %convert_element_type3A_603 = arith.extui %lt3A_602 : i1 to i32
        %cond3A_604 = arith.constant 0 : i32
        %cond3A_605 = arith.cmpi ne, %convert_element_type3A_603, %cond3A_604 : i32
        scf.if %cond3A_605 {
          %add3A_1007 = arith.constant 1 : i32
          %add3A_1008 = arith.addi %add3A_167, %add3A_1007 : i32
          %mul3A_1009 = arith.constant 256 : i32
          %mul3A_1010 = arith.muli %add3A_1008, %mul3A_1009 : i32
          %add3A_1011 = arith.addi %mul3A_47, %mul3A_1010 : i32
          %min3A_1012 = arith.constant 319744 : i32
          %min3A_1013 = arith.minsi %add3A_1011, %min3A_1012 : i32
          %dma_start3A = arith.constant 0 : i32
          %dma_start3A_1014 = tpu.memref_slice %arg2[%min3A_1013, %dma_start3A] : memref<320000x128xf32, #tpu.memory_space<hbm>> -> memref<256x128xf32, #tpu.memory_space<hbm>>
          %dma_start3A_1015 = arith.constant 0 : i32
          %dma_start3A_1016 = tpu.memref_slice %arg2[%min3A_1013, %dma_start3A_1015] : memref<320000x128xf32, #tpu.memory_space<hbm>> -> memref<256x128xf32, #tpu.memory_space<hbm>>
          tpu.enqueue_dma source(%dma_start3A_1016 : memref<256x128xf32, #tpu.memory_space<hbm>>) target(%arg6 : memref<256x128xf32, #tpu.memory_space<vmem>>) target_semaphore(%arg15 : memref<!tpu.dma_semaphore, #tpu.memory_space<semaphore_mem>>)
          %dma_start3A_1017 = arith.constant 0 : i32
          %dma_start3A_1018 = tpu.memref_slice %arg8[%dma_start3A_1017] : memref<272xi32, #tpu.memory_space<vmem>> -> memref<256xi32, #tpu.memory_space<vmem>>
          %dma_start3A_1019 = tpu.memref_slice %arg4[%min3A_1013] : memref<320000xi32, #tpu.memory_space<hbm>> -> memref<256xi32, #tpu.memory_space<hbm>>
          %dma_start3A_1020 = arith.constant 0 : i32
          %dma_start3A_1021 = tpu.memref_slice %arg8[%dma_start3A_1020] : memref<272xi32, #tpu.memory_space<vmem>> -> memref<256xi32, #tpu.memory_space<vmem>>
          %dma_start3A_1022 = tpu.memref_slice %arg4[%min3A_1013] : memref<320000xi32, #tpu.memory_space<hbm>> -> memref<256xi32, #tpu.memory_space<hbm>>
          tpu.enqueue_dma source(%dma_start3A_1022 : memref<256xi32, #tpu.memory_space<hbm>>) target(%dma_start3A_1021 : memref<256xi32, #tpu.memory_space<vmem>>) target_semaphore(%arg15 : memref<!tpu.dma_semaphore, #tpu.memory_space<semaphore_mem>>)
        } else {
        }
        %mul3A_606 = arith.constant 256 : i32
        %mul3A_607 = arith.muli %add3A_167, %mul3A_606 : i32
        %add3A_608 = arith.addi %mul3A_47, %mul3A_607 : i32
        %min3A_609 = arith.constant 319744 : i32
        %min3A_610 = arith.minsi %add3A_608, %min3A_609 : i32
        %mul3A_611 = arith.constant 256 : i32
        %mul3A_612 = arith.muli %add3A_167, %mul3A_611 : i32
        %add3A_613 = arith.addi %mul3A_47, %mul3A_612 : i32
        %max3A_614 = arith.maxsi %squeeze3A, %add3A_613 : i32
        %add3A_615 = arith.constant 1 : i32
        %add3A_616 = arith.addi %add3A_167, %add3A_615 : i32
        %mul3A_617 = arith.constant 256 : i32
        %mul3A_618 = arith.muli %add3A_616, %mul3A_617 : i32
        %add3A_619 = arith.addi %mul3A_47, %mul3A_618 : i32
        %min3A_620 = arith.minsi %add3A_619, %squeeze3A_8 : i32
        %get3A_621 = arith.constant 0 : index
        %get3A_622 = tpu.vector_load %arg9[%get3A_621] {strides = array<i32>} : memref<272xi32, #tpu.memory_space<vmem>>, vector<16xi32>,
        %add3A_623 = arith.constant 0 : i32
        %add3A_624 = arith.addi %min3A_610, %add3A_623 : i32
        %add3A_625 = arith.constant 0 : i32
        %add3A_626 = arith.addi %add3A_624, %add3A_625 : i32
        %add3A_627 = vector.broadcast %add3A_626 : i32 to vector<16xi32>
        %add3A_628 = arith.addi %add3A_627, %iota3A : vector<16xi32>
        %ge3A_629 = vector.broadcast %max3A_614 : i32 to vector<16xi32>
        %ge3A_630 = arith.cmpi sge, %add3A_628, %ge3A_629 : vector<16xi32>
        %lt3A_631 = vector.broadcast %min3A_620 : i32 to vector<16xi32>
        %lt3A_632 = arith.cmpi slt, %add3A_628, %lt3A_631 : vector<16xi32>
        %and3A_633 = arith.andi %ge3A_630, %lt3A_632 : vector<16xi1>
        %sub3A_634 = vector.broadcast %mul3A_4 : i32 to vector<16xi32>
        %sub3A_635 = arith.subi %get3A_622, %sub3A_634 : vector<16xi32>
        %jit3A_636 = arith.constant 5120 : i32
        %broadcast_in_dim3A_637 = vector.broadcast %jit3A_636 : i32 to vector<16xi32>
        %select_n3A_638 = arith.select %and3A_633, %sub3A_635, %broadcast_in_dim3A_637 : vector<16xi1>, vector<16xi32>
        %swap3A_639 = arith.constant 0 : i32
        %swap3A_640 = arith.index_cast %swap3A_639 : i32 to index
        %swap3A_641 = arith.constant 0 : index
        %swap3A_642 = tpu.vector_load %arg11[%swap3A_640, %swap3A_641] {strides = array<i32>} : memref<2x128xi32, #tpu.memory_space<vmem>>, vector<16xi32>,
        tpu.vector_store %arg11[%swap3A_640, %swap3A_641], %select_n3A_638 {strides = array<i32>} : memref<2x128xi32, #tpu.memory_space<vmem>>, vector<16xi32>,
        %sub3A_643 = vector.broadcast %mul3A_2 : i32 to vector<16xi32>
        %sub3A_644 = arith.subi %get3A_622, %sub3A_643 : vector<16xi32>
        tpu.vector_store_idx %arg12[%sub3A_644], %broadcast_in_dim3A_5 masked %and3A_633 {add = true} : memref<320xf32, #tpu.memory_space<vmem>>[vector<16xi32>], vector<16xf32>, vector<16xi1>
        %get3A_645 = arith.constant 16 : index
        %get3A_646 = tpu.vector_load %arg9[%get3A_645] {strides = array<i32>} : memref<272xi32, #tpu.memory_space<vmem>>, vector<16xi32>,
        %add3A_647 = arith.constant 0 : i32
        %add3A_648 = arith.addi %min3A_610, %add3A_647 : i32
        %add3A_649 = arith.constant 16 : i32
        %add3A_650 = arith.addi %add3A_648, %add3A_649 : i32
        %add3A_651 = vector.broadcast %add3A_650 : i32 to vector<16xi32>
        %add3A_652 = arith.addi %add3A_651, %iota3A : vector<16xi32>
        %ge3A_653 = vector.broadcast %max3A_614 : i32 to vector<16xi32>
        %ge3A_654 = arith.cmpi sge, %add3A_652, %ge3A_653 : vector<16xi32>
        %lt3A_655 = vector.broadcast %min3A_620 : i32 to vector<16xi32>
        %lt3A_656 = arith.cmpi slt, %add3A_652, %lt3A_655 : vector<16xi32>
        %and3A_657 = arith.andi %ge3A_654, %lt3A_656 : vector<16xi1>
        %sub3A_658 = vector.broadcast %mul3A_4 : i32 to vector<16xi32>
        %sub3A_659 = arith.subi %get3A_646, %sub3A_658 : vector<16xi32>
        %jit3A_660 = arith.constant 5120 : i32
        %broadcast_in_dim3A_661 = vector.broadcast %jit3A_660 : i32 to vector<16xi32>
        %select_n3A_662 = arith.select %and3A_657, %sub3A_659, %broadcast_in_dim3A_661 : vector<16xi1>, vector<16xi32>
        %swap3A_663 = arith.constant 0 : i32
        %swap3A_664 = arith.index_cast %swap3A_663 : i32 to index
        %swap3A_665 = arith.constant 16 : index
        %swap3A_666 = tpu.vector_load %arg11[%swap3A_664, %swap3A_665] {strides = array<i32>} : memref<2x128xi32, #tpu.memory_space<vmem>>, vector<16xi32>,
        tpu.vector_store %arg11[%swap3A_664, %swap3A_665], %select_n3A_662 {strides = array<i32>} : memref<2x128xi32, #tpu.memory_space<vmem>>, vector<16xi32>,
        %sub3A_667 = vector.broadcast %mul3A_2 : i32 to vector<16xi32>
        %sub3A_668 = arith.subi %get3A_646, %sub3A_667 : vector<16xi32>
        tpu.vector_store_idx %arg12[%sub3A_668], %broadcast_in_dim3A_5 masked %and3A_657 {add = true} : memref<320xf32, #tpu.memory_space<vmem>>[vector<16xi32>], vector<16xf32>, vector<16xi1>
        %get3A_669 = arith.constant 32 : index
        %get3A_670 = tpu.vector_load %arg9[%get3A_669] {strides = array<i32>} : memref<272xi32, #tpu.memory_space<vmem>>, vector<16xi32>,
        %add3A_671 = arith.constant 0 : i32
        %add3A_672 = arith.addi %min3A_610, %add3A_671 : i32
        %add3A_673 = arith.constant 32 : i32
        %add3A_674 = arith.addi %add3A_672, %add3A_673 : i32
        %add3A_675 = vector.broadcast %add3A_674 : i32 to vector<16xi32>
        %add3A_676 = arith.addi %add3A_675, %iota3A : vector<16xi32>
        %ge3A_677 = vector.broadcast %max3A_614 : i32 to vector<16xi32>
        %ge3A_678 = arith.cmpi sge, %add3A_676, %ge3A_677 : vector<16xi32>
        %lt3A_679 = vector.broadcast %min3A_620 : i32 to vector<16xi32>
        %lt3A_680 = arith.cmpi slt, %add3A_676, %lt3A_679 : vector<16xi32>
        %and3A_681 = arith.andi %ge3A_678, %lt3A_680 : vector<16xi1>
        %sub3A_682 = vector.broadcast %mul3A_4 : i32 to vector<16xi32>
        %sub3A_683 = arith.subi %get3A_670, %sub3A_682 : vector<16xi32>
        %jit3A_684 = arith.constant 5120 : i32
        %broadcast_in_dim3A_685 = vector.broadcast %jit3A_684 : i32 to vector<16xi32>
        %select_n3A_686 = arith.select %and3A_681, %sub3A_683, %broadcast_in_dim3A_685 : vector<16xi1>, vector<16xi32>
        %swap3A_687 = arith.constant 0 : i32
        %swap3A_688 = arith.index_cast %swap3A_687 : i32 to index
        %swap3A_689 = arith.constant 32 : index
        %swap3A_690 = tpu.vector_load %arg11[%swap3A_688, %swap3A_689] {strides = array<i32>} : memref<2x128xi32, #tpu.memory_space<vmem>>, vector<16xi32>,
        tpu.vector_store %arg11[%swap3A_688, %swap3A_689], %select_n3A_686 {strides = array<i32>} : memref<2x128xi32, #tpu.memory_space<vmem>>, vector<16xi32>,
        %sub3A_691 = vector.broadcast %mul3A_2 : i32 to vector<16xi32>
        %sub3A_692 = arith.subi %get3A_670, %sub3A_691 : vector<16xi32>
        tpu.vector_store_idx %arg12[%sub3A_692], %broadcast_in_dim3A_5 masked %and3A_681 {add = true} : memref<320xf32, #tpu.memory_space<vmem>>[vector<16xi32>], vector<16xf32>, vector<16xi1>
        %get3A_693 = arith.constant 48 : index
        %get3A_694 = tpu.vector_load %arg9[%get3A_693] {strides = array<i32>} : memref<272xi32, #tpu.memory_space<vmem>>, vector<16xi32>,
        %add3A_695 = arith.constant 0 : i32
        %add3A_696 = arith.addi %min3A_610, %add3A_695 : i32
        %add3A_697 = arith.constant 48 : i32
        %add3A_698 = arith.addi %add3A_696, %add3A_697 : i32
        %add3A_699 = vector.broadcast %add3A_698 : i32 to vector<16xi32>
        %add3A_700 = arith.addi %add3A_699, %iota3A : vector<16xi32>
        %ge3A_701 = vector.broadcast %max3A_614 : i32 to vector<16xi32>
        %ge3A_702 = arith.cmpi sge, %add3A_700, %ge3A_701 : vector<16xi32>
        %lt3A_703 = vector.broadcast %min3A_620 : i32 to vector<16xi32>
        %lt3A_704 = arith.cmpi slt, %add3A_700, %lt3A_703 : vector<16xi32>
        %and3A_705 = arith.andi %ge3A_702, %lt3A_704 : vector<16xi1>
        %sub3A_706 = vector.broadcast %mul3A_4 : i32 to vector<16xi32>
        %sub3A_707 = arith.subi %get3A_694, %sub3A_706 : vector<16xi32>
        %jit3A_708 = arith.constant 5120 : i32
        %broadcast_in_dim3A_709 = vector.broadcast %jit3A_708 : i32 to vector<16xi32>
        %select_n3A_710 = arith.select %and3A_705, %sub3A_707, %broadcast_in_dim3A_709 : vector<16xi1>, vector<16xi32>
        %swap3A_711 = arith.constant 0 : i32
        %swap3A_712 = arith.index_cast %swap3A_711 : i32 to index
        %swap3A_713 = arith.constant 48 : index
        %swap3A_714 = tpu.vector_load %arg11[%swap3A_712, %swap3A_713] {strides = array<i32>} : memref<2x128xi32, #tpu.memory_space<vmem>>, vector<16xi32>,
        tpu.vector_store %arg11[%swap3A_712, %swap3A_713], %select_n3A_710 {strides = array<i32>} : memref<2x128xi32, #tpu.memory_space<vmem>>, vector<16xi32>,
        %sub3A_715 = vector.broadcast %mul3A_2 : i32 to vector<16xi32>
        %sub3A_716 = arith.subi %get3A_694, %sub3A_715 : vector<16xi32>
        tpu.vector_store_idx %arg12[%sub3A_716], %broadcast_in_dim3A_5 masked %and3A_705 {add = true} : memref<320xf32, #tpu.memory_space<vmem>>[vector<16xi32>], vector<16xf32>, vector<16xi1>
        %get3A_717 = arith.constant 64 : index
        %get3A_718 = tpu.vector_load %arg9[%get3A_717] {strides = array<i32>} : memref<272xi32, #tpu.memory_space<vmem>>, vector<16xi32>,
        %add3A_719 = arith.constant 0 : i32
        %add3A_720 = arith.addi %min3A_610, %add3A_719 : i32
        %add3A_721 = arith.constant 64 : i32
        %add3A_722 = arith.addi %add3A_720, %add3A_721 : i32
        %add3A_723 = vector.broadcast %add3A_722 : i32 to vector<16xi32>
        %add3A_724 = arith.addi %add3A_723, %iota3A : vector<16xi32>
        %ge3A_725 = vector.broadcast %max3A_614 : i32 to vector<16xi32>
        %ge3A_726 = arith.cmpi sge, %add3A_724, %ge3A_725 : vector<16xi32>
        %lt3A_727 = vector.broadcast %min3A_620 : i32 to vector<16xi32>
        %lt3A_728 = arith.cmpi slt, %add3A_724, %lt3A_727 : vector<16xi32>
        %and3A_729 = arith.andi %ge3A_726, %lt3A_728 : vector<16xi1>
        %sub3A_730 = vector.broadcast %mul3A_4 : i32 to vector<16xi32>
        %sub3A_731 = arith.subi %get3A_718, %sub3A_730 : vector<16xi32>
        %jit3A_732 = arith.constant 5120 : i32
        %broadcast_in_dim3A_733 = vector.broadcast %jit3A_732 : i32 to vector<16xi32>
        %select_n3A_734 = arith.select %and3A_729, %sub3A_731, %broadcast_in_dim3A_733 : vector<16xi1>, vector<16xi32>
        %swap3A_735 = arith.constant 0 : i32
        %swap3A_736 = arith.index_cast %swap3A_735 : i32 to index
        %swap3A_737 = arith.constant 64 : index
        %swap3A_738 = tpu.vector_load %arg11[%swap3A_736, %swap3A_737] {strides = array<i32>} : memref<2x128xi32, #tpu.memory_space<vmem>>, vector<16xi32>,
        tpu.vector_store %arg11[%swap3A_736, %swap3A_737], %select_n3A_734 {strides = array<i32>} : memref<2x128xi32, #tpu.memory_space<vmem>>, vector<16xi32>,
        %sub3A_739 = vector.broadcast %mul3A_2 : i32 to vector<16xi32>
        %sub3A_740 = arith.subi %get3A_718, %sub3A_739 : vector<16xi32>
        tpu.vector_store_idx %arg12[%sub3A_740], %broadcast_in_dim3A_5 masked %and3A_729 {add = true} : memref<320xf32, #tpu.memory_space<vmem>>[vector<16xi32>], vector<16xf32>, vector<16xi1>
        %get3A_741 = arith.constant 80 : index
        %get3A_742 = tpu.vector_load %arg9[%get3A_741] {strides = array<i32>} : memref<272xi32, #tpu.memory_space<vmem>>, vector<16xi32>,
        %add3A_743 = arith.constant 0 : i32
        %add3A_744 = arith.addi %min3A_610, %add3A_743 : i32
        %add3A_745 = arith.constant 80 : i32
        %add3A_746 = arith.addi %add3A_744, %add3A_745 : i32
        %add3A_747 = vector.broadcast %add3A_746 : i32 to vector<16xi32>
        %add3A_748 = arith.addi %add3A_747, %iota3A : vector<16xi32>
        %ge3A_749 = vector.broadcast %max3A_614 : i32 to vector<16xi32>
        %ge3A_750 = arith.cmpi sge, %add3A_748, %ge3A_749 : vector<16xi32>
        %lt3A_751 = vector.broadcast %min3A_620 : i32 to vector<16xi32>
        %lt3A_752 = arith.cmpi slt, %add3A_748, %lt3A_751 : vector<16xi32>
        %and3A_753 = arith.andi %ge3A_750, %lt3A_752 : vector<16xi1>
        %sub3A_754 = vector.broadcast %mul3A_4 : i32 to vector<16xi32>
        %sub3A_755 = arith.subi %get3A_742, %sub3A_754 : vector<16xi32>
        %jit3A_756 = arith.constant 5120 : i32
        %broadcast_in_dim3A_757 = vector.broadcast %jit3A_756 : i32 to vector<16xi32>
        %select_n3A_758 = arith.select %and3A_753, %sub3A_755, %broadcast_in_dim3A_757 : vector<16xi1>, vector<16xi32>
        %swap3A_759 = arith.constant 0 : i32
        %swap3A_760 = arith.index_cast %swap3A_759 : i32 to index
        %swap3A_761 = arith.constant 80 : index
        %swap3A_762 = tpu.vector_load %arg11[%swap3A_760, %swap3A_761] {strides = array<i32>} : memref<2x128xi32, #tpu.memory_space<vmem>>, vector<16xi32>,
        tpu.vector_store %arg11[%swap3A_760, %swap3A_761], %select_n3A_758 {strides = array<i32>} : memref<2x128xi32, #tpu.memory_space<vmem>>, vector<16xi32>,
        %sub3A_763 = vector.broadcast %mul3A_2 : i32 to vector<16xi32>
        %sub3A_764 = arith.subi %get3A_742, %sub3A_763 : vector<16xi32>
        tpu.vector_store_idx %arg12[%sub3A_764], %broadcast_in_dim3A_5 masked %and3A_753 {add = true} : memref<320xf32, #tpu.memory_space<vmem>>[vector<16xi32>], vector<16xf32>, vector<16xi1>
        %get3A_765 = arith.constant 96 : index
        %get3A_766 = tpu.vector_load %arg9[%get3A_765] {strides = array<i32>} : memref<272xi32, #tpu.memory_space<vmem>>, vector<16xi32>,
        %add3A_767 = arith.constant 0 : i32
        %add3A_768 = arith.addi %min3A_610, %add3A_767 : i32
        %add3A_769 = arith.constant 96 : i32
        %add3A_770 = arith.addi %add3A_768, %add3A_769 : i32
        %add3A_771 = vector.broadcast %add3A_770 : i32 to vector<16xi32>
        %add3A_772 = arith.addi %add3A_771, %iota3A : vector<16xi32>
        %ge3A_773 = vector.broadcast %max3A_614 : i32 to vector<16xi32>
        %ge3A_774 = arith.cmpi sge, %add3A_772, %ge3A_773 : vector<16xi32>
        %lt3A_775 = vector.broadcast %min3A_620 : i32 to vector<16xi32>
        %lt3A_776 = arith.cmpi slt, %add3A_772, %lt3A_775 : vector<16xi32>
        %and3A_777 = arith.andi %ge3A_774, %lt3A_776 : vector<16xi1>
        %sub3A_778 = vector.broadcast %mul3A_4 : i32 to vector<16xi32>
        %sub3A_779 = arith.subi %get3A_766, %sub3A_778 : vector<16xi32>
        %jit3A_780 = arith.constant 5120 : i32
        %broadcast_in_dim3A_781 = vector.broadcast %jit3A_780 : i32 to vector<16xi32>
        %select_n3A_782 = arith.select %and3A_777, %sub3A_779, %broadcast_in_dim3A_781 : vector<16xi1>, vector<16xi32>
        %swap3A_783 = arith.constant 0 : i32
        %swap3A_784 = arith.index_cast %swap3A_783 : i32 to index
        %swap3A_785 = arith.constant 96 : index
        %swap3A_786 = tpu.vector_load %arg11[%swap3A_784, %swap3A_785] {strides = array<i32>} : memref<2x128xi32, #tpu.memory_space<vmem>>, vector<16xi32>,
        tpu.vector_store %arg11[%swap3A_784, %swap3A_785], %select_n3A_782 {strides = array<i32>} : memref<2x128xi32, #tpu.memory_space<vmem>>, vector<16xi32>,
        %sub3A_787 = vector.broadcast %mul3A_2 : i32 to vector<16xi32>
        %sub3A_788 = arith.subi %get3A_766, %sub3A_787 : vector<16xi32>
        tpu.vector_store_idx %arg12[%sub3A_788], %broadcast_in_dim3A_5 masked %and3A_777 {add = true} : memref<320xf32, #tpu.memory_space<vmem>>[vector<16xi32>], vector<16xf32>, vector<16xi1>
        %get3A_789 = arith.constant 112 : index
        %get3A_790 = tpu.vector_load %arg9[%get3A_789] {strides = array<i32>} : memref<272xi32, #tpu.memory_space<vmem>>, vector<16xi32>,
        %add3A_791 = arith.constant 0 : i32
        %add3A_792 = arith.addi %min3A_610, %add3A_791 : i32
        %add3A_793 = arith.constant 112 : i32
        %add3A_794 = arith.addi %add3A_792, %add3A_793 : i32
        %add3A_795 = vector.broadcast %add3A_794 : i32 to vector<16xi32>
        %add3A_796 = arith.addi %add3A_795, %iota3A : vector<16xi32>
        %ge3A_797 = vector.broadcast %max3A_614 : i32 to vector<16xi32>
        %ge3A_798 = arith.cmpi sge, %add3A_796, %ge3A_797 : vector<16xi32>
        %lt3A_799 = vector.broadcast %min3A_620 : i32 to vector<16xi32>
        %lt3A_800 = arith.cmpi slt, %add3A_796, %lt3A_799 : vector<16xi32>
        %and3A_801 = arith.andi %ge3A_798, %lt3A_800 : vector<16xi1>
        %sub3A_802 = vector.broadcast %mul3A_4 : i32 to vector<16xi32>
        %sub3A_803 = arith.subi %get3A_790, %sub3A_802 : vector<16xi32>
        %jit3A_804 = arith.constant 5120 : i32
        %broadcast_in_dim3A_805 = vector.broadcast %jit3A_804 : i32 to vector<16xi32>
        %select_n3A_806 = arith.select %and3A_801, %sub3A_803, %broadcast_in_dim3A_805 : vector<16xi1>, vector<16xi32>
        %swap3A_807 = arith.constant 0 : i32
        %swap3A_808 = arith.index_cast %swap3A_807 : i32 to index
        %swap3A_809 = arith.constant 112 : index
        %swap3A_810 = tpu.vector_load %arg11[%swap3A_808, %swap3A_809] {strides = array<i32>} : memref<2x128xi32, #tpu.memory_space<vmem>>, vector<16xi32>,
        tpu.vector_store %arg11[%swap3A_808, %swap3A_809], %select_n3A_806 {strides = array<i32>} : memref<2x128xi32, #tpu.memory_space<vmem>>, vector<16xi32>,
        %sub3A_811 = vector.broadcast %mul3A_2 : i32 to vector<16xi32>
        %sub3A_812 = arith.subi %get3A_790, %sub3A_811 : vector<16xi32>
        tpu.vector_store_idx %arg12[%sub3A_812], %broadcast_in_dim3A_5 masked %and3A_801 {add = true} : memref<320xf32, #tpu.memory_space<vmem>>[vector<16xi32>], vector<16xf32>, vector<16xi1>
        %get3A_813 = arith.constant 128 : index
        %get3A_814 = tpu.vector_load %arg9[%get3A_813] {strides = array<i32>} : memref<272xi32, #tpu.memory_space<vmem>>, vector<16xi32>,
        %add3A_815 = arith.constant 128 : i32
        %add3A_816 = arith.addi %min3A_610, %add3A_815 : i32
        %add3A_817 = arith.constant 0 : i32
        %add3A_818 = arith.addi %add3A_816, %add3A_817 : i32
        %add3A_819 = vector.broadcast %add3A_818 : i32 to vector<16xi32>
        %add3A_820 = arith.addi %add3A_819, %iota3A : vector<16xi32>
        %ge3A_821 = vector.broadcast %max3A_614 : i32 to vector<16xi32>
        %ge3A_822 = arith.cmpi sge, %add3A_820, %ge3A_821 : vector<16xi32>
        %lt3A_823 = vector.broadcast %min3A_620 : i32 to vector<16xi32>
        %lt3A_824 = arith.cmpi slt, %add3A_820, %lt3A_823 : vector<16xi32>
        %and3A_825 = arith.andi %ge3A_822, %lt3A_824 : vector<16xi1>
        %sub3A_826 = vector.broadcast %mul3A_4 : i32 to vector<16xi32>
        %sub3A_827 = arith.subi %get3A_814, %sub3A_826 : vector<16xi32>
        %jit3A_828 = arith.constant 5120 : i32
        %broadcast_in_dim3A_829 = vector.broadcast %jit3A_828 : i32 to vector<16xi32>
        %select_n3A_830 = arith.select %and3A_825, %sub3A_827, %broadcast_in_dim3A_829 : vector<16xi1>, vector<16xi32>
        %swap3A_831 = arith.constant 1 : i32
        %swap3A_832 = arith.index_cast %swap3A_831 : i32 to index
        %swap3A_833 = arith.constant 0 : index
        %swap3A_834 = tpu.vector_load %arg11[%swap3A_832, %swap3A_833] {strides = array<i32>} : memref<2x128xi32, #tpu.memory_space<vmem>>, vector<16xi32>,
        tpu.vector_store %arg11[%swap3A_832, %swap3A_833], %select_n3A_830 {strides = array<i32>} : memref<2x128xi32, #tpu.memory_space<vmem>>, vector<16xi32>,
        %sub3A_835 = vector.broadcast %mul3A_2 : i32 to vector<16xi32>
        %sub3A_836 = arith.subi %get3A_814, %sub3A_835 : vector<16xi32>
        tpu.vector_store_idx %arg12[%sub3A_836], %broadcast_in_dim3A_5 masked %and3A_825 {add = true} : memref<320xf32, #tpu.memory_space<vmem>>[vector<16xi32>], vector<16xf32>, vector<16xi1>
        %get3A_837 = arith.constant 144 : index
        %get3A_838 = tpu.vector_load %arg9[%get3A_837] {strides = array<i32>} : memref<272xi32, #tpu.memory_space<vmem>>, vector<16xi32>,
        %add3A_839 = arith.constant 128 : i32
        %add3A_840 = arith.addi %min3A_610, %add3A_839 : i32
        %add3A_841 = arith.constant 16 : i32
        %add3A_842 = arith.addi %add3A_840, %add3A_841 : i32
        %add3A_843 = vector.broadcast %add3A_842 : i32 to vector<16xi32>
        %add3A_844 = arith.addi %add3A_843, %iota3A : vector<16xi32>
        %ge3A_845 = vector.broadcast %max3A_614 : i32 to vector<16xi32>
        %ge3A_846 = arith.cmpi sge, %add3A_844, %ge3A_845 : vector<16xi32>
        %lt3A_847 = vector.broadcast %min3A_620 : i32 to vector<16xi32>
        %lt3A_848 = arith.cmpi slt, %add3A_844, %lt3A_847 : vector<16xi32>
        %and3A_849 = arith.andi %ge3A_846, %lt3A_848 : vector<16xi1>
        %sub3A_850 = vector.broadcast %mul3A_4 : i32 to vector<16xi32>
        %sub3A_851 = arith.subi %get3A_838, %sub3A_850 : vector<16xi32>
        %jit3A_852 = arith.constant 5120 : i32
        %broadcast_in_dim3A_853 = vector.broadcast %jit3A_852 : i32 to vector<16xi32>
        %select_n3A_854 = arith.select %and3A_849, %sub3A_851, %broadcast_in_dim3A_853 : vector<16xi1>, vector<16xi32>
        %swap3A_855 = arith.constant 1 : i32
        %swap3A_856 = arith.index_cast %swap3A_855 : i32 to index
        %swap3A_857 = arith.constant 16 : index
        %swap3A_858 = tpu.vector_load %arg11[%swap3A_856, %swap3A_857] {strides = array<i32>} : memref<2x128xi32, #tpu.memory_space<vmem>>, vector<16xi32>,
        tpu.vector_store %arg11[%swap3A_856, %swap3A_857], %select_n3A_854 {strides = array<i32>} : memref<2x128xi32, #tpu.memory_space<vmem>>, vector<16xi32>,
        %sub3A_859 = vector.broadcast %mul3A_2 : i32 to vector<16xi32>
        %sub3A_860 = arith.subi %get3A_838, %sub3A_859 : vector<16xi32>
        tpu.vector_store_idx %arg12[%sub3A_860], %broadcast_in_dim3A_5 masked %and3A_849 {add = true} : memref<320xf32, #tpu.memory_space<vmem>>[vector<16xi32>], vector<16xf32>, vector<16xi1>
        %get3A_861 = arith.constant 160 : index
        %get3A_862 = tpu.vector_load %arg9[%get3A_861] {strides = array<i32>} : memref<272xi32, #tpu.memory_space<vmem>>, vector<16xi32>,
        %add3A_863 = arith.constant 128 : i32
        %add3A_864 = arith.addi %min3A_610, %add3A_863 : i32
        %add3A_865 = arith.constant 32 : i32
        %add3A_866 = arith.addi %add3A_864, %add3A_865 : i32
        %add3A_867 = vector.broadcast %add3A_866 : i32 to vector<16xi32>
        %add3A_868 = arith.addi %add3A_867, %iota3A : vector<16xi32>
        %ge3A_869 = vector.broadcast %max3A_614 : i32 to vector<16xi32>
        %ge3A_870 = arith.cmpi sge, %add3A_868, %ge3A_869 : vector<16xi32>
        %lt3A_871 = vector.broadcast %min3A_620 : i32 to vector<16xi32>
        %lt3A_872 = arith.cmpi slt, %add3A_868, %lt3A_871 : vector<16xi32>
        %and3A_873 = arith.andi %ge3A_870, %lt3A_872 : vector<16xi1>
        %sub3A_874 = vector.broadcast %mul3A_4 : i32 to vector<16xi32>
        %sub3A_875 = arith.subi %get3A_862, %sub3A_874 : vector<16xi32>
        %jit3A_876 = arith.constant 5120 : i32
        %broadcast_in_dim3A_877 = vector.broadcast %jit3A_876 : i32 to vector<16xi32>
        %select_n3A_878 = arith.select %and3A_873, %sub3A_875, %broadcast_in_dim3A_877 : vector<16xi1>, vector<16xi32>
        %swap3A_879 = arith.constant 1 : i32
        %swap3A_880 = arith.index_cast %swap3A_879 : i32 to index
        %swap3A_881 = arith.constant 32 : index
        %swap3A_882 = tpu.vector_load %arg11[%swap3A_880, %swap3A_881] {strides = array<i32>} : memref<2x128xi32, #tpu.memory_space<vmem>>, vector<16xi32>,
        tpu.vector_store %arg11[%swap3A_880, %swap3A_881], %select_n3A_878 {strides = array<i32>} : memref<2x128xi32, #tpu.memory_space<vmem>>, vector<16xi32>,
        %sub3A_883 = vector.broadcast %mul3A_2 : i32 to vector<16xi32>
        %sub3A_884 = arith.subi %get3A_862, %sub3A_883 : vector<16xi32>
        tpu.vector_store_idx %arg12[%sub3A_884], %broadcast_in_dim3A_5 masked %and3A_873 {add = true} : memref<320xf32, #tpu.memory_space<vmem>>[vector<16xi32>], vector<16xf32>, vector<16xi1>
        %get3A_885 = arith.constant 176 : index
        %get3A_886 = tpu.vector_load %arg9[%get3A_885] {strides = array<i32>} : memref<272xi32, #tpu.memory_space<vmem>>, vector<16xi32>,
        %add3A_887 = arith.constant 128 : i32
        %add3A_888 = arith.addi %min3A_610, %add3A_887 : i32
        %add3A_889 = arith.constant 48 : i32
        %add3A_890 = arith.addi %add3A_888, %add3A_889 : i32
        %add3A_891 = vector.broadcast %add3A_890 : i32 to vector<16xi32>
        %add3A_892 = arith.addi %add3A_891, %iota3A : vector<16xi32>
        %ge3A_893 = vector.broadcast %max3A_614 : i32 to vector<16xi32>
        %ge3A_894 = arith.cmpi sge, %add3A_892, %ge3A_893 : vector<16xi32>
        %lt3A_895 = vector.broadcast %min3A_620 : i32 to vector<16xi32>
        %lt3A_896 = arith.cmpi slt, %add3A_892, %lt3A_895 : vector<16xi32>
        %and3A_897 = arith.andi %ge3A_894, %lt3A_896 : vector<16xi1>
        %sub3A_898 = vector.broadcast %mul3A_4 : i32 to vector<16xi32>
        %sub3A_899 = arith.subi %get3A_886, %sub3A_898 : vector<16xi32>
        %jit3A_900 = arith.constant 5120 : i32
        %broadcast_in_dim3A_901 = vector.broadcast %jit3A_900 : i32 to vector<16xi32>
        %select_n3A_902 = arith.select %and3A_897, %sub3A_899, %broadcast_in_dim3A_901 : vector<16xi1>, vector<16xi32>
        %swap3A_903 = arith.constant 1 : i32
        %swap3A_904 = arith.index_cast %swap3A_903 : i32 to index
        %swap3A_905 = arith.constant 48 : index
        %swap3A_906 = tpu.vector_load %arg11[%swap3A_904, %swap3A_905] {strides = array<i32>} : memref<2x128xi32, #tpu.memory_space<vmem>>, vector<16xi32>,
        tpu.vector_store %arg11[%swap3A_904, %swap3A_905], %select_n3A_902 {strides = array<i32>} : memref<2x128xi32, #tpu.memory_space<vmem>>, vector<16xi32>,
        %sub3A_907 = vector.broadcast %mul3A_2 : i32 to vector<16xi32>
        %sub3A_908 = arith.subi %get3A_886, %sub3A_907 : vector<16xi32>
        tpu.vector_store_idx %arg12[%sub3A_908], %broadcast_in_dim3A_5 masked %and3A_897 {add = true} : memref<320xf32, #tpu.memory_space<vmem>>[vector<16xi32>], vector<16xf32>, vector<16xi1>
        %get3A_909 = arith.constant 192 : index
        %get3A_910 = tpu.vector_load %arg9[%get3A_909] {strides = array<i32>} : memref<272xi32, #tpu.memory_space<vmem>>, vector<16xi32>,
        %add3A_911 = arith.constant 128 : i32
        %add3A_912 = arith.addi %min3A_610, %add3A_911 : i32
        %add3A_913 = arith.constant 64 : i32
        %add3A_914 = arith.addi %add3A_912, %add3A_913 : i32
        %add3A_915 = vector.broadcast %add3A_914 : i32 to vector<16xi32>
        %add3A_916 = arith.addi %add3A_915, %iota3A : vector<16xi32>
        %ge3A_917 = vector.broadcast %max3A_614 : i32 to vector<16xi32>
        %ge3A_918 = arith.cmpi sge, %add3A_916, %ge3A_917 : vector<16xi32>
        %lt3A_919 = vector.broadcast %min3A_620 : i32 to vector<16xi32>
        %lt3A_920 = arith.cmpi slt, %add3A_916, %lt3A_919 : vector<16xi32>
        %and3A_921 = arith.andi %ge3A_918, %lt3A_920 : vector<16xi1>
        %sub3A_922 = vector.broadcast %mul3A_4 : i32 to vector<16xi32>
        %sub3A_923 = arith.subi %get3A_910, %sub3A_922 : vector<16xi32>
        %jit3A_924 = arith.constant 5120 : i32
        %broadcast_in_dim3A_925 = vector.broadcast %jit3A_924 : i32 to vector<16xi32>
        %select_n3A_926 = arith.select %and3A_921, %sub3A_923, %broadcast_in_dim3A_925 : vector<16xi1>, vector<16xi32>
        %swap3A_927 = arith.constant 1 : i32
        %swap3A_928 = arith.index_cast %swap3A_927 : i32 to index
        %swap3A_929 = arith.constant 64 : index
        %swap3A_930 = tpu.vector_load %arg11[%swap3A_928, %swap3A_929] {strides = array<i32>} : memref<2x128xi32, #tpu.memory_space<vmem>>, vector<16xi32>,
        tpu.vector_store %arg11[%swap3A_928, %swap3A_929], %select_n3A_926 {strides = array<i32>} : memref<2x128xi32, #tpu.memory_space<vmem>>, vector<16xi32>,
        %sub3A_931 = vector.broadcast %mul3A_2 : i32 to vector<16xi32>
        %sub3A_932 = arith.subi %get3A_910, %sub3A_931 : vector<16xi32>
        tpu.vector_store_idx %arg12[%sub3A_932], %broadcast_in_dim3A_5 masked %and3A_921 {add = true} : memref<320xf32, #tpu.memory_space<vmem>>[vector<16xi32>], vector<16xf32>, vector<16xi1>
        %get3A_933 = arith.constant 208 : index
        %get3A_934 = tpu.vector_load %arg9[%get3A_933] {strides = array<i32>} : memref<272xi32, #tpu.memory_space<vmem>>, vector<16xi32>,
        %add3A_935 = arith.constant 128 : i32
        %add3A_936 = arith.addi %min3A_610, %add3A_935 : i32
        %add3A_937 = arith.constant 80 : i32
        %add3A_938 = arith.addi %add3A_936, %add3A_937 : i32
        %add3A_939 = vector.broadcast %add3A_938 : i32 to vector<16xi32>
        %add3A_940 = arith.addi %add3A_939, %iota3A : vector<16xi32>
        %ge3A_941 = vector.broadcast %max3A_614 : i32 to vector<16xi32>
        %ge3A_942 = arith.cmpi sge, %add3A_940, %ge3A_941 : vector<16xi32>
        %lt3A_943 = vector.broadcast %min3A_620 : i32 to vector<16xi32>
        %lt3A_944 = arith.cmpi slt, %add3A_940, %lt3A_943 : vector<16xi32>
        %and3A_945 = arith.andi %ge3A_942, %lt3A_944 : vector<16xi1>
        %sub3A_946 = vector.broadcast %mul3A_4 : i32 to vector<16xi32>
        %sub3A_947 = arith.subi %get3A_934, %sub3A_946 : vector<16xi32>
        %jit3A_948 = arith.constant 5120 : i32
        %broadcast_in_dim3A_949 = vector.broadcast %jit3A_948 : i32 to vector<16xi32>
        %select_n3A_950 = arith.select %and3A_945, %sub3A_947, %broadcast_in_dim3A_949 : vector<16xi1>, vector<16xi32>
        %swap3A_951 = arith.constant 1 : i32
        %swap3A_952 = arith.index_cast %swap3A_951 : i32 to index
        %swap3A_953 = arith.constant 80 : index
        %swap3A_954 = tpu.vector_load %arg11[%swap3A_952, %swap3A_953] {strides = array<i32>} : memref<2x128xi32, #tpu.memory_space<vmem>>, vector<16xi32>,
        tpu.vector_store %arg11[%swap3A_952, %swap3A_953], %select_n3A_950 {strides = array<i32>} : memref<2x128xi32, #tpu.memory_space<vmem>>, vector<16xi32>,
        %sub3A_955 = vector.broadcast %mul3A_2 : i32 to vector<16xi32>
        %sub3A_956 = arith.subi %get3A_934, %sub3A_955 : vector<16xi32>
        tpu.vector_store_idx %arg12[%sub3A_956], %broadcast_in_dim3A_5 masked %and3A_945 {add = true} : memref<320xf32, #tpu.memory_space<vmem>>[vector<16xi32>], vector<16xf32>, vector<16xi1>
        %get3A_957 = arith.constant 224 : index
        %get3A_958 = tpu.vector_load %arg9[%get3A_957] {strides = array<i32>} : memref<272xi32, #tpu.memory_space<vmem>>, vector<16xi32>,
        %add3A_959 = arith.constant 128 : i32
        %add3A_960 = arith.addi %min3A_610, %add3A_959 : i32
        %add3A_961 = arith.constant 96 : i32
        %add3A_962 = arith.addi %add3A_960, %add3A_961 : i32
        %add3A_963 = vector.broadcast %add3A_962 : i32 to vector<16xi32>
        %add3A_964 = arith.addi %add3A_963, %iota3A : vector<16xi32>
        %ge3A_965 = vector.broadcast %max3A_614 : i32 to vector<16xi32>
        %ge3A_966 = arith.cmpi sge, %add3A_964, %ge3A_965 : vector<16xi32>
        %lt3A_967 = vector.broadcast %min3A_620 : i32 to vector<16xi32>
        %lt3A_968 = arith.cmpi slt, %add3A_964, %lt3A_967 : vector<16xi32>
        %and3A_969 = arith.andi %ge3A_966, %lt3A_968 : vector<16xi1>
        %sub3A_970 = vector.broadcast %mul3A_4 : i32 to vector<16xi32>
        %sub3A_971 = arith.subi %get3A_958, %sub3A_970 : vector<16xi32>
        %jit3A_972 = arith.constant 5120 : i32
        %broadcast_in_dim3A_973 = vector.broadcast %jit3A_972 : i32 to vector<16xi32>
        %select_n3A_974 = arith.select %and3A_969, %sub3A_971, %broadcast_in_dim3A_973 : vector<16xi1>, vector<16xi32>
        %swap3A_975 = arith.constant 1 : i32
        %swap3A_976 = arith.index_cast %swap3A_975 : i32 to index
        %swap3A_977 = arith.constant 96 : index
        %swap3A_978 = tpu.vector_load %arg11[%swap3A_976, %swap3A_977] {strides = array<i32>} : memref<2x128xi32, #tpu.memory_space<vmem>>, vector<16xi32>,
        tpu.vector_store %arg11[%swap3A_976, %swap3A_977], %select_n3A_974 {strides = array<i32>} : memref<2x128xi32, #tpu.memory_space<vmem>>, vector<16xi32>,
        %sub3A_979 = vector.broadcast %mul3A_2 : i32 to vector<16xi32>
        %sub3A_980 = arith.subi %get3A_958, %sub3A_979 : vector<16xi32>
        tpu.vector_store_idx %arg12[%sub3A_980], %broadcast_in_dim3A_5 masked %and3A_969 {add = true} : memref<320xf32, #tpu.memory_space<vmem>>[vector<16xi32>], vector<16xf32>, vector<16xi1>
        %get3A_981 = arith.constant 240 : index
        %get3A_982 = tpu.vector_load %arg9[%get3A_981] {strides = array<i32>} : memref<272xi32, #tpu.memory_space<vmem>>, vector<16xi32>,
        %add3A_983 = arith.constant 128 : i32
        %add3A_984 = arith.addi %min3A_610, %add3A_983 : i32
        %add3A_985 = arith.constant 112 : i32
        %add3A_986 = arith.addi %add3A_984, %add3A_985 : i32
        %add3A_987 = vector.broadcast %add3A_986 : i32 to vector<16xi32>
        %add3A_988 = arith.addi %add3A_987, %iota3A : vector<16xi32>
        %ge3A_989 = vector.broadcast %max3A_614 : i32 to vector<16xi32>
        %ge3A_990 = arith.cmpi sge, %add3A_988, %ge3A_989 : vector<16xi32>
        %lt3A_991 = vector.broadcast %min3A_620 : i32 to vector<16xi32>
        %lt3A_992 = arith.cmpi slt, %add3A_988, %lt3A_991 : vector<16xi32>
        %and3A_993 = arith.andi %ge3A_990, %lt3A_992 : vector<16xi1>
        %sub3A_994 = vector.broadcast %mul3A_4 : i32 to vector<16xi32>
        %sub3A_995 = arith.subi %get3A_982, %sub3A_994 : vector<16xi32>
        %jit3A_996 = arith.constant 5120 : i32
        %broadcast_in_dim3A_997 = vector.broadcast %jit3A_996 : i32 to vector<16xi32>
        %select_n3A_998 = arith.select %and3A_993, %sub3A_995, %broadcast_in_dim3A_997 : vector<16xi1>, vector<16xi32>
        %swap3A_999 = arith.constant 1 : i32
        %swap3A_1000 = arith.index_cast %swap3A_999 : i32 to index
        %swap3A_1001 = arith.constant 112 : index
        %swap3A_1002 = tpu.vector_load %arg11[%swap3A_1000, %swap3A_1001] {strides = array<i32>} : memref<2x128xi32, #tpu.memory_space<vmem>>, vector<16xi32>,
        tpu.vector_store %arg11[%swap3A_1000, %swap3A_1001], %select_n3A_998 {strides = array<i32>} : memref<2x128xi32, #tpu.memory_space<vmem>>, vector<16xi32>,
        %sub3A_1003 = vector.broadcast %mul3A_2 : i32 to vector<16xi32>
        %sub3A_1004 = arith.subi %get3A_982, %sub3A_1003 : vector<16xi32>
        tpu.vector_store_idx %arg12[%sub3A_1004], %broadcast_in_dim3A_5 masked %and3A_993 {add = true} : memref<320xf32, #tpu.memory_space<vmem>>[vector<16xi32>], vector<16xf32>, vector<16xi1>
        %run_scoped3A_1005 = arith.constant 0 : i32
        "tpu.region"() ({
          %run_scoped3A_1007 = tpu.sem_alloc : memref<!tpu.dma_semaphore, #tpu.memory_space<semaphore_mem>>
          %dma_start3A = arith.constant 0 : i32
          %dma_start3A_1008 = arith.constant 0 : i32
          %dma_start3A_1009 = tpu.memref_slice %arg7[%dma_start3A, %dma_start3A_1008] : memref<256x128xf32, #tpu.memory_space<vmem>> -> memref<128x128xf32, #tpu.memory_space<vmem>>
          %dma_start3A_1010 = arith.constant 0 : i32
          %dma_start3A_1011 = tpu.memref_slice %arg11[%run_scoped3A_1005, %dma_start3A_1010] : memref<2x128xi32, #tpu.memory_space<vmem>> -> memref<1x128xi32, #tpu.memory_space<vmem>>
          %dma_start3A_1012 = tpu.memref_squeeze %dma_start3A_1011 : memref<1x128xi32, #tpu.memory_space<vmem>> -> memref<128xi32, #tpu.memory_space<vmem>>
          %dma_start3A_1013 = arith.constant 0 : i32
          %dma_start3A_1014 = arith.constant 0 : i32
          %dma_start3A_1015 = tpu.memref_slice %arg14[%dma_start3A_1013, %dma_start3A_1014] : memref<5248x128xf32, #tpu.memory_space<vmem_shared>> -> memref<5248x128xf32, #tpu.memory_space<vmem_shared>>
          tpu.enqueue_indirect_dma source(%dma_start3A_1009 : memref<128x128xf32, #tpu.memory_space<vmem>>) target(%dma_start3A_1015 : memref<5248x128xf32, #tpu.memory_space<vmem_shared>>) offsets(%dma_start3A_1012 : memref<128xi32, #tpu.memory_space<vmem>>) semaphore(%run_scoped3A_1007 : memref<!tpu.dma_semaphore, #tpu.memory_space<semaphore_mem>>) {add = true}
          %dma_wait3A_1016 = arith.constant 0 : i32
          %dma_wait3A_1017 = arith.constant 0 : i32
          %dma_wait3A_1018 = tpu.memref_slice %arg7[%dma_wait3A_1016, %dma_wait3A_1017] : memref<256x128xf32, #tpu.memory_space<vmem>> -> memref<128x128xf32, #tpu.memory_space<vmem>>
          %dma_wait3A_1019 = arith.constant 0 : i32
          %dma_wait3A_1020 = tpu.memref_slice %arg11[%run_scoped3A_1005, %dma_wait3A_1019] : memref<2x128xi32, #tpu.memory_space<vmem>> -> memref<1x128xi32, #tpu.memory_space<vmem>>
          %dma_wait3A_1021 = tpu.memref_squeeze %dma_wait3A_1020 : memref<1x128xi32, #tpu.memory_space<vmem>> -> memref<128xi32, #tpu.memory_space<vmem>>
          %dma_wait3A_1022 = arith.constant 0 : i32
          %dma_wait3A_1023 = arith.constant 0 : i32
          %dma_wait3A_1024 = tpu.memref_slice %arg14[%dma_wait3A_1022, %dma_wait3A_1023] : memref<5248x128xf32, #tpu.memory_space<vmem_shared>> -> memref<5248x128xf32, #tpu.memory_space<vmem_shared>>
          tpu.wait_indirect_dma semaphore(%run_scoped3A_1007 : memref<!tpu.dma_semaphore, #tpu.memory_space<semaphore_mem>>) src(%dma_wait3A_1018 : memref<128x128xf32, #tpu.memory_space<vmem>>) dst(%dma_wait3A_1024 : memref<5248x128xf32, #tpu.memory_space<vmem_shared>>)
          tpu.yield
        }) : () -> ()
        %run_scoped3A_1006 = arith.constant 1 : i32
        "tpu.region"() ({
          %run_scoped3A_1007 = tpu.sem_alloc : memref<!tpu.dma_semaphore, #tpu.memory_space<semaphore_mem>>
          %dma_start3A = arith.constant 128 : i32
          %dma_start3A_1008 = arith.constant 0 : i32
          %dma_start3A_1009 = tpu.memref_slice %arg7[%dma_start3A, %dma_start3A_1008] : memref<256x128xf32, #tpu.memory_space<vmem>> -> memref<128x128xf32, #tpu.memory_space<vmem>>
          %dma_start3A_1010 = arith.constant 0 : i32
          %dma_start3A_1011 = tpu.memref_slice %arg11[%run_scoped3A_1006, %dma_start3A_1010] : memref<2x128xi32, #tpu.memory_space<vmem>> -> memref<1x128xi32, #tpu.memory_space<vmem>>
          %dma_start3A_1012 = tpu.memref_squeeze %dma_start3A_1011 : memref<1x128xi32, #tpu.memory_space<vmem>> -> memref<128xi32, #tpu.memory_space<vmem>>
          %dma_start3A_1013 = arith.constant 0 : i32
          %dma_start3A_1014 = arith.constant 0 : i32
          %dma_start3A_1015 = tpu.memref_slice %arg14[%dma_start3A_1013, %dma_start3A_1014] : memref<5248x128xf32, #tpu.memory_space<vmem_shared>> -> memref<5248x128xf32, #tpu.memory_space<vmem_shared>>
          tpu.enqueue_indirect_dma source(%dma_start3A_1009 : memref<128x128xf32, #tpu.memory_space<vmem>>) target(%dma_start3A_1015 : memref<5248x128xf32, #tpu.memory_space<vmem_shared>>) offsets(%dma_start3A_1012 : memref<128xi32, #tpu.memory_space<vmem>>) semaphore(%run_scoped3A_1007 : memref<!tpu.dma_semaphore, #tpu.memory_space<semaphore_mem>>) {add = true}
          %dma_wait3A_1016 = arith.constant 128 : i32
          %dma_wait3A_1017 = arith.constant 0 : i32
          %dma_wait3A_1018 = tpu.memref_slice %arg7[%dma_wait3A_1016, %dma_wait3A_1017] : memref<256x128xf32, #tpu.memory_space<vmem>> -> memref<128x128xf32, #tpu.memory_space<vmem>>
          %dma_wait3A_1019 = arith.constant 0 : i32
          %dma_wait3A_1020 = tpu.memref_slice %arg11[%run_scoped3A_1006, %dma_wait3A_1019] : memref<2x128xi32, #tpu.memory_space<vmem>> -> memref<1x128xi32, #tpu.memory_space<vmem>>
          %dma_wait3A_1021 = tpu.memref_squeeze %dma_wait3A_1020 : memref<1x128xi32, #tpu.memory_space<vmem>> -> memref<128xi32, #tpu.memory_space<vmem>>
          %dma_wait3A_1022 = arith.constant 0 : i32
          %dma_wait3A_1023 = arith.constant 0 : i32
          %dma_wait3A_1024 = tpu.memref_slice %arg14[%dma_wait3A_1022, %dma_wait3A_1023] : memref<5248x128xf32, #tpu.memory_space<vmem_shared>> -> memref<5248x128xf32, #tpu.memory_space<vmem_shared>>
          tpu.wait_indirect_dma semaphore(%run_scoped3A_1007 : memref<!tpu.dma_semaphore, #tpu.memory_space<semaphore_mem>>) src(%dma_wait3A_1018 : memref<128x128xf32, #tpu.memory_space<vmem>>) dst(%dma_wait3A_1024 : memref<5248x128xf32, #tpu.memory_space<vmem_shared>>)
          tpu.yield
        }) : () -> ()
      } else {
      }
      %while3A_585 = arith.constant 0 : i32
      scf.yield %while3A_585 : i32
    }
    %while3A_114 = arith.constant 1 : i32
    %while3A_115 = scf.for %while3A_162 = %while3A_111 to %while3A_107 step %while3A_114 iter_args(%while3A_163 = %while3A_113) -> (i32)  : i32 {
      %mul3A_164 = arith.constant 2 : i32
      %mul3A_165 = arith.muli %mul3A_164, %while3A_162 : i32
      %add3A_166 = arith.constant 1 : i32
      %add3A_167 = arith.addi %mul3A_165, %add3A_166 : i32
      %add3A_168 = arith.constant 0 : i32
      %add3A_169 = arith.addi %mul3A_47, %add3A_168 : i32
      %min3A = arith.constant 319744 : i32
      %min3A_170 = arith.minsi %add3A_169, %min3A : i32
      %dma_wait3A = arith.constant 0 : i32
      %dma_wait3A_171 = tpu.memref_slice %arg2[%min3A_170, %dma_wait3A] : memref<320000x128xf32, #tpu.memory_space<hbm>> -> memref<256x128xf32, #tpu.memory_space<hbm>>
      %dma_wait3A_172 = arith.constant 0 : i32
      %dma_wait3A_173 = tpu.memref_slice %arg2[%min3A_170, %dma_wait3A_172] : memref<320000x128xf32, #tpu.memory_space<hbm>> -> memref<256x128xf32, #tpu.memory_space<hbm>>
      tpu.wait_dma2 semaphore(%arg15 : memref<!tpu.dma_semaphore, #tpu.memory_space<semaphore_mem>>) src(%dma_wait3A_173 : memref<256x128xf32, #tpu.memory_space<hbm>>) dst(%arg6 : memref<256x128xf32, #tpu.memory_space<vmem>>)
      %dma_wait3A_174 = arith.constant 0 : i32
      %dma_wait3A_175 = tpu.memref_slice %arg8[%dma_wait3A_174] : memref<272xi32, #tpu.memory_space<vmem>> -> memref<256xi32, #tpu.memory_space<vmem>>
      %dma_wait3A_176 = tpu.memref_slice %arg4[%min3A_170] : memref<320000xi32, #tpu.memory_space<hbm>> -> memref<256xi32, #tpu.memory_space<hbm>>
      %dma_wait3A_177 = arith.constant 0 : i32
      %dma_wait3A_178 = tpu.memref_slice %arg8[%dma_wait3A_177] : memref<272xi32, #tpu.memory_space<vmem>> -> memref<256xi32, #tpu.memory_space<vmem>>
      %dma_wait3A_179 = tpu.memref_slice %arg4[%min3A_170] : memref<320000xi32, #tpu.memory_space<hbm>> -> memref<256xi32, #tpu.memory_space<hbm>>
      tpu.wait_dma2 semaphore(%arg15 : memref<!tpu.dma_semaphore, #tpu.memory_space<semaphore_mem>>) src(%dma_wait3A_179 : memref<256xi32, #tpu.memory_space<hbm>>) dst(%dma_wait3A_178 : memref<256xi32, #tpu.memory_space<vmem>>)
      %lt3A_180 = arith.cmpi slt, %add3A_167, %select_n3A_76 : i32
      %convert_element_type3A_181 = arith.extui %lt3A_180 : i1 to i32
      %cond3A_182 = arith.constant 0 : i32
      %cond3A_183 = arith.cmpi ne, %convert_element_type3A_181, %cond3A_182 : i32
      scf.if %cond3A_183 {
        %mul3A_586 = arith.constant 256 : i32
        %mul3A_587 = arith.muli %add3A_167, %mul3A_586 : i32
        %add3A_588 = arith.addi %mul3A_47, %mul3A_587 : i32
        %min3A_589 = arith.constant 319744 : i32
        %min3A_590 = arith.minsi %add3A_588, %min3A_589 : i32
        %dma_start3A = arith.constant 0 : i32
        %dma_start3A_591 = tpu.memref_slice %arg2[%min3A_590, %dma_start3A] : memref<320000x128xf32, #tpu.memory_space<hbm>> -> memref<256x128xf32, #tpu.memory_space<hbm>>
        %dma_start3A_592 = arith.constant 0 : i32
        %dma_start3A_593 = tpu.memref_slice %arg2[%min3A_590, %dma_start3A_592] : memref<320000x128xf32, #tpu.memory_space<hbm>> -> memref<256x128xf32, #tpu.memory_space<hbm>>
        tpu.enqueue_dma source(%dma_start3A_593 : memref<256x128xf32, #tpu.memory_space<hbm>>) target(%arg7 : memref<256x128xf32, #tpu.memory_space<vmem>>) target_semaphore(%arg16 : memref<!tpu.dma_semaphore, #tpu.memory_space<semaphore_mem>>)
        %dma_start3A_594 = arith.constant 0 : i32
        %dma_start3A_595 = tpu.memref_slice %arg9[%dma_start3A_594] : memref<272xi32, #tpu.memory_space<vmem>> -> memref<256xi32, #tpu.memory_space<vmem>>
        %dma_start3A_596 = tpu.memref_slice %arg4[%min3A_590] : memref<320000xi32, #tpu.memory_space<hbm>> -> memref<256xi32, #tpu.memory_space<hbm>>
        %dma_start3A_597 = arith.constant 0 : i32
        %dma_start3A_598 = tpu.memref_slice %arg9[%dma_start3A_597] : memref<272xi32, #tpu.memory_space<vmem>> -> memref<256xi32, #tpu.memory_space<vmem>>
        %dma_start3A_599 = tpu.memref_slice %arg4[%min3A_590] : memref<320000xi32, #tpu.memory_space<hbm>> -> memref<256xi32, #tpu.memory_space<hbm>>
        tpu.enqueue_dma source(%dma_start3A_599 : memref<256xi32, #tpu.memory_space<hbm>>) target(%dma_start3A_598 : memref<256xi32, #tpu.memory_space<vmem>>) target_semaphore(%arg16 : memref<!tpu.dma_semaphore, #tpu.memory_space<semaphore_mem>>)
      } else {
      }
      %mul3A_184 = arith.constant 256 : i32
      %mul3A_185 = arith.muli %mul3A_165, %mul3A_184 : i32
      %add3A_186 = arith.addi %mul3A_47, %mul3A_185 : i32
      %min3A_187 = arith.constant 319744 : i32
      %min3A_188 = arith.minsi %add3A_186, %min3A_187 : i32
      %mul3A_189 = arith.constant 256 : i32
      %mul3A_190 = arith.muli %mul3A_165, %mul3A_189 : i32
      %add3A_191 = arith.addi %mul3A_47, %mul3A_190 : i32
      %max3A = arith.maxsi %squeeze3A, %add3A_191 : i32
      %add3A_192 = arith.constant 1 : i32
      %add3A_193 = arith.addi %mul3A_165, %add3A_192 : i32
      %mul3A_194 = arith.constant 256 : i32
      %mul3A_195 = arith.muli %add3A_193, %mul3A_194 : i32
      %add3A_196 = arith.addi %mul3A_47, %mul3A_195 : i32
      %min3A_197 = arith.minsi %add3A_196, %squeeze3A_8 : i32
      %get3A_198 = arith.constant 0 : index
      %get3A_199 = tpu.vector_load %arg8[%get3A_198] {strides = array<i32>} : memref<272xi32, #tpu.memory_space<vmem>>, vector<16xi32>,
      %add3A_200 = arith.constant 0 : i32
      %add3A_201 = arith.addi %min3A_188, %add3A_200 : i32
      %add3A_202 = arith.constant 0 : i32
      %add3A_203 = arith.addi %add3A_201, %add3A_202 : i32
      %add3A_204 = vector.broadcast %add3A_203 : i32 to vector<16xi32>
      %add3A_205 = arith.addi %add3A_204, %iota3A : vector<16xi32>
      %ge3A = vector.broadcast %max3A : i32 to vector<16xi32>
      %ge3A_206 = arith.cmpi sge, %add3A_205, %ge3A : vector<16xi32>
      %lt3A_207 = vector.broadcast %min3A_197 : i32 to vector<16xi32>
      %lt3A_208 = arith.cmpi slt, %add3A_205, %lt3A_207 : vector<16xi32>
      %and3A_209 = arith.andi %ge3A_206, %lt3A_208 : vector<16xi1>
      %sub3A_210 = vector.broadcast %mul3A_4 : i32 to vector<16xi32>
      %sub3A_211 = arith.subi %get3A_199, %sub3A_210 : vector<16xi32>
      %jit3A_212 = arith.constant 5120 : i32
      %broadcast_in_dim3A_213 = vector.broadcast %jit3A_212 : i32 to vector<16xi32>
      %select_n3A_214 = arith.select %and3A_209, %sub3A_211, %broadcast_in_dim3A_213 : vector<16xi1>, vector<16xi32>
      %swap3A = arith.constant 0 : i32
      %swap3A_215 = arith.index_cast %swap3A : i32 to index
      %swap3A_216 = arith.constant 0 : index
      %swap3A_217 = tpu.vector_load %arg10[%swap3A_215, %swap3A_216] {strides = array<i32>} : memref<2x128xi32, #tpu.memory_space<vmem>>, vector<16xi32>,
      tpu.vector_store %arg10[%swap3A_215, %swap3A_216], %select_n3A_214 {strides = array<i32>} : memref<2x128xi32, #tpu.memory_space<vmem>>, vector<16xi32>,
      %sub3A_218 = vector.broadcast %mul3A_2 : i32 to vector<16xi32>
      %sub3A_219 = arith.subi %get3A_199, %sub3A_218 : vector<16xi32>
      tpu.vector_store_idx %arg12[%sub3A_219], %broadcast_in_dim3A_5 masked %and3A_209 {add = true} : memref<320xf32, #tpu.memory_space<vmem>>[vector<16xi32>], vector<16xf32>, vector<16xi1>
      %get3A_220 = arith.constant 16 : index
      %get3A_221 = tpu.vector_load %arg8[%get3A_220] {strides = array<i32>} : memref<272xi32, #tpu.memory_space<vmem>>, vector<16xi32>,
      %add3A_222 = arith.constant 0 : i32
      %add3A_223 = arith.addi %min3A_188, %add3A_222 : i32
      %add3A_224 = arith.constant 16 : i32
      %add3A_225 = arith.addi %add3A_223, %add3A_224 : i32
      %add3A_226 = vector.broadcast %add3A_225 : i32 to vector<16xi32>
      %add3A_227 = arith.addi %add3A_226, %iota3A : vector<16xi32>
      %ge3A_228 = vector.broadcast %max3A : i32 to vector<16xi32>
      %ge3A_229 = arith.cmpi sge, %add3A_227, %ge3A_228 : vector<16xi32>
      %lt3A_230 = vector.broadcast %min3A_197 : i32 to vector<16xi32>
      %lt3A_231 = arith.cmpi slt, %add3A_227, %lt3A_230 : vector<16xi32>
      %and3A_232 = arith.andi %ge3A_229, %lt3A_231 : vector<16xi1>
      %sub3A_233 = vector.broadcast %mul3A_4 : i32 to vector<16xi32>
      %sub3A_234 = arith.subi %get3A_221, %sub3A_233 : vector<16xi32>
      %jit3A_235 = arith.constant 5120 : i32
      %broadcast_in_dim3A_236 = vector.broadcast %jit3A_235 : i32 to vector<16xi32>
      %select_n3A_237 = arith.select %and3A_232, %sub3A_234, %broadcast_in_dim3A_236 : vector<16xi1>, vector<16xi32>
      %swap3A_238 = arith.constant 0 : i32
      %swap3A_239 = arith.index_cast %swap3A_238 : i32 to index
      %swap3A_240 = arith.constant 16 : index
      %swap3A_241 = tpu.vector_load %arg10[%swap3A_239, %swap3A_240] {strides = array<i32>} : memref<2x128xi32, #tpu.memory_space<vmem>>, vector<16xi32>,
      tpu.vector_store %arg10[%swap3A_239, %swap3A_240], %select_n3A_237 {strides = array<i32>} : memref<2x128xi32, #tpu.memory_space<vmem>>, vector<16xi32>,
      %sub3A_242 = vector.broadcast %mul3A_2 : i32 to vector<16xi32>
      %sub3A_243 = arith.subi %get3A_221, %sub3A_242 : vector<16xi32>
      tpu.vector_store_idx %arg12[%sub3A_243], %broadcast_in_dim3A_5 masked %and3A_232 {add = true} : memref<320xf32, #tpu.memory_space<vmem>>[vector<16xi32>], vector<16xf32>, vector<16xi1>
      %get3A_244 = arith.constant 32 : index
      %get3A_245 = tpu.vector_load %arg8[%get3A_244] {strides = array<i32>} : memref<272xi32, #tpu.memory_space<vmem>>, vector<16xi32>,
      %add3A_246 = arith.constant 0 : i32
      %add3A_247 = arith.addi %min3A_188, %add3A_246 : i32
      %add3A_248 = arith.constant 32 : i32
      %add3A_249 = arith.addi %add3A_247, %add3A_248 : i32
      %add3A_250 = vector.broadcast %add3A_249 : i32 to vector<16xi32>
      %add3A_251 = arith.addi %add3A_250, %iota3A : vector<16xi32>
      %ge3A_252 = vector.broadcast %max3A : i32 to vector<16xi32>
      %ge3A_253 = arith.cmpi sge, %add3A_251, %ge3A_252 : vector<16xi32>
      %lt3A_254 = vector.broadcast %min3A_197 : i32 to vector<16xi32>
      %lt3A_255 = arith.cmpi slt, %add3A_251, %lt3A_254 : vector<16xi32>
      %and3A_256 = arith.andi %ge3A_253, %lt3A_255 : vector<16xi1>
      %sub3A_257 = vector.broadcast %mul3A_4 : i32 to vector<16xi32>
      %sub3A_258 = arith.subi %get3A_245, %sub3A_257 : vector<16xi32>
      %jit3A_259 = arith.constant 5120 : i32
      %broadcast_in_dim3A_260 = vector.broadcast %jit3A_259 : i32 to vector<16xi32>
      %select_n3A_261 = arith.select %and3A_256, %sub3A_258, %broadcast_in_dim3A_260 : vector<16xi1>, vector<16xi32>
      %swap3A_262 = arith.constant 0 : i32
      %swap3A_263 = arith.index_cast %swap3A_262 : i32 to index
      %swap3A_264 = arith.constant 32 : index
      %swap3A_265 = tpu.vector_load %arg10[%swap3A_263, %swap3A_264] {strides = array<i32>} : memref<2x128xi32, #tpu.memory_space<vmem>>, vector<16xi32>,
      tpu.vector_store %arg10[%swap3A_263, %swap3A_264], %select_n3A_261 {strides = array<i32>} : memref<2x128xi32, #tpu.memory_space<vmem>>, vector<16xi32>,
      %sub3A_266 = vector.broadcast %mul3A_2 : i32 to vector<16xi32>
      %sub3A_267 = arith.subi %get3A_245, %sub3A_266 : vector<16xi32>
      tpu.vector_store_idx %arg12[%sub3A_267], %broadcast_in_dim3A_5 masked %and3A_256 {add = true} : memref<320xf32, #tpu.memory_space<vmem>>[vector<16xi32>], vector<16xf32>, vector<16xi1>
      %get3A_268 = arith.constant 48 : index
      %get3A_269 = tpu.vector_load %arg8[%get3A_268] {strides = array<i32>} : memref<272xi32, #tpu.memory_space<vmem>>, vector<16xi32>,
      %add3A_270 = arith.constant 0 : i32
      %add3A_271 = arith.addi %min3A_188, %add3A_270 : i32
      %add3A_272 = arith.constant 48 : i32
      %add3A_273 = arith.addi %add3A_271, %add3A_272 : i32
      %add3A_274 = vector.broadcast %add3A_273 : i32 to vector<16xi32>
      %add3A_275 = arith.addi %add3A_274, %iota3A : vector<16xi32>
      %ge3A_276 = vector.broadcast %max3A : i32 to vector<16xi32>
      %ge3A_277 = arith.cmpi sge, %add3A_275, %ge3A_276 : vector<16xi32>
      %lt3A_278 = vector.broadcast %min3A_197 : i32 to vector<16xi32>
      %lt3A_279 = arith.cmpi slt, %add3A_275, %lt3A_278 : vector<16xi32>
      %and3A_280 = arith.andi %ge3A_277, %lt3A_279 : vector<16xi1>
      %sub3A_281 = vector.broadcast %mul3A_4 : i32 to vector<16xi32>
      %sub3A_282 = arith.subi %get3A_269, %sub3A_281 : vector<16xi32>
      %jit3A_283 = arith.constant 5120 : i32
      %broadcast_in_dim3A_284 = vector.broadcast %jit3A_283 : i32 to vector<16xi32>
      %select_n3A_285 = arith.select %and3A_280, %sub3A_282, %broadcast_in_dim3A_284 : vector<16xi1>, vector<16xi32>
      %swap3A_286 = arith.constant 0 : i32
      %swap3A_287 = arith.index_cast %swap3A_286 : i32 to index
      %swap3A_288 = arith.constant 48 : index
      %swap3A_289 = tpu.vector_load %arg10[%swap3A_287, %swap3A_288] {strides = array<i32>} : memref<2x128xi32, #tpu.memory_space<vmem>>, vector<16xi32>,
      tpu.vector_store %arg10[%swap3A_287, %swap3A_288], %select_n3A_285 {strides = array<i32>} : memref<2x128xi32, #tpu.memory_space<vmem>>, vector<16xi32>,
      %sub3A_290 = vector.broadcast %mul3A_2 : i32 to vector<16xi32>
      %sub3A_291 = arith.subi %get3A_269, %sub3A_290 : vector<16xi32>
      tpu.vector_store_idx %arg12[%sub3A_291], %broadcast_in_dim3A_5 masked %and3A_280 {add = true} : memref<320xf32, #tpu.memory_space<vmem>>[vector<16xi32>], vector<16xf32>, vector<16xi1>
      %get3A_292 = arith.constant 64 : index
      %get3A_293 = tpu.vector_load %arg8[%get3A_292] {strides = array<i32>} : memref<272xi32, #tpu.memory_space<vmem>>, vector<16xi32>,
      %add3A_294 = arith.constant 0 : i32
      %add3A_295 = arith.addi %min3A_188, %add3A_294 : i32
      %add3A_296 = arith.constant 64 : i32
      %add3A_297 = arith.addi %add3A_295, %add3A_296 : i32
      %add3A_298 = vector.broadcast %add3A_297 : i32 to vector<16xi32>
      %add3A_299 = arith.addi %add3A_298, %iota3A : vector<16xi32>
      %ge3A_300 = vector.broadcast %max3A : i32 to vector<16xi32>
      %ge3A_301 = arith.cmpi sge, %add3A_299, %ge3A_300 : vector<16xi32>
      %lt3A_302 = vector.broadcast %min3A_197 : i32 to vector<16xi32>
      %lt3A_303 = arith.cmpi slt, %add3A_299, %lt3A_302 : vector<16xi32>
      %and3A_304 = arith.andi %ge3A_301, %lt3A_303 : vector<16xi1>
      %sub3A_305 = vector.broadcast %mul3A_4 : i32 to vector<16xi32>
      %sub3A_306 = arith.subi %get3A_293, %sub3A_305 : vector<16xi32>
      %jit3A_307 = arith.constant 5120 : i32
      %broadcast_in_dim3A_308 = vector.broadcast %jit3A_307 : i32 to vector<16xi32>
      %select_n3A_309 = arith.select %and3A_304, %sub3A_306, %broadcast_in_dim3A_308 : vector<16xi1>, vector<16xi32>
      %swap3A_310 = arith.constant 0 : i32
      %swap3A_311 = arith.index_cast %swap3A_310 : i32 to index
      %swap3A_312 = arith.constant 64 : index
      %swap3A_313 = tpu.vector_load %arg10[%swap3A_311, %swap3A_312] {strides = array<i32>} : memref<2x128xi32, #tpu.memory_space<vmem>>, vector<16xi32>,
      tpu.vector_store %arg10[%swap3A_311, %swap3A_312], %select_n3A_309 {strides = array<i32>} : memref<2x128xi32, #tpu.memory_space<vmem>>, vector<16xi32>,
      %sub3A_314 = vector.broadcast %mul3A_2 : i32 to vector<16xi32>
      %sub3A_315 = arith.subi %get3A_293, %sub3A_314 : vector<16xi32>
      tpu.vector_store_idx %arg12[%sub3A_315], %broadcast_in_dim3A_5 masked %and3A_304 {add = true} : memref<320xf32, #tpu.memory_space<vmem>>[vector<16xi32>], vector<16xf32>, vector<16xi1>
      %get3A_316 = arith.constant 80 : index
      %get3A_317 = tpu.vector_load %arg8[%get3A_316] {strides = array<i32>} : memref<272xi32, #tpu.memory_space<vmem>>, vector<16xi32>,
      %add3A_318 = arith.constant 0 : i32
      %add3A_319 = arith.addi %min3A_188, %add3A_318 : i32
      %add3A_320 = arith.constant 80 : i32
      %add3A_321 = arith.addi %add3A_319, %add3A_320 : i32
      %add3A_322 = vector.broadcast %add3A_321 : i32 to vector<16xi32>
      %add3A_323 = arith.addi %add3A_322, %iota3A : vector<16xi32>
      %ge3A_324 = vector.broadcast %max3A : i32 to vector<16xi32>
      %ge3A_325 = arith.cmpi sge, %add3A_323, %ge3A_324 : vector<16xi32>
      %lt3A_326 = vector.broadcast %min3A_197 : i32 to vector<16xi32>
      %lt3A_327 = arith.cmpi slt, %add3A_323, %lt3A_326 : vector<16xi32>
      %and3A_328 = arith.andi %ge3A_325, %lt3A_327 : vector<16xi1>
      %sub3A_329 = vector.broadcast %mul3A_4 : i32 to vector<16xi32>
      %sub3A_330 = arith.subi %get3A_317, %sub3A_329 : vector<16xi32>
      %jit3A_331 = arith.constant 5120 : i32
      %broadcast_in_dim3A_332 = vector.broadcast %jit3A_331 : i32 to vector<16xi32>
      %select_n3A_333 = arith.select %and3A_328, %sub3A_330, %broadcast_in_dim3A_332 : vector<16xi1>, vector<16xi32>
      %swap3A_334 = arith.constant 0 : i32
      %swap3A_335 = arith.index_cast %swap3A_334 : i32 to index
      %swap3A_336 = arith.constant 80 : index
      %swap3A_337 = tpu.vector_load %arg10[%swap3A_335, %swap3A_336] {strides = array<i32>} : memref<2x128xi32, #tpu.memory_space<vmem>>, vector<16xi32>,
      tpu.vector_store %arg10[%swap3A_335, %swap3A_336], %select_n3A_333 {strides = array<i32>} : memref<2x128xi32, #tpu.memory_space<vmem>>, vector<16xi32>,
      %sub3A_338 = vector.broadcast %mul3A_2 : i32 to vector<16xi32>
      %sub3A_339 = arith.subi %get3A_317, %sub3A_338 : vector<16xi32>
      tpu.vector_store_idx %arg12[%sub3A_339], %broadcast_in_dim3A_5 masked %and3A_328 {add = true} : memref<320xf32, #tpu.memory_space<vmem>>[vector<16xi32>], vector<16xf32>, vector<16xi1>
      %get3A_340 = arith.constant 96 : index
      %get3A_341 = tpu.vector_load %arg8[%get3A_340] {strides = array<i32>} : memref<272xi32, #tpu.memory_space<vmem>>, vector<16xi32>,
      %add3A_342 = arith.constant 0 : i32
      %add3A_343 = arith.addi %min3A_188, %add3A_342 : i32
      %add3A_344 = arith.constant 96 : i32
      %add3A_345 = arith.addi %add3A_343, %add3A_344 : i32
      %add3A_346 = vector.broadcast %add3A_345 : i32 to vector<16xi32>
      %add3A_347 = arith.addi %add3A_346, %iota3A : vector<16xi32>
      %ge3A_348 = vector.broadcast %max3A : i32 to vector<16xi32>
      %ge3A_349 = arith.cmpi sge, %add3A_347, %ge3A_348 : vector<16xi32>
      %lt3A_350 = vector.broadcast %min3A_197 : i32 to vector<16xi32>
      %lt3A_351 = arith.cmpi slt, %add3A_347, %lt3A_350 : vector<16xi32>
      %and3A_352 = arith.andi %ge3A_349, %lt3A_351 : vector<16xi1>
      %sub3A_353 = vector.broadcast %mul3A_4 : i32 to vector<16xi32>
      %sub3A_354 = arith.subi %get3A_341, %sub3A_353 : vector<16xi32>
      %jit3A_355 = arith.constant 5120 : i32
      %broadcast_in_dim3A_356 = vector.broadcast %jit3A_355 : i32 to vector<16xi32>
      %select_n3A_357 = arith.select %and3A_352, %sub3A_354, %broadcast_in_dim3A_356 : vector<16xi1>, vector<16xi32>
      %swap3A_358 = arith.constant 0 : i32
      %swap3A_359 = arith.index_cast %swap3A_358 : i32 to index
      %swap3A_360 = arith.constant 96 : index
      %swap3A_361 = tpu.vector_load %arg10[%swap3A_359, %swap3A_360] {strides = array<i32>} : memref<2x128xi32, #tpu.memory_space<vmem>>, vector<16xi32>,
      tpu.vector_store %arg10[%swap3A_359, %swap3A_360], %select_n3A_357 {strides = array<i32>} : memref<2x128xi32, #tpu.memory_space<vmem>>, vector<16xi32>,
      %sub3A_362 = vector.broadcast %mul3A_2 : i32 to vector<16xi32>
      %sub3A_363 = arith.subi %get3A_341, %sub3A_362 : vector<16xi32>
      tpu.vector_store_idx %arg12[%sub3A_363], %broadcast_in_dim3A_5 masked %and3A_352 {add = true} : memref<320xf32, #tpu.memory_space<vmem>>[vector<16xi32>], vector<16xf32>, vector<16xi1>
      %get3A_364 = arith.constant 112 : index
      %get3A_365 = tpu.vector_load %arg8[%get3A_364] {strides = array<i32>} : memref<272xi32, #tpu.memory_space<vmem>>, vector<16xi32>,
      %add3A_366 = arith.constant 0 : i32
      %add3A_367 = arith.addi %min3A_188, %add3A_366 : i32
      %add3A_368 = arith.constant 112 : i32
      %add3A_369 = arith.addi %add3A_367, %add3A_368 : i32
      %add3A_370 = vector.broadcast %add3A_369 : i32 to vector<16xi32>
      %add3A_371 = arith.addi %add3A_370, %iota3A : vector<16xi32>
      %ge3A_372 = vector.broadcast %max3A : i32 to vector<16xi32>
      %ge3A_373 = arith.cmpi sge, %add3A_371, %ge3A_372 : vector<16xi32>
      %lt3A_374 = vector.broadcast %min3A_197 : i32 to vector<16xi32>
      %lt3A_375 = arith.cmpi slt, %add3A_371, %lt3A_374 : vector<16xi32>
      %and3A_376 = arith.andi %ge3A_373, %lt3A_375 : vector<16xi1>
      %sub3A_377 = vector.broadcast %mul3A_4 : i32 to vector<16xi32>
      %sub3A_378 = arith.subi %get3A_365, %sub3A_377 : vector<16xi32>
      %jit3A_379 = arith.constant 5120 : i32
      %broadcast_in_dim3A_380 = vector.broadcast %jit3A_379 : i32 to vector<16xi32>
      %select_n3A_381 = arith.select %and3A_376, %sub3A_378, %broadcast_in_dim3A_380 : vector<16xi1>, vector<16xi32>
      %swap3A_382 = arith.constant 0 : i32
      %swap3A_383 = arith.index_cast %swap3A_382 : i32 to index
      %swap3A_384 = arith.constant 112 : index
      %swap3A_385 = tpu.vector_load %arg10[%swap3A_383, %swap3A_384] {strides = array<i32>} : memref<2x128xi32, #tpu.memory_space<vmem>>, vector<16xi32>,
      tpu.vector_store %arg10[%swap3A_383, %swap3A_384], %select_n3A_381 {strides = array<i32>} : memref<2x128xi32, #tpu.memory_space<vmem>>, vector<16xi32>,
      %sub3A_386 = vector.broadcast %mul3A_2 : i32 to vector<16xi32>
      %sub3A_387 = arith.subi %get3A_365, %sub3A_386 : vector<16xi32>
      tpu.vector_store_idx %arg12[%sub3A_387], %broadcast_in_dim3A_5 masked %and3A_376 {add = true} : memref<320xf32, #tpu.memory_space<vmem>>[vector<16xi32>], vector<16xf32>, vector<16xi1>
      %get3A_388 = arith.constant 128 : index
      %get3A_389 = tpu.vector_load %arg8[%get3A_388] {strides = array<i32>} : memref<272xi32, #tpu.memory_space<vmem>>, vector<16xi32>,
      %add3A_390 = arith.constant 128 : i32
      %add3A_391 = arith.addi %min3A_188, %add3A_390 : i32
      %add3A_392 = arith.constant 0 : i32
      %add3A_393 = arith.addi %add3A_391, %add3A_392 : i32
      %add3A_394 = vector.broadcast %add3A_393 : i32 to vector<16xi32>
      %add3A_395 = arith.addi %add3A_394, %iota3A : vector<16xi32>
      %ge3A_396 = vector.broadcast %max3A : i32 to vector<16xi32>
      %ge3A_397 = arith.cmpi sge, %add3A_395, %ge3A_396 : vector<16xi32>
      %lt3A_398 = vector.broadcast %min3A_197 : i32 to vector<16xi32>
      %lt3A_399 = arith.cmpi slt, %add3A_395, %lt3A_398 : vector<16xi32>
      %and3A_400 = arith.andi %ge3A_397, %lt3A_399 : vector<16xi1>
      %sub3A_401 = vector.broadcast %mul3A_4 : i32 to vector<16xi32>
      %sub3A_402 = arith.subi %get3A_389, %sub3A_401 : vector<16xi32>
      %jit3A_403 = arith.constant 5120 : i32
      %broadcast_in_dim3A_404 = vector.broadcast %jit3A_403 : i32 to vector<16xi32>
      %select_n3A_405 = arith.select %and3A_400, %sub3A_402, %broadcast_in_dim3A_404 : vector<16xi1>, vector<16xi32>
      %swap3A_406 = arith.constant 1 : i32
      %swap3A_407 = arith.index_cast %swap3A_406 : i32 to index
      %swap3A_408 = arith.constant 0 : index
      %swap3A_409 = tpu.vector_load %arg10[%swap3A_407, %swap3A_408] {strides = array<i32>} : memref<2x128xi32, #tpu.memory_space<vmem>>, vector<16xi32>,
      tpu.vector_store %arg10[%swap3A_407, %swap3A_408], %select_n3A_405 {strides = array<i32>} : memref<2x128xi32, #tpu.memory_space<vmem>>, vector<16xi32>,
      %sub3A_410 = vector.broadcast %mul3A_2 : i32 to vector<16xi32>
      %sub3A_411 = arith.subi %get3A_389, %sub3A_410 : vector<16xi32>
      tpu.vector_store_idx %arg12[%sub3A_411], %broadcast_in_dim3A_5 masked %and3A_400 {add = true} : memref<320xf32, #tpu.memory_space<vmem>>[vector<16xi32>], vector<16xf32>, vector<16xi1>
      %get3A_412 = arith.constant 144 : index
      %get3A_413 = tpu.vector_load %arg8[%get3A_412] {strides = array<i32>} : memref<272xi32, #tpu.memory_space<vmem>>, vector<16xi32>,
      %add3A_414 = arith.constant 128 : i32
      %add3A_415 = arith.addi %min3A_188, %add3A_414 : i32
      %add3A_416 = arith.constant 16 : i32
      %add3A_417 = arith.addi %add3A_415, %add3A_416 : i32
      %add3A_418 = vector.broadcast %add3A_417 : i32 to vector<16xi32>
      %add3A_419 = arith.addi %add3A_418, %iota3A : vector<16xi32>
      %ge3A_420 = vector.broadcast %max3A : i32 to vector<16xi32>
      %ge3A_421 = arith.cmpi sge, %add3A_419, %ge3A_420 : vector<16xi32>
      %lt3A_422 = vector.broadcast %min3A_197 : i32 to vector<16xi32>
      %lt3A_423 = arith.cmpi slt, %add3A_419, %lt3A_422 : vector<16xi32>
      %and3A_424 = arith.andi %ge3A_421, %lt3A_423 : vector<16xi1>
      %sub3A_425 = vector.broadcast %mul3A_4 : i32 to vector<16xi32>
      %sub3A_426 = arith.subi %get3A_413, %sub3A_425 : vector<16xi32>
      %jit3A_427 = arith.constant 5120 : i32
      %broadcast_in_dim3A_428 = vector.broadcast %jit3A_427 : i32 to vector<16xi32>
      %select_n3A_429 = arith.select %and3A_424, %sub3A_426, %broadcast_in_dim3A_428 : vector<16xi1>, vector<16xi32>
      %swap3A_430 = arith.constant 1 : i32
      %swap3A_431 = arith.index_cast %swap3A_430 : i32 to index
      %swap3A_432 = arith.constant 16 : index
      %swap3A_433 = tpu.vector_load %arg10[%swap3A_431, %swap3A_432] {strides = array<i32>} : memref<2x128xi32, #tpu.memory_space<vmem>>, vector<16xi32>,
      tpu.vector_store %arg10[%swap3A_431, %swap3A_432], %select_n3A_429 {strides = array<i32>} : memref<2x128xi32, #tpu.memory_space<vmem>>, vector<16xi32>,
      %sub3A_434 = vector.broadcast %mul3A_2 : i32 to vector<16xi32>
      %sub3A_435 = arith.subi %get3A_413, %sub3A_434 : vector<16xi32>
      tpu.vector_store_idx %arg12[%sub3A_435], %broadcast_in_dim3A_5 masked %and3A_424 {add = true} : memref<320xf32, #tpu.memory_space<vmem>>[vector<16xi32>], vector<16xf32>, vector<16xi1>
      %get3A_436 = arith.constant 160 : index
      %get3A_437 = tpu.vector_load %arg8[%get3A_436] {strides = array<i32>} : memref<272xi32, #tpu.memory_space<vmem>>, vector<16xi32>,
      %add3A_438 = arith.constant 128 : i32
      %add3A_439 = arith.addi %min3A_188, %add3A_438 : i32
      %add3A_440 = arith.constant 32 : i32
      %add3A_441 = arith.addi %add3A_439, %add3A_440 : i32
      %add3A_442 = vector.broadcast %add3A_441 : i32 to vector<16xi32>
      %add3A_443 = arith.addi %add3A_442, %iota3A : vector<16xi32>
      %ge3A_444 = vector.broadcast %max3A : i32 to vector<16xi32>
      %ge3A_445 = arith.cmpi sge, %add3A_443, %ge3A_444 : vector<16xi32>
      %lt3A_446 = vector.broadcast %min3A_197 : i32 to vector<16xi32>
      %lt3A_447 = arith.cmpi slt, %add3A_443, %lt3A_446 : vector<16xi32>
      %and3A_448 = arith.andi %ge3A_445, %lt3A_447 : vector<16xi1>
      %sub3A_449 = vector.broadcast %mul3A_4 : i32 to vector<16xi32>
      %sub3A_450 = arith.subi %get3A_437, %sub3A_449 : vector<16xi32>
      %jit3A_451 = arith.constant 5120 : i32
      %broadcast_in_dim3A_452 = vector.broadcast %jit3A_451 : i32 to vector<16xi32>
      %select_n3A_453 = arith.select %and3A_448, %sub3A_450, %broadcast_in_dim3A_452 : vector<16xi1>, vector<16xi32>
      %swap3A_454 = arith.constant 1 : i32
      %swap3A_455 = arith.index_cast %swap3A_454 : i32 to index
      %swap3A_456 = arith.constant 32 : index
      %swap3A_457 = tpu.vector_load %arg10[%swap3A_455, %swap3A_456] {strides = array<i32>} : memref<2x128xi32, #tpu.memory_space<vmem>>, vector<16xi32>,
      tpu.vector_store %arg10[%swap3A_455, %swap3A_456], %select_n3A_453 {strides = array<i32>} : memref<2x128xi32, #tpu.memory_space<vmem>>, vector<16xi32>,
      %sub3A_458 = vector.broadcast %mul3A_2 : i32 to vector<16xi32>
      %sub3A_459 = arith.subi %get3A_437, %sub3A_458 : vector<16xi32>
      tpu.vector_store_idx %arg12[%sub3A_459], %broadcast_in_dim3A_5 masked %and3A_448 {add = true} : memref<320xf32, #tpu.memory_space<vmem>>[vector<16xi32>], vector<16xf32>, vector<16xi1>
      %get3A_460 = arith.constant 176 : index
      %get3A_461 = tpu.vector_load %arg8[%get3A_460] {strides = array<i32>} : memref<272xi32, #tpu.memory_space<vmem>>, vector<16xi32>,
      %add3A_462 = arith.constant 128 : i32
      %add3A_463 = arith.addi %min3A_188, %add3A_462 : i32
      %add3A_464 = arith.constant 48 : i32
      %add3A_465 = arith.addi %add3A_463, %add3A_464 : i32
      %add3A_466 = vector.broadcast %add3A_465 : i32 to vector<16xi32>
      %add3A_467 = arith.addi %add3A_466, %iota3A : vector<16xi32>
      %ge3A_468 = vector.broadcast %max3A : i32 to vector<16xi32>
      %ge3A_469 = arith.cmpi sge, %add3A_467, %ge3A_468 : vector<16xi32>
      %lt3A_470 = vector.broadcast %min3A_197 : i32 to vector<16xi32>
      %lt3A_471 = arith.cmpi slt, %add3A_467, %lt3A_470 : vector<16xi32>
      %and3A_472 = arith.andi %ge3A_469, %lt3A_471 : vector<16xi1>
      %sub3A_473 = vector.broadcast %mul3A_4 : i32 to vector<16xi32>
      %sub3A_474 = arith.subi %get3A_461, %sub3A_473 : vector<16xi32>
      %jit3A_475 = arith.constant 5120 : i32
      %broadcast_in_dim3A_476 = vector.broadcast %jit3A_475 : i32 to vector<16xi32>
      %select_n3A_477 = arith.select %and3A_472, %sub3A_474, %broadcast_in_dim3A_476 : vector<16xi1>, vector<16xi32>
      %swap3A_478 = arith.constant 1 : i32
      %swap3A_479 = arith.index_cast %swap3A_478 : i32 to index
      %swap3A_480 = arith.constant 48 : index
      %swap3A_481 = tpu.vector_load %arg10[%swap3A_479, %swap3A_480] {strides = array<i32>} : memref<2x128xi32, #tpu.memory_space<vmem>>, vector<16xi32>,
      tpu.vector_store %arg10[%swap3A_479, %swap3A_480], %select_n3A_477 {strides = array<i32>} : memref<2x128xi32, #tpu.memory_space<vmem>>, vector<16xi32>,
      %sub3A_482 = vector.broadcast %mul3A_2 : i32 to vector<16xi32>
      %sub3A_483 = arith.subi %get3A_461, %sub3A_482 : vector<16xi32>
      tpu.vector_store_idx %arg12[%sub3A_483], %broadcast_in_dim3A_5 masked %and3A_472 {add = true} : memref<320xf32, #tpu.memory_space<vmem>>[vector<16xi32>], vector<16xf32>, vector<16xi1>
      %get3A_484 = arith.constant 192 : index
      %get3A_485 = tpu.vector_load %arg8[%get3A_484] {strides = array<i32>} : memref<272xi32, #tpu.memory_space<vmem>>, vector<16xi32>,
      %add3A_486 = arith.constant 128 : i32
      %add3A_487 = arith.addi %min3A_188, %add3A_486 : i32
      %add3A_488 = arith.constant 64 : i32
      %add3A_489 = arith.addi %add3A_487, %add3A_488 : i32
      %add3A_490 = vector.broadcast %add3A_489 : i32 to vector<16xi32>
      %add3A_491 = arith.addi %add3A_490, %iota3A : vector<16xi32>
      %ge3A_492 = vector.broadcast %max3A : i32 to vector<16xi32>
      %ge3A_493 = arith.cmpi sge, %add3A_491, %ge3A_492 : vector<16xi32>
      %lt3A_494 = vector.broadcast %min3A_197 : i32 to vector<16xi32>
      %lt3A_495 = arith.cmpi slt, %add3A_491, %lt3A_494 : vector<16xi32>
      %and3A_496 = arith.andi %ge3A_493, %lt3A_495 : vector<16xi1>
      %sub3A_497 = vector.broadcast %mul3A_4 : i32 to vector<16xi32>
      %sub3A_498 = arith.subi %get3A_485, %sub3A_497 : vector<16xi32>
      %jit3A_499 = arith.constant 5120 : i32
      %broadcast_in_dim3A_500 = vector.broadcast %jit3A_499 : i32 to vector<16xi32>
      %select_n3A_501 = arith.select %and3A_496, %sub3A_498, %broadcast_in_dim3A_500 : vector<16xi1>, vector<16xi32>
      %swap3A_502 = arith.constant 1 : i32
      %swap3A_503 = arith.index_cast %swap3A_502 : i32 to index
      %swap3A_504 = arith.constant 64 : index
      %swap3A_505 = tpu.vector_load %arg10[%swap3A_503, %swap3A_504] {strides = array<i32>} : memref<2x128xi32, #tpu.memory_space<vmem>>, vector<16xi32>,
      tpu.vector_store %arg10[%swap3A_503, %swap3A_504], %select_n3A_501 {strides = array<i32>} : memref<2x128xi32, #tpu.memory_space<vmem>>, vector<16xi32>,
      %sub3A_506 = vector.broadcast %mul3A_2 : i32 to vector<16xi32>
      %sub3A_507 = arith.subi %get3A_485, %sub3A_506 : vector<16xi32>
      tpu.vector_store_idx %arg12[%sub3A_507], %broadcast_in_dim3A_5 masked %and3A_496 {add = true} : memref<320xf32, #tpu.memory_space<vmem>>[vector<16xi32>], vector<16xf32>, vector<16xi1>
      %get3A_508 = arith.constant 208 : index
      %get3A_509 = tpu.vector_load %arg8[%get3A_508] {strides = array<i32>} : memref<272xi32, #tpu.memory_space<vmem>>, vector<16xi32>,
      %add3A_510 = arith.constant 128 : i32
      %add3A_511 = arith.addi %min3A_188, %add3A_510 : i32
      %add3A_512 = arith.constant 80 : i32
      %add3A_513 = arith.addi %add3A_511, %add3A_512 : i32
      %add3A_514 = vector.broadcast %add3A_513 : i32 to vector<16xi32>
      %add3A_515 = arith.addi %add3A_514, %iota3A : vector<16xi32>
      %ge3A_516 = vector.broadcast %max3A : i32 to vector<16xi32>
      %ge3A_517 = arith.cmpi sge, %add3A_515, %ge3A_516 : vector<16xi32>
      %lt3A_518 = vector.broadcast %min3A_197 : i32 to vector<16xi32>
      %lt3A_519 = arith.cmpi slt, %add3A_515, %lt3A_518 : vector<16xi32>
      %and3A_520 = arith.andi %ge3A_517, %lt3A_519 : vector<16xi1>
      %sub3A_521 = vector.broadcast %mul3A_4 : i32 to vector<16xi32>
      %sub3A_522 = arith.subi %get3A_509, %sub3A_521 : vector<16xi32>
      %jit3A_523 = arith.constant 5120 : i32
      %broadcast_in_dim3A_524 = vector.broadcast %jit3A_523 : i32 to vector<16xi32>
      %select_n3A_525 = arith.select %and3A_520, %sub3A_522, %broadcast_in_dim3A_524 : vector<16xi1>, vector<16xi32>
      %swap3A_526 = arith.constant 1 : i32
      %swap3A_527 = arith.index_cast %swap3A_526 : i32 to index
      %swap3A_528 = arith.constant 80 : index
      %swap3A_529 = tpu.vector_load %arg10[%swap3A_527, %swap3A_528] {strides = array<i32>} : memref<2x128xi32, #tpu.memory_space<vmem>>, vector<16xi32>,
      tpu.vector_store %arg10[%swap3A_527, %swap3A_528], %select_n3A_525 {strides = array<i32>} : memref<2x128xi32, #tpu.memory_space<vmem>>, vector<16xi32>,
      %sub3A_530 = vector.broadcast %mul3A_2 : i32 to vector<16xi32>
      %sub3A_531 = arith.subi %get3A_509, %sub3A_530 : vector<16xi32>
      tpu.vector_store_idx %arg12[%sub3A_531], %broadcast_in_dim3A_5 masked %and3A_520 {add = true} : memref<320xf32, #tpu.memory_space<vmem>>[vector<16xi32>], vector<16xf32>, vector<16xi1>
      %get3A_532 = arith.constant 224 : index
      %get3A_533 = tpu.vector_load %arg8[%get3A_532] {strides = array<i32>} : memref<272xi32, #tpu.memory_space<vmem>>, vector<16xi32>,
      %add3A_534 = arith.constant 128 : i32
      %add3A_535 = arith.addi %min3A_188, %add3A_534 : i32
      %add3A_536 = arith.constant 96 : i32
      %add3A_537 = arith.addi %add3A_535, %add3A_536 : i32
      %add3A_538 = vector.broadcast %add3A_537 : i32 to vector<16xi32>
      %add3A_539 = arith.addi %add3A_538, %iota3A : vector<16xi32>
      %ge3A_540 = vector.broadcast %max3A : i32 to vector<16xi32>
      %ge3A_541 = arith.cmpi sge, %add3A_539, %ge3A_540 : vector<16xi32>
      %lt3A_542 = vector.broadcast %min3A_197 : i32 to vector<16xi32>
      %lt3A_543 = arith.cmpi slt, %add3A_539, %lt3A_542 : vector<16xi32>
      %and3A_544 = arith.andi %ge3A_541, %lt3A_543 : vector<16xi1>
      %sub3A_545 = vector.broadcast %mul3A_4 : i32 to vector<16xi32>
      %sub3A_546 = arith.subi %get3A_533, %sub3A_545 : vector<16xi32>
      %jit3A_547 = arith.constant 5120 : i32
      %broadcast_in_dim3A_548 = vector.broadcast %jit3A_547 : i32 to vector<16xi32>
      %select_n3A_549 = arith.select %and3A_544, %sub3A_546, %broadcast_in_dim3A_548 : vector<16xi1>, vector<16xi32>
      %swap3A_550 = arith.constant 1 : i32
      %swap3A_551 = arith.index_cast %swap3A_550 : i32 to index
      %swap3A_552 = arith.constant 96 : index
      %swap3A_553 = tpu.vector_load %arg10[%swap3A_551, %swap3A_552] {strides = array<i32>} : memref<2x128xi32, #tpu.memory_space<vmem>>, vector<16xi32>,
      tpu.vector_store %arg10[%swap3A_551, %swap3A_552], %select_n3A_549 {strides = array<i32>} : memref<2x128xi32, #tpu.memory_space<vmem>>, vector<16xi32>,
      %sub3A_554 = vector.broadcast %mul3A_2 : i32 to vector<16xi32>
      %sub3A_555 = arith.subi %get3A_533, %sub3A_554 : vector<16xi32>
      tpu.vector_store_idx %arg12[%sub3A_555], %broadcast_in_dim3A_5 masked %and3A_544 {add = true} : memref<320xf32, #tpu.memory_space<vmem>>[vector<16xi32>], vector<16xf32>, vector<16xi1>
      %get3A_556 = arith.constant 240 : index
      %get3A_557 = tpu.vector_load %arg8[%get3A_556] {strides = array<i32>} : memref<272xi32, #tpu.memory_space<vmem>>, vector<16xi32>,
      %add3A_558 = arith.constant 128 : i32
      %add3A_559 = arith.addi %min3A_188, %add3A_558 : i32
      %add3A_560 = arith.constant 112 : i32
      %add3A_561 = arith.addi %add3A_559, %add3A_560 : i32
      %add3A_562 = vector.broadcast %add3A_561 : i32 to vector<16xi32>
      %add3A_563 = arith.addi %add3A_562, %iota3A : vector<16xi32>
      %ge3A_564 = vector.broadcast %max3A : i32 to vector<16xi32>
      %ge3A_565 = arith.cmpi sge, %add3A_563, %ge3A_564 : vector<16xi32>
      %lt3A_566 = vector.broadcast %min3A_197 : i32 to vector<16xi32>
      %lt3A_567 = arith.cmpi slt, %add3A_563, %lt3A_566 : vector<16xi32>
      %and3A_568 = arith.andi %ge3A_565, %lt3A_567 : vector<16xi1>
      %sub3A_569 = vector.broadcast %mul3A_4 : i32 to vector<16xi32>
      %sub3A_570 = arith.subi %get3A_557, %sub3A_569 : vector<16xi32>
      %jit3A_571 = arith.constant 5120 : i32
      %broadcast_in_dim3A_572 = vector.broadcast %jit3A_571 : i32 to vector<16xi32>
      %select_n3A_573 = arith.select %and3A_568, %sub3A_570, %broadcast_in_dim3A_572 : vector<16xi1>, vector<16xi32>
      %swap3A_574 = arith.constant 1 : i32
      %swap3A_575 = arith.index_cast %swap3A_574 : i32 to index
      %swap3A_576 = arith.constant 112 : index
      %swap3A_577 = tpu.vector_load %arg10[%swap3A_575, %swap3A_576] {strides = array<i32>} : memref<2x128xi32, #tpu.memory_space<vmem>>, vector<16xi32>,
      tpu.vector_store %arg10[%swap3A_575, %swap3A_576], %select_n3A_573 {strides = array<i32>} : memref<2x128xi32, #tpu.memory_space<vmem>>, vector<16xi32>,
      %sub3A_578 = vector.broadcast %mul3A_2 : i32 to vector<16xi32>
      %sub3A_579 = arith.subi %get3A_557, %sub3A_578 : vector<16xi32>
      tpu.vector_store_idx %arg12[%sub3A_579], %broadcast_in_dim3A_5 masked %and3A_568 {add = true} : memref<320xf32, #tpu.memory_space<vmem>>[vector<16xi32>], vector<16xf32>, vector<16xi1>
      %run_scoped3A = arith.constant 0 : i32
      "tpu.region"() ({
        %run_scoped3A_586 = tpu.sem_alloc : memref<!tpu.dma_semaphore, #tpu.memory_space<semaphore_mem>>
        %dma_start3A = arith.constant 0 : i32
        %dma_start3A_587 = arith.constant 0 : i32
        %dma_start3A_588 = tpu.memref_slice %arg6[%dma_start3A, %dma_start3A_587] : memref<256x128xf32, #tpu.memory_space<vmem>> -> memref<128x128xf32, #tpu.memory_space<vmem>>
        %dma_start3A_589 = arith.constant 0 : i32
        %dma_start3A_590 = tpu.memref_slice %arg10[%run_scoped3A, %dma_start3A_589] : memref<2x128xi32, #tpu.memory_space<vmem>> -> memref<1x128xi32, #tpu.memory_space<vmem>>
        %dma_start3A_591 = tpu.memref_squeeze %dma_start3A_590 : memref<1x128xi32, #tpu.memory_space<vmem>> -> memref<128xi32, #tpu.memory_space<vmem>>
        %dma_start3A_592 = arith.constant 0 : i32
        %dma_start3A_593 = arith.constant 0 : i32
        %dma_start3A_594 = tpu.memref_slice %arg14[%dma_start3A_592, %dma_start3A_593] : memref<5248x128xf32, #tpu.memory_space<vmem_shared>> -> memref<5248x128xf32, #tpu.memory_space<vmem_shared>>
        tpu.enqueue_indirect_dma source(%dma_start3A_588 : memref<128x128xf32, #tpu.memory_space<vmem>>) target(%dma_start3A_594 : memref<5248x128xf32, #tpu.memory_space<vmem_shared>>) offsets(%dma_start3A_591 : memref<128xi32, #tpu.memory_space<vmem>>) semaphore(%run_scoped3A_586 : memref<!tpu.dma_semaphore, #tpu.memory_space<semaphore_mem>>) {add = true}
        %dma_wait3A_595 = arith.constant 0 : i32
        %dma_wait3A_596 = arith.constant 0 : i32
        %dma_wait3A_597 = tpu.memref_slice %arg6[%dma_wait3A_595, %dma_wait3A_596] : memref<256x128xf32, #tpu.memory_space<vmem>> -> memref<128x128xf32, #tpu.memory_space<vmem>>
        %dma_wait3A_598 = arith.constant 0 : i32
        %dma_wait3A_599 = tpu.memref_slice %arg10[%run_scoped3A, %dma_wait3A_598] : memref<2x128xi32, #tpu.memory_space<vmem>> -> memref<1x128xi32, #tpu.memory_space<vmem>>
        %dma_wait3A_600 = tpu.memref_squeeze %dma_wait3A_599 : memref<1x128xi32, #tpu.memory_space<vmem>> -> memref<128xi32, #tpu.memory_space<vmem>>
        %dma_wait3A_601 = arith.constant 0 : i32
        %dma_wait3A_602 = arith.constant 0 : i32
        %dma_wait3A_603 = tpu.memref_slice %arg14[%dma_wait3A_601, %dma_wait3A_602] : memref<5248x128xf32, #tpu.memory_space<vmem_shared>> -> memref<5248x128xf32, #tpu.memory_space<vmem_shared>>
        tpu.wait_indirect_dma semaphore(%run_scoped3A_586 : memref<!tpu.dma_semaphore, #tpu.memory_space<semaphore_mem>>) src(%dma_wait3A_597 : memref<128x128xf32, #tpu.memory_space<vmem>>) dst(%dma_wait3A_603 : memref<5248x128xf32, #tpu.memory_space<vmem_shared>>)
        tpu.yield
      }) : () -> ()
      %run_scoped3A_580 = arith.constant 1 : i32
      "tpu.region"() ({
        %run_scoped3A_586 = tpu.sem_alloc : memref<!tpu.dma_semaphore, #tpu.memory_space<semaphore_mem>>
        %dma_start3A = arith.constant 128 : i32
        %dma_start3A_587 = arith.constant 0 : i32
        %dma_start3A_588 = tpu.memref_slice %arg6[%dma_start3A, %dma_start3A_587] : memref<256x128xf32, #tpu.memory_space<vmem>> -> memref<128x128xf32, #tpu.memory_space<vmem>>
        %dma_start3A_589 = arith.constant 0 : i32
        %dma_start3A_590 = tpu.memref_slice %arg10[%run_scoped3A_580, %dma_start3A_589] : memref<2x128xi32, #tpu.memory_space<vmem>> -> memref<1x128xi32, #tpu.memory_space<vmem>>
        %dma_start3A_591 = tpu.memref_squeeze %dma_start3A_590 : memref<1x128xi32, #tpu.memory_space<vmem>> -> memref<128xi32, #tpu.memory_space<vmem>>
        %dma_start3A_592 = arith.constant 0 : i32
        %dma_start3A_593 = arith.constant 0 : i32
        %dma_start3A_594 = tpu.memref_slice %arg14[%dma_start3A_592, %dma_start3A_593] : memref<5248x128xf32, #tpu.memory_space<vmem_shared>> -> memref<5248x128xf32, #tpu.memory_space<vmem_shared>>
        tpu.enqueue_indirect_dma source(%dma_start3A_588 : memref<128x128xf32, #tpu.memory_space<vmem>>) target(%dma_start3A_594 : memref<5248x128xf32, #tpu.memory_space<vmem_shared>>) offsets(%dma_start3A_591 : memref<128xi32, #tpu.memory_space<vmem>>) semaphore(%run_scoped3A_586 : memref<!tpu.dma_semaphore, #tpu.memory_space<semaphore_mem>>) {add = true}
        %dma_wait3A_595 = arith.constant 128 : i32
        %dma_wait3A_596 = arith.constant 0 : i32
        %dma_wait3A_597 = tpu.memref_slice %arg6[%dma_wait3A_595, %dma_wait3A_596] : memref<256x128xf32, #tpu.memory_space<vmem>> -> memref<128x128xf32, #tpu.memory_space<vmem>>
        %dma_wait3A_598 = arith.constant 0 : i32
        %dma_wait3A_599 = tpu.memref_slice %arg10[%run_scoped3A_580, %dma_wait3A_598] : memref<2x128xi32, #tpu.memory_space<vmem>> -> memref<1x128xi32, #tpu.memory_space<vmem>>
        %dma_wait3A_600 = tpu.memref_squeeze %dma_wait3A_599 : memref<1x128xi32, #tpu.memory_space<vmem>> -> memref<128xi32, #tpu.memory_space<vmem>>
        %dma_wait3A_601 = arith.constant 0 : i32
        %dma_wait3A_602 = arith.constant 0 : i32
        %dma_wait3A_603 = tpu.memref_slice %arg14[%dma_wait3A_601, %dma_wait3A_602] : memref<5248x128xf32, #tpu.memory_space<vmem_shared>> -> memref<5248x128xf32, #tpu.memory_space<vmem_shared>>
        tpu.wait_indirect_dma semaphore(%run_scoped3A_586 : memref<!tpu.dma_semaphore, #tpu.memory_space<semaphore_mem>>) src(%dma_wait3A_597 : memref<128x128xf32, #tpu.memory_space<vmem>>) dst(%dma_wait3A_603 : memref<5248x128xf32, #tpu.memory_space<vmem_shared>>)
        tpu.yield
      }) : () -> ()
      %lt3A_581 = arith.cmpi slt, %add3A_167, %select_n3A_76 : i32
      %convert_element_type3A_582 = arith.extui %lt3A_581 : i1 to i32
      %cond3A_583 = arith.constant 0 : i32
      %cond3A_584 = arith.cmpi ne, %convert_element_type3A_582, %cond3A_583 : i32
      scf.if %cond3A_584 {
        %add3A_586 = arith.constant 0 : i32
        %add3A_587 = arith.addi %mul3A_47, %add3A_586 : i32
        %min3A_588 = arith.constant 319744 : i32
        %min3A_589 = arith.minsi %add3A_587, %min3A_588 : i32
        %dma_wait3A_590 = arith.constant 0 : i32
        %dma_wait3A_591 = tpu.memref_slice %arg2[%min3A_589, %dma_wait3A_590] : memref<320000x128xf32, #tpu.memory_space<hbm>> -> memref<256x128xf32, #tpu.memory_space<hbm>>
        %dma_wait3A_592 = arith.constant 0 : i32
        %dma_wait3A_593 = tpu.memref_slice %arg2[%min3A_589, %dma_wait3A_592] : memref<320000x128xf32, #tpu.memory_space<hbm>> -> memref<256x128xf32, #tpu.memory_space<hbm>>
        tpu.wait_dma2 semaphore(%arg16 : memref<!tpu.dma_semaphore, #tpu.memory_space<semaphore_mem>>) src(%dma_wait3A_593 : memref<256x128xf32, #tpu.memory_space<hbm>>) dst(%arg7 : memref<256x128xf32, #tpu.memory_space<vmem>>)
        %dma_wait3A_594 = arith.constant 0 : i32
        %dma_wait3A_595 = tpu.memref_slice %arg9[%dma_wait3A_594] : memref<272xi32, #tpu.memory_space<vmem>> -> memref<256xi32, #tpu.memory_space<vmem>>
        %dma_wait3A_596 = tpu.memref_slice %arg4[%min3A_589] : memref<320000xi32, #tpu.memory_space<hbm>> -> memref<256xi32, #tpu.memory_space<hbm>>
        %dma_wait3A_597 = arith.constant 0 : i32
        %dma_wait3A_598 = tpu.memref_slice %arg9[%dma_wait3A_597] : memref<272xi32, #tpu.memory_space<vmem>> -> memref<256xi32, #tpu.memory_space<vmem>>
        %dma_wait3A_599 = tpu.memref_slice %arg4[%min3A_589] : memref<320000xi32, #tpu.memory_space<hbm>> -> memref<256xi32, #tpu.memory_space<hbm>>
        tpu.wait_dma2 semaphore(%arg16 : memref<!tpu.dma_semaphore, #tpu.memory_space<semaphore_mem>>) src(%dma_wait3A_599 : memref<256xi32, #tpu.memory_space<hbm>>) dst(%dma_wait3A_598 : memref<256xi32, #tpu.memory_space<vmem>>)
        %add3A_600 = arith.constant 1 : i32
        %add3A_601 = arith.addi %add3A_167, %add3A_600 : i32
        %lt3A_602 = arith.cmpi slt, %add3A_601, %select_n3A_76 : i32
        %convert_element_type3A_603 = arith.extui %lt3A_602 : i1 to i32
        %cond3A_604 = arith.constant 0 : i32
        %cond3A_605 = arith.cmpi ne, %convert_element_type3A_603, %cond3A_604 : i32
        scf.if %cond3A_605 {
          %add3A_1007 = arith.constant 1 : i32
          %add3A_1008 = arith.addi %add3A_167, %add3A_1007 : i32
          %mul3A_1009 = arith.constant 256 : i32
          %mul3A_1010 = arith.muli %add3A_1008, %mul3A_1009 : i32
          %add3A_1011 = arith.addi %mul3A_47, %mul3A_1010 : i32
          %min3A_1012 = arith.constant 319744 : i32
          %min3A_1013 = arith.minsi %add3A_1011, %min3A_1012 : i32
          %dma_start3A = arith.constant 0 : i32
          %dma_start3A_1014 = tpu.memref_slice %arg2[%min3A_1013, %dma_start3A] : memref<320000x128xf32, #tpu.memory_space<hbm>> -> memref<256x128xf32, #tpu.memory_space<hbm>>
          %dma_start3A_1015 = arith.constant 0 : i32
          %dma_start3A_1016 = tpu.memref_slice %arg2[%min3A_1013, %dma_start3A_1015] : memref<320000x128xf32, #tpu.memory_space<hbm>> -> memref<256x128xf32, #tpu.memory_space<hbm>>
          tpu.enqueue_dma source(%dma_start3A_1016 : memref<256x128xf32, #tpu.memory_space<hbm>>) target(%arg6 : memref<256x128xf32, #tpu.memory_space<vmem>>) target_semaphore(%arg15 : memref<!tpu.dma_semaphore, #tpu.memory_space<semaphore_mem>>)
          %dma_start3A_1017 = arith.constant 0 : i32
          %dma_start3A_1018 = tpu.memref_slice %arg8[%dma_start3A_1017] : memref<272xi32, #tpu.memory_space<vmem>> -> memref<256xi32, #tpu.memory_space<vmem>>
          %dma_start3A_1019 = tpu.memref_slice %arg4[%min3A_1013] : memref<320000xi32, #tpu.memory_space<hbm>> -> memref<256xi32, #tpu.memory_space<hbm>>
          %dma_start3A_1020 = arith.constant 0 : i32
          %dma_start3A_1021 = tpu.memref_slice %arg8[%dma_start3A_1020] : memref<272xi32, #tpu.memory_space<vmem>> -> memref<256xi32, #tpu.memory_space<vmem>>
          %dma_start3A_1022 = tpu.memref_slice %arg4[%min3A_1013] : memref<320000xi32, #tpu.memory_space<hbm>> -> memref<256xi32, #tpu.memory_space<hbm>>
          tpu.enqueue_dma source(%dma_start3A_1022 : memref<256xi32, #tpu.memory_space<hbm>>) target(%dma_start3A_1021 : memref<256xi32, #tpu.memory_space<vmem>>) target_semaphore(%arg15 : memref<!tpu.dma_semaphore, #tpu.memory_space<semaphore_mem>>)
        } else {
        }
        %mul3A_606 = arith.constant 256 : i32
        %mul3A_607 = arith.muli %add3A_167, %mul3A_606 : i32
        %add3A_608 = arith.addi %mul3A_47, %mul3A_607 : i32
        %min3A_609 = arith.constant 319744 : i32
        %min3A_610 = arith.minsi %add3A_608, %min3A_609 : i32
        %mul3A_611 = arith.constant 256 : i32
        %mul3A_612 = arith.muli %add3A_167, %mul3A_611 : i32
        %add3A_613 = arith.addi %mul3A_47, %mul3A_612 : i32
        %max3A_614 = arith.maxsi %squeeze3A, %add3A_613 : i32
        %add3A_615 = arith.constant 1 : i32
        %add3A_616 = arith.addi %add3A_167, %add3A_615 : i32
        %mul3A_617 = arith.constant 256 : i32
        %mul3A_618 = arith.muli %add3A_616, %mul3A_617 : i32
        %add3A_619 = arith.addi %mul3A_47, %mul3A_618 : i32
        %min3A_620 = arith.minsi %add3A_619, %squeeze3A_8 : i32
        %get3A_621 = arith.constant 0 : index
        %get3A_622 = tpu.vector_load %arg9[%get3A_621] {strides = array<i32>} : memref<272xi32, #tpu.memory_space<vmem>>, vector<16xi32>,
        %add3A_623 = arith.constant 0 : i32
        %add3A_624 = arith.addi %min3A_610, %add3A_623 : i32
        %add3A_625 = arith.constant 0 : i32
        %add3A_626 = arith.addi %add3A_624, %add3A_625 : i32
        %add3A_627 = vector.broadcast %add3A_626 : i32 to vector<16xi32>
        %add3A_628 = arith.addi %add3A_627, %iota3A : vector<16xi32>
        %ge3A_629 = vector.broadcast %max3A_614 : i32 to vector<16xi32>
        %ge3A_630 = arith.cmpi sge, %add3A_628, %ge3A_629 : vector<16xi32>
        %lt3A_631 = vector.broadcast %min3A_620 : i32 to vector<16xi32>
        %lt3A_632 = arith.cmpi slt, %add3A_628, %lt3A_631 : vector<16xi32>
        %and3A_633 = arith.andi %ge3A_630, %lt3A_632 : vector<16xi1>
        %sub3A_634 = vector.broadcast %mul3A_4 : i32 to vector<16xi32>
        %sub3A_635 = arith.subi %get3A_622, %sub3A_634 : vector<16xi32>
        %jit3A_636 = arith.constant 5120 : i32
        %broadcast_in_dim3A_637 = vector.broadcast %jit3A_636 : i32 to vector<16xi32>
        %select_n3A_638 = arith.select %and3A_633, %sub3A_635, %broadcast_in_dim3A_637 : vector<16xi1>, vector<16xi32>
        %swap3A_639 = arith.constant 0 : i32
        %swap3A_640 = arith.index_cast %swap3A_639 : i32 to index
        %swap3A_641 = arith.constant 0 : index
        %swap3A_642 = tpu.vector_load %arg11[%swap3A_640, %swap3A_641] {strides = array<i32>} : memref<2x128xi32, #tpu.memory_space<vmem>>, vector<16xi32>,
        tpu.vector_store %arg11[%swap3A_640, %swap3A_641], %select_n3A_638 {strides = array<i32>} : memref<2x128xi32, #tpu.memory_space<vmem>>, vector<16xi32>,
        %sub3A_643 = vector.broadcast %mul3A_2 : i32 to vector<16xi32>
        %sub3A_644 = arith.subi %get3A_622, %sub3A_643 : vector<16xi32>
        tpu.vector_store_idx %arg12[%sub3A_644], %broadcast_in_dim3A_5 masked %and3A_633 {add = true} : memref<320xf32, #tpu.memory_space<vmem>>[vector<16xi32>], vector<16xf32>, vector<16xi1>
        %get3A_645 = arith.constant 16 : index
        %get3A_646 = tpu.vector_load %arg9[%get3A_645] {strides = array<i32>} : memref<272xi32, #tpu.memory_space<vmem>>, vector<16xi32>,
        %add3A_647 = arith.constant 0 : i32
        %add3A_648 = arith.addi %min3A_610, %add3A_647 : i32
        %add3A_649 = arith.constant 16 : i32
        %add3A_650 = arith.addi %add3A_648, %add3A_649 : i32
        %add3A_651 = vector.broadcast %add3A_650 : i32 to vector<16xi32>
        %add3A_652 = arith.addi %add3A_651, %iota3A : vector<16xi32>
        %ge3A_653 = vector.broadcast %max3A_614 : i32 to vector<16xi32>
        %ge3A_654 = arith.cmpi sge, %add3A_652, %ge3A_653 : vector<16xi32>
        %lt3A_655 = vector.broadcast %min3A_620 : i32 to vector<16xi32>
        %lt3A_656 = arith.cmpi slt, %add3A_652, %lt3A_655 : vector<16xi32>
        %and3A_657 = arith.andi %ge3A_654, %lt3A_656 : vector<16xi1>
        %sub3A_658 = vector.broadcast %mul3A_4 : i32 to vector<16xi32>
        %sub3A_659 = arith.subi %get3A_646, %sub3A_658 : vector<16xi32>
        %jit3A_660 = arith.constant 5120 : i32
        %broadcast_in_dim3A_661 = vector.broadcast %jit3A_660 : i32 to vector<16xi32>
        %select_n3A_662 = arith.select %and3A_657, %sub3A_659, %broadcast_in_dim3A_661 : vector<16xi1>, vector<16xi32>
        %swap3A_663 = arith.constant 0 : i32
        %swap3A_664 = arith.index_cast %swap3A_663 : i32 to index
        %swap3A_665 = arith.constant 16 : index
        %swap3A_666 = tpu.vector_load %arg11[%swap3A_664, %swap3A_665] {strides = array<i32>} : memref<2x128xi32, #tpu.memory_space<vmem>>, vector<16xi32>,
        tpu.vector_store %arg11[%swap3A_664, %swap3A_665], %select_n3A_662 {strides = array<i32>} : memref<2x128xi32, #tpu.memory_space<vmem>>, vector<16xi32>,
        %sub3A_667 = vector.broadcast %mul3A_2 : i32 to vector<16xi32>
        %sub3A_668 = arith.subi %get3A_646, %sub3A_667 : vector<16xi32>
        tpu.vector_store_idx %arg12[%sub3A_668], %broadcast_in_dim3A_5 masked %and3A_657 {add = true} : memref<320xf32, #tpu.memory_space<vmem>>[vector<16xi32>], vector<16xf32>, vector<16xi1>
        %get3A_669 = arith.constant 32 : index
        %get3A_670 = tpu.vector_load %arg9[%get3A_669] {strides = array<i32>} : memref<272xi32, #tpu.memory_space<vmem>>, vector<16xi32>,
        %add3A_671 = arith.constant 0 : i32
        %add3A_672 = arith.addi %min3A_610, %add3A_671 : i32
        %add3A_673 = arith.constant 32 : i32
        %add3A_674 = arith.addi %add3A_672, %add3A_673 : i32
        %add3A_675 = vector.broadcast %add3A_674 : i32 to vector<16xi32>
        %add3A_676 = arith.addi %add3A_675, %iota3A : vector<16xi32>
        %ge3A_677 = vector.broadcast %max3A_614 : i32 to vector<16xi32>
        %ge3A_678 = arith.cmpi sge, %add3A_676, %ge3A_677 : vector<16xi32>
        %lt3A_679 = vector.broadcast %min3A_620 : i32 to vector<16xi32>
        %lt3A_680 = arith.cmpi slt, %add3A_676, %lt3A_679 : vector<16xi32>
        %and3A_681 = arith.andi %ge3A_678, %lt3A_680 : vector<16xi1>
        %sub3A_682 = vector.broadcast %mul3A_4 : i32 to vector<16xi32>
        %sub3A_683 = arith.subi %get3A_670, %sub3A_682 : vector<16xi32>
        %jit3A_684 = arith.constant 5120 : i32
        %broadcast_in_dim3A_685 = vector.broadcast %jit3A_684 : i32 to vector<16xi32>
        %select_n3A_686 = arith.select %and3A_681, %sub3A_683, %broadcast_in_dim3A_685 : vector<16xi1>, vector<16xi32>
        %swap3A_687 = arith.constant 0 : i32
        %swap3A_688 = arith.index_cast %swap3A_687 : i32 to index
        %swap3A_689 = arith.constant 32 : index
        %swap3A_690 = tpu.vector_load %arg11[%swap3A_688, %swap3A_689] {strides = array<i32>} : memref<2x128xi32, #tpu.memory_space<vmem>>, vector<16xi32>,
        tpu.vector_store %arg11[%swap3A_688, %swap3A_689], %select_n3A_686 {strides = array<i32>} : memref<2x128xi32, #tpu.memory_space<vmem>>, vector<16xi32>,
        %sub3A_691 = vector.broadcast %mul3A_2 : i32 to vector<16xi32>
        %sub3A_692 = arith.subi %get3A_670, %sub3A_691 : vector<16xi32>
        tpu.vector_store_idx %arg12[%sub3A_692], %broadcast_in_dim3A_5 masked %and3A_681 {add = true} : memref<320xf32, #tpu.memory_space<vmem>>[vector<16xi32>], vector<16xf32>, vector<16xi1>
        %get3A_693 = arith.constant 48 : index
        %get3A_694 = tpu.vector_load %arg9[%get3A_693] {strides = array<i32>} : memref<272xi32, #tpu.memory_space<vmem>>, vector<16xi32>,
        %add3A_695 = arith.constant 0 : i32
        %add3A_696 = arith.addi %min3A_610, %add3A_695 : i32
        %add3A_697 = arith.constant 48 : i32
        %add3A_698 = arith.addi %add3A_696, %add3A_697 : i32
        %add3A_699 = vector.broadcast %add3A_698 : i32 to vector<16xi32>
        %add3A_700 = arith.addi %add3A_699, %iota3A : vector<16xi32>
        %ge3A_701 = vector.broadcast %max3A_614 : i32 to vector<16xi32>
        %ge3A_702 = arith.cmpi sge, %add3A_700, %ge3A_701 : vector<16xi32>
        %lt3A_703 = vector.broadcast %min3A_620 : i32 to vector<16xi32>
        %lt3A_704 = arith.cmpi slt, %add3A_700, %lt3A_703 : vector<16xi32>
        %and3A_705 = arith.andi %ge3A_702, %lt3A_704 : vector<16xi1>
        %sub3A_706 = vector.broadcast %mul3A_4 : i32 to vector<16xi32>
        %sub3A_707 = arith.subi %get3A_694, %sub3A_706 : vector<16xi32>
        %jit3A_708 = arith.constant 5120 : i32
        %broadcast_in_dim3A_709 = vector.broadcast %jit3A_708 : i32 to vector<16xi32>
        %select_n3A_710 = arith.select %and3A_705, %sub3A_707, %broadcast_in_dim3A_709 : vector<16xi1>, vector<16xi32>
        %swap3A_711 = arith.constant 0 : i32
        %swap3A_712 = arith.index_cast %swap3A_711 : i32 to index
        %swap3A_713 = arith.constant 48 : index
        %swap3A_714 = tpu.vector_load %arg11[%swap3A_712, %swap3A_713] {strides = array<i32>} : memref<2x128xi32, #tpu.memory_space<vmem>>, vector<16xi32>,
        tpu.vector_store %arg11[%swap3A_712, %swap3A_713], %select_n3A_710 {strides = array<i32>} : memref<2x128xi32, #tpu.memory_space<vmem>>, vector<16xi32>,
        %sub3A_715 = vector.broadcast %mul3A_2 : i32 to vector<16xi32>
        %sub3A_716 = arith.subi %get3A_694, %sub3A_715 : vector<16xi32>
        tpu.vector_store_idx %arg12[%sub3A_716], %broadcast_in_dim3A_5 masked %and3A_705 {add = true} : memref<320xf32, #tpu.memory_space<vmem>>[vector<16xi32>], vector<16xf32>, vector<16xi1>
        %get3A_717 = arith.constant 64 : index
        %get3A_718 = tpu.vector_load %arg9[%get3A_717] {strides = array<i32>} : memref<272xi32, #tpu.memory_space<vmem>>, vector<16xi32>,
        %add3A_719 = arith.constant 0 : i32
        %add3A_720 = arith.addi %min3A_610, %add3A_719 : i32
        %add3A_721 = arith.constant 64 : i32
        %add3A_722 = arith.addi %add3A_720, %add3A_721 : i32
        %add3A_723 = vector.broadcast %add3A_722 : i32 to vector<16xi32>
        %add3A_724 = arith.addi %add3A_723, %iota3A : vector<16xi32>
        %ge3A_725 = vector.broadcast %max3A_614 : i32 to vector<16xi32>
        %ge3A_726 = arith.cmpi sge, %add3A_724, %ge3A_725 : vector<16xi32>
        %lt3A_727 = vector.broadcast %min3A_620 : i32 to vector<16xi32>
        %lt3A_728 = arith.cmpi slt, %add3A_724, %lt3A_727 : vector<16xi32>
        %and3A_729 = arith.andi %ge3A_726, %lt3A_728 : vector<16xi1>
        %sub3A_730 = vector.broadcast %mul3A_4 : i32 to vector<16xi32>
        %sub3A_731 = arith.subi %get3A_718, %sub3A_730 : vector<16xi32>
        %jit3A_732 = arith.constant 5120 : i32
        %broadcast_in_dim3A_733 = vector.broadcast %jit3A_732 : i32 to vector<16xi32>
        %select_n3A_734 = arith.select %and3A_729, %sub3A_731, %broadcast_in_dim3A_733 : vector<16xi1>, vector<16xi32>
        %swap3A_735 = arith.constant 0 : i32
        %swap3A_736 = arith.index_cast %swap3A_735 : i32 to index
        %swap3A_737 = arith.constant 64 : index
        %swap3A_738 = tpu.vector_load %arg11[%swap3A_736, %swap3A_737] {strides = array<i32>} : memref<2x128xi32, #tpu.memory_space<vmem>>, vector<16xi32>,
        tpu.vector_store %arg11[%swap3A_736, %swap3A_737], %select_n3A_734 {strides = array<i32>} : memref<2x128xi32, #tpu.memory_space<vmem>>, vector<16xi32>,
        %sub3A_739 = vector.broadcast %mul3A_2 : i32 to vector<16xi32>
        %sub3A_740 = arith.subi %get3A_718, %sub3A_739 : vector<16xi32>
        tpu.vector_store_idx %arg12[%sub3A_740], %broadcast_in_dim3A_5 masked %and3A_729 {add = true} : memref<320xf32, #tpu.memory_space<vmem>>[vector<16xi32>], vector<16xf32>, vector<16xi1>
        %get3A_741 = arith.constant 80 : index
        %get3A_742 = tpu.vector_load %arg9[%get3A_741] {strides = array<i32>} : memref<272xi32, #tpu.memory_space<vmem>>, vector<16xi32>,
        %add3A_743 = arith.constant 0 : i32
        %add3A_744 = arith.addi %min3A_610, %add3A_743 : i32
        %add3A_745 = arith.constant 80 : i32
        %add3A_746 = arith.addi %add3A_744, %add3A_745 : i32
        %add3A_747 = vector.broadcast %add3A_746 : i32 to vector<16xi32>
        %add3A_748 = arith.addi %add3A_747, %iota3A : vector<16xi32>
        %ge3A_749 = vector.broadcast %max3A_614 : i32 to vector<16xi32>
        %ge3A_750 = arith.cmpi sge, %add3A_748, %ge3A_749 : vector<16xi32>
        %lt3A_751 = vector.broadcast %min3A_620 : i32 to vector<16xi32>
        %lt3A_752 = arith.cmpi slt, %add3A_748, %lt3A_751 : vector<16xi32>
        %and3A_753 = arith.andi %ge3A_750, %lt3A_752 : vector<16xi1>
        %sub3A_754 = vector.broadcast %mul3A_4 : i32 to vector<16xi32>
        %sub3A_755 = arith.subi %get3A_742, %sub3A_754 : vector<16xi32>
        %jit3A_756 = arith.constant 5120 : i32
        %broadcast_in_dim3A_757 = vector.broadcast %jit3A_756 : i32 to vector<16xi32>
        %select_n3A_758 = arith.select %and3A_753, %sub3A_755, %broadcast_in_dim3A_757 : vector<16xi1>, vector<16xi32>
        %swap3A_759 = arith.constant 0 : i32
        %swap3A_760 = arith.index_cast %swap3A_759 : i32 to index
        %swap3A_761 = arith.constant 80 : index
        %swap3A_762 = tpu.vector_load %arg11[%swap3A_760, %swap3A_761] {strides = array<i32>} : memref<2x128xi32, #tpu.memory_space<vmem>>, vector<16xi32>,
        tpu.vector_store %arg11[%swap3A_760, %swap3A_761], %select_n3A_758 {strides = array<i32>} : memref<2x128xi32, #tpu.memory_space<vmem>>, vector<16xi32>,
        %sub3A_763 = vector.broadcast %mul3A_2 : i32 to vector<16xi32>
        %sub3A_764 = arith.subi %get3A_742, %sub3A_763 : vector<16xi32>
        tpu.vector_store_idx %arg12[%sub3A_764], %broadcast_in_dim3A_5 masked %and3A_753 {add = true} : memref<320xf32, #tpu.memory_space<vmem>>[vector<16xi32>], vector<16xf32>, vector<16xi1>
        %get3A_765 = arith.constant 96 : index
        %get3A_766 = tpu.vector_load %arg9[%get3A_765] {strides = array<i32>} : memref<272xi32, #tpu.memory_space<vmem>>, vector<16xi32>,
        %add3A_767 = arith.constant 0 : i32
        %add3A_768 = arith.addi %min3A_610, %add3A_767 : i32
        %add3A_769 = arith.constant 96 : i32
        %add3A_770 = arith.addi %add3A_768, %add3A_769 : i32
        %add3A_771 = vector.broadcast %add3A_770 : i32 to vector<16xi32>
        %add3A_772 = arith.addi %add3A_771, %iota3A : vector<16xi32>
        %ge3A_773 = vector.broadcast %max3A_614 : i32 to vector<16xi32>
        %ge3A_774 = arith.cmpi sge, %add3A_772, %ge3A_773 : vector<16xi32>
        %lt3A_775 = vector.broadcast %min3A_620 : i32 to vector<16xi32>
        %lt3A_776 = arith.cmpi slt, %add3A_772, %lt3A_775 : vector<16xi32>
        %and3A_777 = arith.andi %ge3A_774, %lt3A_776 : vector<16xi1>
        %sub3A_778 = vector.broadcast %mul3A_4 : i32 to vector<16xi32>
        %sub3A_779 = arith.subi %get3A_766, %sub3A_778 : vector<16xi32>
        %jit3A_780 = arith.constant 5120 : i32
        %broadcast_in_dim3A_781 = vector.broadcast %jit3A_780 : i32 to vector<16xi32>
        %select_n3A_782 = arith.select %and3A_777, %sub3A_779, %broadcast_in_dim3A_781 : vector<16xi1>, vector<16xi32>
        %swap3A_783 = arith.constant 0 : i32
        %swap3A_784 = arith.index_cast %swap3A_783 : i32 to index
        %swap3A_785 = arith.constant 96 : index
        %swap3A_786 = tpu.vector_load %arg11[%swap3A_784, %swap3A_785] {strides = array<i32>} : memref<2x128xi32, #tpu.memory_space<vmem>>, vector<16xi32>,
        tpu.vector_store %arg11[%swap3A_784, %swap3A_785], %select_n3A_782 {strides = array<i32>} : memref<2x128xi32, #tpu.memory_space<vmem>>, vector<16xi32>,
        %sub3A_787 = vector.broadcast %mul3A_2 : i32 to vector<16xi32>
        %sub3A_788 = arith.subi %get3A_766, %sub3A_787 : vector<16xi32>
        tpu.vector_store_idx %arg12[%sub3A_788], %broadcast_in_dim3A_5 masked %and3A_777 {add = true} : memref<320xf32, #tpu.memory_space<vmem>>[vector<16xi32>], vector<16xf32>, vector<16xi1>
        %get3A_789 = arith.constant 112 : index
        %get3A_790 = tpu.vector_load %arg9[%get3A_789] {strides = array<i32>} : memref<272xi32, #tpu.memory_space<vmem>>, vector<16xi32>,
        %add3A_791 = arith.constant 0 : i32
        %add3A_792 = arith.addi %min3A_610, %add3A_791 : i32
        %add3A_793 = arith.constant 112 : i32
        %add3A_794 = arith.addi %add3A_792, %add3A_793 : i32
        %add3A_795 = vector.broadcast %add3A_794 : i32 to vector<16xi32>
        %add3A_796 = arith.addi %add3A_795, %iota3A : vector<16xi32>
        %ge3A_797 = vector.broadcast %max3A_614 : i32 to vector<16xi32>
        %ge3A_798 = arith.cmpi sge, %add3A_796, %ge3A_797 : vector<16xi32>
        %lt3A_799 = vector.broadcast %min3A_620 : i32 to vector<16xi32>
        %lt3A_800 = arith.cmpi slt, %add3A_796, %lt3A_799 : vector<16xi32>
        %and3A_801 = arith.andi %ge3A_798, %lt3A_800 : vector<16xi1>
        %sub3A_802 = vector.broadcast %mul3A_4 : i32 to vector<16xi32>
        %sub3A_803 = arith.subi %get3A_790, %sub3A_802 : vector<16xi32>
        %jit3A_804 = arith.constant 5120 : i32
        %broadcast_in_dim3A_805 = vector.broadcast %jit3A_804 : i32 to vector<16xi32>
        %select_n3A_806 = arith.select %and3A_801, %sub3A_803, %broadcast_in_dim3A_805 : vector<16xi1>, vector<16xi32>
        %swap3A_807 = arith.constant 0 : i32
        %swap3A_808 = arith.index_cast %swap3A_807 : i32 to index
        %swap3A_809 = arith.constant 112 : index
        %swap3A_810 = tpu.vector_load %arg11[%swap3A_808, %swap3A_809] {strides = array<i32>} : memref<2x128xi32, #tpu.memory_space<vmem>>, vector<16xi32>,
        tpu.vector_store %arg11[%swap3A_808, %swap3A_809], %select_n3A_806 {strides = array<i32>} : memref<2x128xi32, #tpu.memory_space<vmem>>, vector<16xi32>,
        %sub3A_811 = vector.broadcast %mul3A_2 : i32 to vector<16xi32>
        %sub3A_812 = arith.subi %get3A_790, %sub3A_811 : vector<16xi32>
        tpu.vector_store_idx %arg12[%sub3A_812], %broadcast_in_dim3A_5 masked %and3A_801 {add = true} : memref<320xf32, #tpu.memory_space<vmem>>[vector<16xi32>], vector<16xf32>, vector<16xi1>
        %get3A_813 = arith.constant 128 : index
        %get3A_814 = tpu.vector_load %arg9[%get3A_813] {strides = array<i32>} : memref<272xi32, #tpu.memory_space<vmem>>, vector<16xi32>,
        %add3A_815 = arith.constant 128 : i32
        %add3A_816 = arith.addi %min3A_610, %add3A_815 : i32
        %add3A_817 = arith.constant 0 : i32
        %add3A_818 = arith.addi %add3A_816, %add3A_817 : i32
        %add3A_819 = vector.broadcast %add3A_818 : i32 to vector<16xi32>
        %add3A_820 = arith.addi %add3A_819, %iota3A : vector<16xi32>
        %ge3A_821 = vector.broadcast %max3A_614 : i32 to vector<16xi32>
        %ge3A_822 = arith.cmpi sge, %add3A_820, %ge3A_821 : vector<16xi32>
        %lt3A_823 = vector.broadcast %min3A_620 : i32 to vector<16xi32>
        %lt3A_824 = arith.cmpi slt, %add3A_820, %lt3A_823 : vector<16xi32>
        %and3A_825 = arith.andi %ge3A_822, %lt3A_824 : vector<16xi1>
        %sub3A_826 = vector.broadcast %mul3A_4 : i32 to vector<16xi32>
        %sub3A_827 = arith.subi %get3A_814, %sub3A_826 : vector<16xi32>
        %jit3A_828 = arith.constant 5120 : i32
        %broadcast_in_dim3A_829 = vector.broadcast %jit3A_828 : i32 to vector<16xi32>
        %select_n3A_830 = arith.select %and3A_825, %sub3A_827, %broadcast_in_dim3A_829 : vector<16xi1>, vector<16xi32>
        %swap3A_831 = arith.constant 1 : i32
        %swap3A_832 = arith.index_cast %swap3A_831 : i32 to index
        %swap3A_833 = arith.constant 0 : index
        %swap3A_834 = tpu.vector_load %arg11[%swap3A_832, %swap3A_833] {strides = array<i32>} : memref<2x128xi32, #tpu.memory_space<vmem>>, vector<16xi32>,
        tpu.vector_store %arg11[%swap3A_832, %swap3A_833], %select_n3A_830 {strides = array<i32>} : memref<2x128xi32, #tpu.memory_space<vmem>>, vector<16xi32>,
        %sub3A_835 = vector.broadcast %mul3A_2 : i32 to vector<16xi32>
        %sub3A_836 = arith.subi %get3A_814, %sub3A_835 : vector<16xi32>
        tpu.vector_store_idx %arg12[%sub3A_836], %broadcast_in_dim3A_5 masked %and3A_825 {add = true} : memref<320xf32, #tpu.memory_space<vmem>>[vector<16xi32>], vector<16xf32>, vector<16xi1>
        %get3A_837 = arith.constant 144 : index
        %get3A_838 = tpu.vector_load %arg9[%get3A_837] {strides = array<i32>} : memref<272xi32, #tpu.memory_space<vmem>>, vector<16xi32>,
        %add3A_839 = arith.constant 128 : i32
        %add3A_840 = arith.addi %min3A_610, %add3A_839 : i32
        %add3A_841 = arith.constant 16 : i32
        %add3A_842 = arith.addi %add3A_840, %add3A_841 : i32
        %add3A_843 = vector.broadcast %add3A_842 : i32 to vector<16xi32>
        %add3A_844 = arith.addi %add3A_843, %iota3A : vector<16xi32>
        %ge3A_845 = vector.broadcast %max3A_614 : i32 to vector<16xi32>
        %ge3A_846 = arith.cmpi sge, %add3A_844, %ge3A_845 : vector<16xi32>
        %lt3A_847 = vector.broadcast %min3A_620 : i32 to vector<16xi32>
        %lt3A_848 = arith.cmpi slt, %add3A_844, %lt3A_847 : vector<16xi32>
        %and3A_849 = arith.andi %ge3A_846, %lt3A_848 : vector<16xi1>
        %sub3A_850 = vector.broadcast %mul3A_4 : i32 to vector<16xi32>
        %sub3A_851 = arith.subi %get3A_838, %sub3A_850 : vector<16xi32>
        %jit3A_852 = arith.constant 5120 : i32
        %broadcast_in_dim3A_853 = vector.broadcast %jit3A_852 : i32 to vector<16xi32>
        %select_n3A_854 = arith.select %and3A_849, %sub3A_851, %broadcast_in_dim3A_853 : vector<16xi1>, vector<16xi32>
        %swap3A_855 = arith.constant 1 : i32
        %swap3A_856 = arith.index_cast %swap3A_855 : i32 to index
        %swap3A_857 = arith.constant 16 : index
        %swap3A_858 = tpu.vector_load %arg11[%swap3A_856, %swap3A_857] {strides = array<i32>} : memref<2x128xi32, #tpu.memory_space<vmem>>, vector<16xi32>,
        tpu.vector_store %arg11[%swap3A_856, %swap3A_857], %select_n3A_854 {strides = array<i32>} : memref<2x128xi32, #tpu.memory_space<vmem>>, vector<16xi32>,
        %sub3A_859 = vector.broadcast %mul3A_2 : i32 to vector<16xi32>
        %sub3A_860 = arith.subi %get3A_838, %sub3A_859 : vector<16xi32>
        tpu.vector_store_idx %arg12[%sub3A_860], %broadcast_in_dim3A_5 masked %and3A_849 {add = true} : memref<320xf32, #tpu.memory_space<vmem>>[vector<16xi32>], vector<16xf32>, vector<16xi1>
        %get3A_861 = arith.constant 160 : index
        %get3A_862 = tpu.vector_load %arg9[%get3A_861] {strides = array<i32>} : memref<272xi32, #tpu.memory_space<vmem>>, vector<16xi32>,
        %add3A_863 = arith.constant 128 : i32
        %add3A_864 = arith.addi %min3A_610, %add3A_863 : i32
        %add3A_865 = arith.constant 32 : i32
        %add3A_866 = arith.addi %add3A_864, %add3A_865 : i32
        %add3A_867 = vector.broadcast %add3A_866 : i32 to vector<16xi32>
        %add3A_868 = arith.addi %add3A_867, %iota3A : vector<16xi32>
        %ge3A_869 = vector.broadcast %max3A_614 : i32 to vector<16xi32>
        %ge3A_870 = arith.cmpi sge, %add3A_868, %ge3A_869 : vector<16xi32>
        %lt3A_871 = vector.broadcast %min3A_620 : i32 to vector<16xi32>
        %lt3A_872 = arith.cmpi slt, %add3A_868, %lt3A_871 : vector<16xi32>
        %and3A_873 = arith.andi %ge3A_870, %lt3A_872 : vector<16xi1>
        %sub3A_874 = vector.broadcast %mul3A_4 : i32 to vector<16xi32>
        %sub3A_875 = arith.subi %get3A_862, %sub3A_874 : vector<16xi32>
        %jit3A_876 = arith.constant 5120 : i32
        %broadcast_in_dim3A_877 = vector.broadcast %jit3A_876 : i32 to vector<16xi32>
        %select_n3A_878 = arith.select %and3A_873, %sub3A_875, %broadcast_in_dim3A_877 : vector<16xi1>, vector<16xi32>
        %swap3A_879 = arith.constant 1 : i32
        %swap3A_880 = arith.index_cast %swap3A_879 : i32 to index
        %swap3A_881 = arith.constant 32 : index
        %swap3A_882 = tpu.vector_load %arg11[%swap3A_880, %swap3A_881] {strides = array<i32>} : memref<2x128xi32, #tpu.memory_space<vmem>>, vector<16xi32>,
        tpu.vector_store %arg11[%swap3A_880, %swap3A_881], %select_n3A_878 {strides = array<i32>} : memref<2x128xi32, #tpu.memory_space<vmem>>, vector<16xi32>,
        %sub3A_883 = vector.broadcast %mul3A_2 : i32 to vector<16xi32>
        %sub3A_884 = arith.subi %get3A_862, %sub3A_883 : vector<16xi32>
        tpu.vector_store_idx %arg12[%sub3A_884], %broadcast_in_dim3A_5 masked %and3A_873 {add = true} : memref<320xf32, #tpu.memory_space<vmem>>[vector<16xi32>], vector<16xf32>, vector<16xi1>
        %get3A_885 = arith.constant 176 : index
        %get3A_886 = tpu.vector_load %arg9[%get3A_885] {strides = array<i32>} : memref<272xi32, #tpu.memory_space<vmem>>, vector<16xi32>,
        %add3A_887 = arith.constant 128 : i32
        %add3A_888 = arith.addi %min3A_610, %add3A_887 : i32
        %add3A_889 = arith.constant 48 : i32
        %add3A_890 = arith.addi %add3A_888, %add3A_889 : i32
        %add3A_891 = vector.broadcast %add3A_890 : i32 to vector<16xi32>
        %add3A_892 = arith.addi %add3A_891, %iota3A : vector<16xi32>
        %ge3A_893 = vector.broadcast %max3A_614 : i32 to vector<16xi32>
        %ge3A_894 = arith.cmpi sge, %add3A_892, %ge3A_893 : vector<16xi32>
        %lt3A_895 = vector.broadcast %min3A_620 : i32 to vector<16xi32>
        %lt3A_896 = arith.cmpi slt, %add3A_892, %lt3A_895 : vector<16xi32>
        %and3A_897 = arith.andi %ge3A_894, %lt3A_896 : vector<16xi1>
        %sub3A_898 = vector.broadcast %mul3A_4 : i32 to vector<16xi32>
        %sub3A_899 = arith.subi %get3A_886, %sub3A_898 : vector<16xi32>
        %jit3A_900 = arith.constant 5120 : i32
        %broadcast_in_dim3A_901 = vector.broadcast %jit3A_900 : i32 to vector<16xi32>
        %select_n3A_902 = arith.select %and3A_897, %sub3A_899, %broadcast_in_dim3A_901 : vector<16xi1>, vector<16xi32>
        %swap3A_903 = arith.constant 1 : i32
        %swap3A_904 = arith.index_cast %swap3A_903 : i32 to index
        %swap3A_905 = arith.constant 48 : index
        %swap3A_906 = tpu.vector_load %arg11[%swap3A_904, %swap3A_905] {strides = array<i32>} : memref<2x128xi32, #tpu.memory_space<vmem>>, vector<16xi32>,
        tpu.vector_store %arg11[%swap3A_904, %swap3A_905], %select_n3A_902 {strides = array<i32>} : memref<2x128xi32, #tpu.memory_space<vmem>>, vector<16xi32>,
        %sub3A_907 = vector.broadcast %mul3A_2 : i32 to vector<16xi32>
        %sub3A_908 = arith.subi %get3A_886, %sub3A_907 : vector<16xi32>
        tpu.vector_store_idx %arg12[%sub3A_908], %broadcast_in_dim3A_5 masked %and3A_897 {add = true} : memref<320xf32, #tpu.memory_space<vmem>>[vector<16xi32>], vector<16xf32>, vector<16xi1>
        %get3A_909 = arith.constant 192 : index
        %get3A_910 = tpu.vector_load %arg9[%get3A_909] {strides = array<i32>} : memref<272xi32, #tpu.memory_space<vmem>>, vector<16xi32>,
        %add3A_911 = arith.constant 128 : i32
        %add3A_912 = arith.addi %min3A_610, %add3A_911 : i32
        %add3A_913 = arith.constant 64 : i32
        %add3A_914 = arith.addi %add3A_912, %add3A_913 : i32
        %add3A_915 = vector.broadcast %add3A_914 : i32 to vector<16xi32>
        %add3A_916 = arith.addi %add3A_915, %iota3A : vector<16xi32>
        %ge3A_917 = vector.broadcast %max3A_614 : i32 to vector<16xi32>
        %ge3A_918 = arith.cmpi sge, %add3A_916, %ge3A_917 : vector<16xi32>
        %lt3A_919 = vector.broadcast %min3A_620 : i32 to vector<16xi32>
        %lt3A_920 = arith.cmpi slt, %add3A_916, %lt3A_919 : vector<16xi32>
        %and3A_921 = arith.andi %ge3A_918, %lt3A_920 : vector<16xi1>
        %sub3A_922 = vector.broadcast %mul3A_4 : i32 to vector<16xi32>
        %sub3A_923 = arith.subi %get3A_910, %sub3A_922 : vector<16xi32>
        %jit3A_924 = arith.constant 5120 : i32
        %broadcast_in_dim3A_925 = vector.broadcast %jit3A_924 : i32 to vector<16xi32>
        %select_n3A_926 = arith.select %and3A_921, %sub3A_923, %broadcast_in_dim3A_925 : vector<16xi1>, vector<16xi32>
        %swap3A_927 = arith.constant 1 : i32
        %swap3A_928 = arith.index_cast %swap3A_927 : i32 to index
        %swap3A_929 = arith.constant 64 : index
        %swap3A_930 = tpu.vector_load %arg11[%swap3A_928, %swap3A_929] {strides = array<i32>} : memref<2x128xi32, #tpu.memory_space<vmem>>, vector<16xi32>,
        tpu.vector_store %arg11[%swap3A_928, %swap3A_929], %select_n3A_926 {strides = array<i32>} : memref<2x128xi32, #tpu.memory_space<vmem>>, vector<16xi32>,
        %sub3A_931 = vector.broadcast %mul3A_2 : i32 to vector<16xi32>
        %sub3A_932 = arith.subi %get3A_910, %sub3A_931 : vector<16xi32>
        tpu.vector_store_idx %arg12[%sub3A_932], %broadcast_in_dim3A_5 masked %and3A_921 {add = true} : memref<320xf32, #tpu.memory_space<vmem>>[vector<16xi32>], vector<16xf32>, vector<16xi1>
        %get3A_933 = arith.constant 208 : index
        %get3A_934 = tpu.vector_load %arg9[%get3A_933] {strides = array<i32>} : memref<272xi32, #tpu.memory_space<vmem>>, vector<16xi32>,
        %add3A_935 = arith.constant 128 : i32
        %add3A_936 = arith.addi %min3A_610, %add3A_935 : i32
        %add3A_937 = arith.constant 80 : i32
        %add3A_938 = arith.addi %add3A_936, %add3A_937 : i32
        %add3A_939 = vector.broadcast %add3A_938 : i32 to vector<16xi32>
        %add3A_940 = arith.addi %add3A_939, %iota3A : vector<16xi32>
        %ge3A_941 = vector.broadcast %max3A_614 : i32 to vector<16xi32>
        %ge3A_942 = arith.cmpi sge, %add3A_940, %ge3A_941 : vector<16xi32>
        %lt3A_943 = vector.broadcast %min3A_620 : i32 to vector<16xi32>
        %lt3A_944 = arith.cmpi slt, %add3A_940, %lt3A_943 : vector<16xi32>
        %and3A_945 = arith.andi %ge3A_942, %lt3A_944 : vector<16xi1>
        %sub3A_946 = vector.broadcast %mul3A_4 : i32 to vector<16xi32>
        %sub3A_947 = arith.subi %get3A_934, %sub3A_946 : vector<16xi32>
        %jit3A_948 = arith.constant 5120 : i32
        %broadcast_in_dim3A_949 = vector.broadcast %jit3A_948 : i32 to vector<16xi32>
        %select_n3A_950 = arith.select %and3A_945, %sub3A_947, %broadcast_in_dim3A_949 : vector<16xi1>, vector<16xi32>
        %swap3A_951 = arith.constant 1 : i32
        %swap3A_952 = arith.index_cast %swap3A_951 : i32 to index
        %swap3A_953 = arith.constant 80 : index
        %swap3A_954 = tpu.vector_load %arg11[%swap3A_952, %swap3A_953] {strides = array<i32>} : memref<2x128xi32, #tpu.memory_space<vmem>>, vector<16xi32>,
        tpu.vector_store %arg11[%swap3A_952, %swap3A_953], %select_n3A_950 {strides = array<i32>} : memref<2x128xi32, #tpu.memory_space<vmem>>, vector<16xi32>,
        %sub3A_955 = vector.broadcast %mul3A_2 : i32 to vector<16xi32>
        %sub3A_956 = arith.subi %get3A_934, %sub3A_955 : vector<16xi32>
        tpu.vector_store_idx %arg12[%sub3A_956], %broadcast_in_dim3A_5 masked %and3A_945 {add = true} : memref<320xf32, #tpu.memory_space<vmem>>[vector<16xi32>], vector<16xf32>, vector<16xi1>
        %get3A_957 = arith.constant 224 : index
        %get3A_958 = tpu.vector_load %arg9[%get3A_957] {strides = array<i32>} : memref<272xi32, #tpu.memory_space<vmem>>, vector<16xi32>,
        %add3A_959 = arith.constant 128 : i32
        %add3A_960 = arith.addi %min3A_610, %add3A_959 : i32
        %add3A_961 = arith.constant 96 : i32
        %add3A_962 = arith.addi %add3A_960, %add3A_961 : i32
        %add3A_963 = vector.broadcast %add3A_962 : i32 to vector<16xi32>
        %add3A_964 = arith.addi %add3A_963, %iota3A : vector<16xi32>
        %ge3A_965 = vector.broadcast %max3A_614 : i32 to vector<16xi32>
        %ge3A_966 = arith.cmpi sge, %add3A_964, %ge3A_965 : vector<16xi32>
        %lt3A_967 = vector.broadcast %min3A_620 : i32 to vector<16xi32>
        %lt3A_968 = arith.cmpi slt, %add3A_964, %lt3A_967 : vector<16xi32>
        %and3A_969 = arith.andi %ge3A_966, %lt3A_968 : vector<16xi1>
        %sub3A_970 = vector.broadcast %mul3A_4 : i32 to vector<16xi32>
        %sub3A_971 = arith.subi %get3A_958, %sub3A_970 : vector<16xi32>
        %jit3A_972 = arith.constant 5120 : i32
        %broadcast_in_dim3A_973 = vector.broadcast %jit3A_972 : i32 to vector<16xi32>
        %select_n3A_974 = arith.select %and3A_969, %sub3A_971, %broadcast_in_dim3A_973 : vector<16xi1>, vector<16xi32>
        %swap3A_975 = arith.constant 1 : i32
        %swap3A_976 = arith.index_cast %swap3A_975 : i32 to index
        %swap3A_977 = arith.constant 96 : index
        %swap3A_978 = tpu.vector_load %arg11[%swap3A_976, %swap3A_977] {strides = array<i32>} : memref<2x128xi32, #tpu.memory_space<vmem>>, vector<16xi32>,
        tpu.vector_store %arg11[%swap3A_976, %swap3A_977], %select_n3A_974 {strides = array<i32>} : memref<2x128xi32, #tpu.memory_space<vmem>>, vector<16xi32>,
        %sub3A_979 = vector.broadcast %mul3A_2 : i32 to vector<16xi32>
        %sub3A_980 = arith.subi %get3A_958, %sub3A_979 : vector<16xi32>
        tpu.vector_store_idx %arg12[%sub3A_980], %broadcast_in_dim3A_5 masked %and3A_969 {add = true} : memref<320xf32, #tpu.memory_space<vmem>>[vector<16xi32>], vector<16xf32>, vector<16xi1>
        %get3A_981 = arith.constant 240 : index
        %get3A_982 = tpu.vector_load %arg9[%get3A_981] {strides = array<i32>} : memref<272xi32, #tpu.memory_space<vmem>>, vector<16xi32>,
        %add3A_983 = arith.constant 128 : i32
        %add3A_984 = arith.addi %min3A_610, %add3A_983 : i32
        %add3A_985 = arith.constant 112 : i32
        %add3A_986 = arith.addi %add3A_984, %add3A_985 : i32
        %add3A_987 = vector.broadcast %add3A_986 : i32 to vector<16xi32>
        %add3A_988 = arith.addi %add3A_987, %iota3A : vector<16xi32>
        %ge3A_989 = vector.broadcast %max3A_614 : i32 to vector<16xi32>
        %ge3A_990 = arith.cmpi sge, %add3A_988, %ge3A_989 : vector<16xi32>
        %lt3A_991 = vector.broadcast %min3A_620 : i32 to vector<16xi32>
        %lt3A_992 = arith.cmpi slt, %add3A_988, %lt3A_991 : vector<16xi32>
        %and3A_993 = arith.andi %ge3A_990, %lt3A_992 : vector<16xi1>
        %sub3A_994 = vector.broadcast %mul3A_4 : i32 to vector<16xi32>
        %sub3A_995 = arith.subi %get3A_982, %sub3A_994 : vector<16xi32>
        %jit3A_996 = arith.constant 5120 : i32
        %broadcast_in_dim3A_997 = vector.broadcast %jit3A_996 : i32 to vector<16xi32>
        %select_n3A_998 = arith.select %and3A_993, %sub3A_995, %broadcast_in_dim3A_997 : vector<16xi1>, vector<16xi32>
        %swap3A_999 = arith.constant 1 : i32
        %swap3A_1000 = arith.index_cast %swap3A_999 : i32 to index
        %swap3A_1001 = arith.constant 112 : index
        %swap3A_1002 = tpu.vector_load %arg11[%swap3A_1000, %swap3A_1001] {strides = array<i32>} : memref<2x128xi32, #tpu.memory_space<vmem>>, vector<16xi32>,
        tpu.vector_store %arg11[%swap3A_1000, %swap3A_1001], %select_n3A_998 {strides = array<i32>} : memref<2x128xi32, #tpu.memory_space<vmem>>, vector<16xi32>,
        %sub3A_1003 = vector.broadcast %mul3A_2 : i32 to vector<16xi32>
        %sub3A_1004 = arith.subi %get3A_982, %sub3A_1003 : vector<16xi32>
        tpu.vector_store_idx %arg12[%sub3A_1004], %broadcast_in_dim3A_5 masked %and3A_993 {add = true} : memref<320xf32, #tpu.memory_space<vmem>>[vector<16xi32>], vector<16xf32>, vector<16xi1>
        %run_scoped3A_1005 = arith.constant 0 : i32
        "tpu.region"() ({
          %run_scoped3A_1007 = tpu.sem_alloc : memref<!tpu.dma_semaphore, #tpu.memory_space<semaphore_mem>>
          %dma_start3A = arith.constant 0 : i32
          %dma_start3A_1008 = arith.constant 0 : i32
          %dma_start3A_1009 = tpu.memref_slice %arg7[%dma_start3A, %dma_start3A_1008] : memref<256x128xf32, #tpu.memory_space<vmem>> -> memref<128x128xf32, #tpu.memory_space<vmem>>
          %dma_start3A_1010 = arith.constant 0 : i32
          %dma_start3A_1011 = tpu.memref_slice %arg11[%run_scoped3A_1005, %dma_start3A_1010] : memref<2x128xi32, #tpu.memory_space<vmem>> -> memref<1x128xi32, #tpu.memory_space<vmem>>
          %dma_start3A_1012 = tpu.memref_squeeze %dma_start3A_1011 : memref<1x128xi32, #tpu.memory_space<vmem>> -> memref<128xi32, #tpu.memory_space<vmem>>
          %dma_start3A_1013 = arith.constant 0 : i32
          %dma_start3A_1014 = arith.constant 0 : i32
          %dma_start3A_1015 = tpu.memref_slice %arg14[%dma_start3A_1013, %dma_start3A_1014] : memref<5248x128xf32, #tpu.memory_space<vmem_shared>> -> memref<5248x128xf32, #tpu.memory_space<vmem_shared>>
          tpu.enqueue_indirect_dma source(%dma_start3A_1009 : memref<128x128xf32, #tpu.memory_space<vmem>>) target(%dma_start3A_1015 : memref<5248x128xf32, #tpu.memory_space<vmem_shared>>) offsets(%dma_start3A_1012 : memref<128xi32, #tpu.memory_space<vmem>>) semaphore(%run_scoped3A_1007 : memref<!tpu.dma_semaphore, #tpu.memory_space<semaphore_mem>>) {add = true}
          %dma_wait3A_1016 = arith.constant 0 : i32
          %dma_wait3A_1017 = arith.constant 0 : i32
          %dma_wait3A_1018 = tpu.memref_slice %arg7[%dma_wait3A_1016, %dma_wait3A_1017] : memref<256x128xf32, #tpu.memory_space<vmem>> -> memref<128x128xf32, #tpu.memory_space<vmem>>
          %dma_wait3A_1019 = arith.constant 0 : i32
          %dma_wait3A_1020 = tpu.memref_slice %arg11[%run_scoped3A_1005, %dma_wait3A_1019] : memref<2x128xi32, #tpu.memory_space<vmem>> -> memref<1x128xi32, #tpu.memory_space<vmem>>
          %dma_wait3A_1021 = tpu.memref_squeeze %dma_wait3A_1020 : memref<1x128xi32, #tpu.memory_space<vmem>> -> memref<128xi32, #tpu.memory_space<vmem>>
          %dma_wait3A_1022 = arith.constant 0 : i32
          %dma_wait3A_1023 = arith.constant 0 : i32
          %dma_wait3A_1024 = tpu.memref_slice %arg14[%dma_wait3A_1022, %dma_wait3A_1023] : memref<5248x128xf32, #tpu.memory_space<vmem_shared>> -> memref<5248x128xf32, #tpu.memory_space<vmem_shared>>
          tpu.wait_indirect_dma semaphore(%run_scoped3A_1007 : memref<!tpu.dma_semaphore, #tpu.memory_space<semaphore_mem>>) src(%dma_wait3A_1018 : memref<128x128xf32, #tpu.memory_space<vmem>>) dst(%dma_wait3A_1024 : memref<5248x128xf32, #tpu.memory_space<vmem_shared>>)
          tpu.yield
        }) : () -> ()
        %run_scoped3A_1006 = arith.constant 1 : i32
        "tpu.region"() ({
          %run_scoped3A_1007 = tpu.sem_alloc : memref<!tpu.dma_semaphore, #tpu.memory_space<semaphore_mem>>
          %dma_start3A = arith.constant 128 : i32
          %dma_start3A_1008 = arith.constant 0 : i32
          %dma_start3A_1009 = tpu.memref_slice %arg7[%dma_start3A, %dma_start3A_1008] : memref<256x128xf32, #tpu.memory_space<vmem>> -> memref<128x128xf32, #tpu.memory_space<vmem>>
          %dma_start3A_1010 = arith.constant 0 : i32
          %dma_start3A_1011 = tpu.memref_slice %arg11[%run_scoped3A_1006, %dma_start3A_1010] : memref<2x128xi32, #tpu.memory_space<vmem>> -> memref<1x128xi32, #tpu.memory_space<vmem>>
          %dma_start3A_1012 = tpu.memref_squeeze %dma_start3A_1011 : memref<1x128xi32, #tpu.memory_space<vmem>> -> memref<128xi32, #tpu.memory_space<vmem>>
          %dma_start3A_1013 = arith.constant 0 : i32
          %dma_start3A_1014 = arith.constant 0 : i32
          %dma_start3A_1015 = tpu.memref_slice %arg14[%dma_start3A_1013, %dma_start3A_1014] : memref<5248x128xf32, #tpu.memory_space<vmem_shared>> -> memref<5248x128xf32, #tpu.memory_space<vmem_shared>>
          tpu.enqueue_indirect_dma source(%dma_start3A_1009 : memref<128x128xf32, #tpu.memory_space<vmem>>) target(%dma_start3A_1015 : memref<5248x128xf32, #tpu.memory_space<vmem_shared>>) offsets(%dma_start3A_1012 : memref<128xi32, #tpu.memory_space<vmem>>) semaphore(%run_scoped3A_1007 : memref<!tpu.dma_semaphore, #tpu.memory_space<semaphore_mem>>) {add = true}
          %dma_wait3A_1016 = arith.constant 128 : i32
          %dma_wait3A_1017 = arith.constant 0 : i32
          %dma_wait3A_1018 = tpu.memref_slice %arg7[%dma_wait3A_1016, %dma_wait3A_1017] : memref<256x128xf32, #tpu.memory_space<vmem>> -> memref<128x128xf32, #tpu.memory_space<vmem>>
          %dma_wait3A_1019 = arith.constant 0 : i32
          %dma_wait3A_1020 = tpu.memref_slice %arg11[%run_scoped3A_1006, %dma_wait3A_1019] : memref<2x128xi32, #tpu.memory_space<vmem>> -> memref<1x128xi32, #tpu.memory_space<vmem>>
          %dma_wait3A_1021 = tpu.memref_squeeze %dma_wait3A_1020 : memref<1x128xi32, #tpu.memory_space<vmem>> -> memref<128xi32, #tpu.memory_space<vmem>>
          %dma_wait3A_1022 = arith.constant 0 : i32
          %dma_wait3A_1023 = arith.constant 0 : i32
          %dma_wait3A_1024 = tpu.memref_slice %arg14[%dma_wait3A_1022, %dma_wait3A_1023] : memref<5248x128xf32, #tpu.memory_space<vmem_shared>> -> memref<5248x128xf32, #tpu.memory_space<vmem_shared>>
          tpu.wait_indirect_dma semaphore(%run_scoped3A_1007 : memref<!tpu.dma_semaphore, #tpu.memory_space<semaphore_mem>>) src(%dma_wait3A_1018 : memref<128x128xf32, #tpu.memory_space<vmem>>) dst(%dma_wait3A_1024 : memref<5248x128xf32, #tpu.memory_space<vmem_shared>>)
          tpu.yield
        }) : () -> ()
      } else {
      }
      %while3A_585 = arith.constant 0 : i32
      scf.yield %while3A_585 : i32
    }
    %barrier3A_116 = arith.constant 0 : index
    tpu.barrier barrier_id(%barrier3A_116)
    %mul3A_117 = arith.constant 320 : i32
    %mul3A_118 = arith.muli %arg1, %mul3A_117 : i32
    %add3A_119 = arith.constant 0 : i32
    %add3A_120 = arith.addi %mul3A_118, %add3A_119 : i32
    "tpu.region"() ({
      %run_scoped3A = tpu.sem_alloc : memref<!tpu.dma_semaphore, #tpu.memory_space<semaphore_mem>>
      %dma_start3A = arith.constant 0 : i32
      %dma_start3A_162 = arith.constant 0 : i32
      %dma_start3A_163 = tpu.memref_slice %arg6[%dma_start3A, %dma_start3A_162] : memref<256x128xf32, #tpu.memory_space<vmem>> -> memref<128x128xf32, #tpu.memory_space<vmem>>
      %dma_start3A_164 = arith.constant 0 : i32
      %dma_start3A_165 = tpu.memref_slice %arg14[%add3A_120, %dma_start3A_164] : memref<5248x128xf32, #tpu.memory_space<vmem_shared>> -> memref<128x128xf32, #tpu.memory_space<vmem_shared>>
      %dma_start3A_166 = arith.constant 0 : i32
      %dma_start3A_167 = arith.constant 0 : i32
      %dma_start3A_168 = tpu.memref_slice %arg6[%dma_start3A_166, %dma_start3A_167] : memref<256x128xf32, #tpu.memory_space<vmem>> -> memref<128x128xf32, #tpu.memory_space<vmem>>
      %dma_start3A_169 = arith.constant 0 : i32
      %dma_start3A_170 = tpu.memref_slice %arg14[%add3A_120, %dma_start3A_169] : memref<5248x128xf32, #tpu.memory_space<vmem_shared>> -> memref<128x128xf32, #tpu.memory_space<vmem_shared>>
      tpu.enqueue_dma source(%dma_start3A_170 : memref<128x128xf32, #tpu.memory_space<vmem_shared>>) target(%dma_start3A_168 : memref<128x128xf32, #tpu.memory_space<vmem>>) target_semaphore(%run_scoped3A : memref<!tpu.dma_semaphore, #tpu.memory_space<semaphore_mem>>)
      %dma_wait3A = arith.constant 0 : i32
      %dma_wait3A_171 = arith.constant 0 : i32
      %dma_wait3A_172 = tpu.memref_slice %arg6[%dma_wait3A, %dma_wait3A_171] : memref<256x128xf32, #tpu.memory_space<vmem>> -> memref<128x128xf32, #tpu.memory_space<vmem>>
      %dma_wait3A_173 = arith.constant 0 : i32
      %dma_wait3A_174 = tpu.memref_slice %arg14[%add3A_120, %dma_wait3A_173] : memref<5248x128xf32, #tpu.memory_space<vmem_shared>> -> memref<128x128xf32, #tpu.memory_space<vmem_shared>>
      %dma_wait3A_175 = arith.constant 0 : i32
      %dma_wait3A_176 = arith.constant 0 : i32
      %dma_wait3A_177 = tpu.memref_slice %arg6[%dma_wait3A_175, %dma_wait3A_176] : memref<256x128xf32, #tpu.memory_space<vmem>> -> memref<128x128xf32, #tpu.memory_space<vmem>>
      %dma_wait3A_178 = arith.constant 0 : i32
      %dma_wait3A_179 = tpu.memref_slice %arg14[%add3A_120, %dma_wait3A_178] : memref<5248x128xf32, #tpu.memory_space<vmem_shared>> -> memref<128x128xf32, #tpu.memory_space<vmem_shared>>
      tpu.wait_dma2 semaphore(%run_scoped3A : memref<!tpu.dma_semaphore, #tpu.memory_space<semaphore_mem>>) src(%dma_wait3A_179 : memref<128x128xf32, #tpu.memory_space<vmem_shared>>) dst(%dma_wait3A_177 : memref<128x128xf32, #tpu.memory_space<vmem>>)
      tpu.yield
    }) : () -> ()
    %scan3A_121 = arith.constant 0 : i32
    %scan3A_122 = arith.constant 128 : i32
    %scan3A_123 = arith.addi %scan3A_121, %scan3A_122 : i32
    %scan3A_124 = arith.constant 1 : i32
    scf.for %scan3A_162 = %scan3A_121 to %scan3A_123 step %scan3A_124  : i32 {
      %mul3A_163 = arith.constant 1 : i32
      %mul3A_164 = arith.muli %scan3A_162, %mul3A_163 : i32
      %add3A_165 = arith.constant 0 : i32
      %add3A_166 = arith.addi %add3A_165, %mul3A_164 : i32
      %add3A_167 = arith.constant 0 : i32
      %add3A_168 = arith.addi %add3A_167, %add3A_166 : i32
      %broadcast_in_dim3A_169 = vector.broadcast %add3A_168 : i32 to vector<16xi32>
      %gather3A = tpu.vector_load_idx %arg12[%broadcast_in_dim3A_169] : memref<320xf32, #tpu.memory_space<vmem>>[vector<16xi32>], vector<16xf32>,
      %max3A = arith.constant 1.000000e+00 : f32
      %max3A_170 = vector.broadcast %max3A : f32 to vector<16xf32>
      %max3A_171 = arith.maximumf %gather3A, %max3A_170 : vector<16xf32>
      %div3A_172 = arith.constant 1.000000e+00 : f32
      %div3A_173 = vector.broadcast %div3A_172 : f32 to vector<16xf32>
      %div3A_174 = arith.divf %div3A_173, %max3A_171 : vector<16xf32>
      %get3A_175 = arith.index_cast %add3A_166 : i32 to index
      %get3A_176 = arith.constant 0 : index
      %get3A_177 = tpu.vector_load %arg6[%get3A_175, %get3A_176] {strides = array<i32>} : memref<256x128xf32, #tpu.memory_space<vmem>>, vector<16xf32>,
      %get3A_178 = arith.index_cast %add3A_166 : i32 to index
      %get3A_179 = arith.constant 16 : index
      %get3A_180 = tpu.vector_load %arg6[%get3A_178, %get3A_179] {strides = array<i32>} : memref<256x128xf32, #tpu.memory_space<vmem>>, vector<16xf32>,
      %get3A_181 = arith.index_cast %add3A_166 : i32 to index
      %get3A_182 = arith.constant 32 : index
      %get3A_183 = tpu.vector_load %arg6[%get3A_181, %get3A_182] {strides = array<i32>} : memref<256x128xf32, #tpu.memory_space<vmem>>, vector<16xf32>,
      %get3A_184 = arith.index_cast %add3A_166 : i32 to index
      %get3A_185 = arith.constant 48 : index
      %get3A_186 = tpu.vector_load %arg6[%get3A_184, %get3A_185] {strides = array<i32>} : memref<256x128xf32, #tpu.memory_space<vmem>>, vector<16xf32>,
      %get3A_187 = arith.index_cast %add3A_166 : i32 to index
      %get3A_188 = arith.constant 64 : index
      %get3A_189 = tpu.vector_load %arg6[%get3A_187, %get3A_188] {strides = array<i32>} : memref<256x128xf32, #tpu.memory_space<vmem>>, vector<16xf32>,
      %get3A_190 = arith.index_cast %add3A_166 : i32 to index
      %get3A_191 = arith.constant 80 : index
      %get3A_192 = tpu.vector_load %arg6[%get3A_190, %get3A_191] {strides = array<i32>} : memref<256x128xf32, #tpu.memory_space<vmem>>, vector<16xf32>,
      %get3A_193 = arith.index_cast %add3A_166 : i32 to index
      %get3A_194 = arith.constant 96 : index
      %get3A_195 = tpu.vector_load %arg6[%get3A_193, %get3A_194] {strides = array<i32>} : memref<256x128xf32, #tpu.memory_space<vmem>>, vector<16xf32>,
      %get3A_196 = arith.index_cast %add3A_166 : i32 to index
      %get3A_197 = arith.constant 112 : index
      %get3A_198 = tpu.vector_load %arg6[%get3A_196, %get3A_197] {strides = array<i32>} : memref<256x128xf32, #tpu.memory_space<vmem>>, vector<16xf32>,
      %mul3A_199 = arith.mulf %get3A_177, %div3A_174 : vector<16xf32>
      %swap3A = arith.index_cast %add3A_166 : i32 to index
      %swap3A_200 = arith.constant 0 : index
      %swap3A_201 = tpu.vector_load %arg6[%swap3A, %swap3A_200] {strides = array<i32>} : memref<256x128xf32, #tpu.memory_space<vmem>>, vector<16xf32>,
      tpu.vector_store %arg6[%swap3A, %swap3A_200], %mul3A_199 {strides = array<i32>} : memref<256x128xf32, #tpu.memory_space<vmem>>, vector<16xf32>,
      %mul3A_202 = arith.mulf %get3A_180, %div3A_174 : vector<16xf32>
      %swap3A_203 = arith.index_cast %add3A_166 : i32 to index
      %swap3A_204 = arith.constant 16 : index
      %swap3A_205 = tpu.vector_load %arg6[%swap3A_203, %swap3A_204] {strides = array<i32>} : memref<256x128xf32, #tpu.memory_space<vmem>>, vector<16xf32>,
      tpu.vector_store %arg6[%swap3A_203, %swap3A_204], %mul3A_202 {strides = array<i32>} : memref<256x128xf32, #tpu.memory_space<vmem>>, vector<16xf32>,
      %mul3A_206 = arith.mulf %get3A_183, %div3A_174 : vector<16xf32>
      %swap3A_207 = arith.index_cast %add3A_166 : i32 to index
      %swap3A_208 = arith.constant 32 : index
      %swap3A_209 = tpu.vector_load %arg6[%swap3A_207, %swap3A_208] {strides = array<i32>} : memref<256x128xf32, #tpu.memory_space<vmem>>, vector<16xf32>,
      tpu.vector_store %arg6[%swap3A_207, %swap3A_208], %mul3A_206 {strides = array<i32>} : memref<256x128xf32, #tpu.memory_space<vmem>>, vector<16xf32>,
      %mul3A_210 = arith.mulf %get3A_186, %div3A_174 : vector<16xf32>
      %swap3A_211 = arith.index_cast %add3A_166 : i32 to index
      %swap3A_212 = arith.constant 48 : index
      %swap3A_213 = tpu.vector_load %arg6[%swap3A_211, %swap3A_212] {strides = array<i32>} : memref<256x128xf32, #tpu.memory_space<vmem>>, vector<16xf32>,
      tpu.vector_store %arg6[%swap3A_211, %swap3A_212], %mul3A_210 {strides = array<i32>} : memref<256x128xf32, #tpu.memory_space<vmem>>, vector<16xf32>,
      %mul3A_214 = arith.mulf %get3A_189, %div3A_174 : vector<16xf32>
      %swap3A_215 = arith.index_cast %add3A_166 : i32 to index
      %swap3A_216 = arith.constant 64 : index
      %swap3A_217 = tpu.vector_load %arg6[%swap3A_215, %swap3A_216] {strides = array<i32>} : memref<256x128xf32, #tpu.memory_space<vmem>>, vector<16xf32>,
      tpu.vector_store %arg6[%swap3A_215, %swap3A_216], %mul3A_214 {strides = array<i32>} : memref<256x128xf32, #tpu.memory_space<vmem>>, vector<16xf32>,
      %mul3A_218 = arith.mulf %get3A_192, %div3A_174 : vector<16xf32>
      %swap3A_219 = arith.index_cast %add3A_166 : i32 to index
      %swap3A_220 = arith.constant 80 : index
      %swap3A_221 = tpu.vector_load %arg6[%swap3A_219, %swap3A_220] {strides = array<i32>} : memref<256x128xf32, #tpu.memory_space<vmem>>, vector<16xf32>,
      tpu.vector_store %arg6[%swap3A_219, %swap3A_220], %mul3A_218 {strides = array<i32>} : memref<256x128xf32, #tpu.memory_space<vmem>>, vector<16xf32>,
      %mul3A_222 = arith.mulf %get3A_195, %div3A_174 : vector<16xf32>
      %swap3A_223 = arith.index_cast %add3A_166 : i32 to index
      %swap3A_224 = arith.constant 96 : index
      %swap3A_225 = tpu.vector_load %arg6[%swap3A_223, %swap3A_224] {strides = array<i32>} : memref<256x128xf32, #tpu.memory_space<vmem>>, vector<16xf32>,
      tpu.vector_store %arg6[%swap3A_223, %swap3A_224], %mul3A_222 {strides = array<i32>} : memref<256x128xf32, #tpu.memory_space<vmem>>, vector<16xf32>,
      %mul3A_226 = arith.mulf %get3A_198, %div3A_174 : vector<16xf32>
      %swap3A_227 = arith.index_cast %add3A_166 : i32 to index
      %swap3A_228 = arith.constant 112 : index
      %swap3A_229 = tpu.vector_load %arg6[%swap3A_227, %swap3A_228] {strides = array<i32>} : memref<256x128xf32, #tpu.memory_space<vmem>>, vector<16xf32>,
      tpu.vector_store %arg6[%swap3A_227, %swap3A_228], %mul3A_226 {strides = array<i32>} : memref<256x128xf32, #tpu.memory_space<vmem>>, vector<16xf32>,
    }
    %scan3A_125 = arith.constant 128 : i32
    %lt3A = arith.constant 31 : i32
    %lt3A_126 = arith.cmpi slt, %add3A, %lt3A : i32
    %convert_element_type3A_127 = arith.extui %lt3A_126 : i1 to i32
    %cond3A_128 = arith.constant 0 : i32
    %cond3A_129 = arith.cmpi ne, %convert_element_type3A_127, %cond3A_128 : i32
    scf.if %cond3A_129 {
      %add3A_162 = arith.constant 0 : i32
      %add3A_163 = arith.addi %mul3A_2, %add3A_162 : i32
      "tpu.region"() ({
        %run_scoped3A = tpu.sem_alloc : memref<!tpu.dma_semaphore, #tpu.memory_space<semaphore_mem>>
        %dma_start3A = arith.constant 0 : i32
        %dma_start3A_164 = arith.constant 0 : i32
        %dma_start3A_165 = tpu.memref_slice %arg6[%dma_start3A, %dma_start3A_164] : memref<256x128xf32, #tpu.memory_space<vmem>> -> memref<128x128xf32, #tpu.memory_space<vmem>>
        %dma_start3A_166 = arith.constant 0 : i32
        %dma_start3A_167 = tpu.memref_slice %arg5[%add3A_163, %dma_start3A_166] : memref<10000x128xf32, #tpu.memory_space<hbm>> -> memref<128x128xf32, #tpu.memory_space<hbm>>
        %dma_start3A_168 = arith.constant 0 : i32
        %dma_start3A_169 = tpu.memref_slice %arg5[%add3A_163, %dma_start3A_168] : memref<10000x128xf32, #tpu.memory_space<hbm>> -> memref<128x128xf32, #tpu.memory_space<hbm>>
        %dma_start3A_170 = arith.constant 0 : i32
        %dma_start3A_171 = arith.constant 0 : i32
        %dma_start3A_172 = tpu.memref_slice %arg6[%dma_start3A_170, %dma_start3A_171] : memref<256x128xf32, #tpu.memory_space<vmem>> -> memref<128x128xf32, #tpu.memory_space<vmem>>
        tpu.enqueue_dma source(%dma_start3A_172 : memref<128x128xf32, #tpu.memory_space<vmem>>) target(%dma_start3A_169 : memref<128x128xf32, #tpu.memory_space<hbm>>) target_semaphore(%run_scoped3A : memref<!tpu.dma_semaphore, #tpu.memory_space<semaphore_mem>>)
        %dma_wait3A = arith.constant 0 : i32
        %dma_wait3A_173 = arith.constant 0 : i32
        %dma_wait3A_174 = tpu.memref_slice %arg6[%dma_wait3A, %dma_wait3A_173] : memref<256x128xf32, #tpu.memory_space<vmem>> -> memref<128x128xf32, #tpu.memory_space<vmem>>
        %dma_wait3A_175 = arith.constant 0 : i32
        %dma_wait3A_176 = tpu.memref_slice %arg5[%add3A_163, %dma_wait3A_175] : memref<10000x128xf32, #tpu.memory_space<hbm>> -> memref<128x128xf32, #tpu.memory_space<hbm>>
        %dma_wait3A_177 = arith.constant 0 : i32
        %dma_wait3A_178 = tpu.memref_slice %arg5[%add3A_163, %dma_wait3A_177] : memref<10000x128xf32, #tpu.memory_space<hbm>> -> memref<128x128xf32, #tpu.memory_space<hbm>>
        %dma_wait3A_179 = arith.constant 0 : i32
        %dma_wait3A_180 = arith.constant 0 : i32
        %dma_wait3A_181 = tpu.memref_slice %arg6[%dma_wait3A_179, %dma_wait3A_180] : memref<256x128xf32, #tpu.memory_space<vmem>> -> memref<128x128xf32, #tpu.memory_space<vmem>>
        tpu.wait_dma2 semaphore(%run_scoped3A : memref<!tpu.dma_semaphore, #tpu.memory_space<semaphore_mem>>) src(%dma_wait3A_181 : memref<128x128xf32, #tpu.memory_space<vmem>>) dst(%dma_wait3A_178 : memref<128x128xf32, #tpu.memory_space<hbm>>)
        tpu.yield
      }) : () -> ()
    } else {
    }
    %eq3A = arith.constant 31 : i32
    %eq3A_130 = arith.cmpi eq, %add3A, %eq3A : i32
    %convert_element_type3A_131 = arith.extui %eq3A_130 : i1 to i32
    %cond3A_132 = arith.constant 0 : i32
    %cond3A_133 = arith.cmpi ne, %convert_element_type3A_131, %cond3A_132 : i32
    scf.if %cond3A_133 {
      "tpu.region"() ({
        %run_scoped3A = tpu.sem_alloc : memref<!tpu.dma_semaphore, #tpu.memory_space<semaphore_mem>>
        %dma_start3A = arith.constant 0 : i32
        %dma_start3A_162 = arith.constant 0 : i32
        %dma_start3A_163 = tpu.memref_slice %arg6[%dma_start3A, %dma_start3A_162] : memref<256x128xf32, #tpu.memory_space<vmem>> -> memref<80x128xf32, #tpu.memory_space<vmem>>
        %dma_start3A_164 = arith.constant 0 : i32
        %dma_start3A_165 = tpu.memref_slice %arg5[%mul3A_2, %dma_start3A_164] : memref<10000x128xf32, #tpu.memory_space<hbm>> -> memref<80x128xf32, #tpu.memory_space<hbm>>
        %dma_start3A_166 = arith.constant 0 : i32
        %dma_start3A_167 = tpu.memref_slice %arg5[%mul3A_2, %dma_start3A_166] : memref<10000x128xf32, #tpu.memory_space<hbm>> -> memref<80x128xf32, #tpu.memory_space<hbm>>
        %dma_start3A_168 = arith.constant 0 : i32
        %dma_start3A_169 = arith.constant 0 : i32
        %dma_start3A_170 = tpu.memref_slice %arg6[%dma_start3A_168, %dma_start3A_169] : memref<256x128xf32, #tpu.memory_space<vmem>> -> memref<80x128xf32, #tpu.memory_space<vmem>>
        tpu.enqueue_dma source(%dma_start3A_170 : memref<80x128xf32, #tpu.memory_space<vmem>>) target(%dma_start3A_167 : memref<80x128xf32, #tpu.memory_space<hbm>>) target_semaphore(%run_scoped3A : memref<!tpu.dma_semaphore, #tpu.memory_space<semaphore_mem>>)
        %dma_wait3A = arith.constant 0 : i32
        %dma_wait3A_171 = arith.constant 0 : i32
        %dma_wait3A_172 = tpu.memref_slice %arg6[%dma_wait3A, %dma_wait3A_171] : memref<256x128xf32, #tpu.memory_space<vmem>> -> memref<80x128xf32, #tpu.memory_space<vmem>>
        %dma_wait3A_173 = arith.constant 0 : i32
        %dma_wait3A_174 = tpu.memref_slice %arg5[%mul3A_2, %dma_wait3A_173] : memref<10000x128xf32, #tpu.memory_space<hbm>> -> memref<80x128xf32, #tpu.memory_space<hbm>>
        %dma_wait3A_175 = arith.constant 0 : i32
        %dma_wait3A_176 = tpu.memref_slice %arg5[%mul3A_2, %dma_wait3A_175] : memref<10000x128xf32, #tpu.memory_space<hbm>> -> memref<80x128xf32, #tpu.memory_space<hbm>>
        %dma_wait3A_177 = arith.constant 0 : i32
        %dma_wait3A_178 = arith.constant 0 : i32
        %dma_wait3A_179 = tpu.memref_slice %arg6[%dma_wait3A_177, %dma_wait3A_178] : memref<256x128xf32, #tpu.memory_space<vmem>> -> memref<80x128xf32, #tpu.memory_space<vmem>>
        tpu.wait_dma2 semaphore(%run_scoped3A : memref<!tpu.dma_semaphore, #tpu.memory_space<semaphore_mem>>) src(%dma_wait3A_179 : memref<80x128xf32, #tpu.memory_space<vmem>>) dst(%dma_wait3A_176 : memref<80x128xf32, #tpu.memory_space<hbm>>)
        tpu.yield
      }) : () -> ()
    } else {
    }
    %mul3A_134 = arith.constant 320 : i32
    %mul3A_135 = arith.muli %arg1, %mul3A_134 : i32
    %add3A_136 = arith.constant 128 : i32
    %add3A_137 = arith.addi %mul3A_135, %add3A_136 : i32
    "tpu.region"() ({
      %run_scoped3A = tpu.sem_alloc : memref<!tpu.dma_semaphore, #tpu.memory_space<semaphore_mem>>
      %dma_start3A = arith.constant 0 : i32
      %dma_start3A_162 = arith.constant 0 : i32
      %dma_start3A_163 = tpu.memref_slice %arg6[%dma_start3A, %dma_start3A_162] : memref<256x128xf32, #tpu.memory_space<vmem>> -> memref<128x128xf32, #tpu.memory_space<vmem>>
      %dma_start3A_164 = arith.constant 0 : i32
      %dma_start3A_165 = tpu.memref_slice %arg14[%add3A_137, %dma_start3A_164] : memref<5248x128xf32, #tpu.memory_space<vmem_shared>> -> memref<128x128xf32, #tpu.memory_space<vmem_shared>>
      %dma_start3A_166 = arith.constant 0 : i32
      %dma_start3A_167 = arith.constant 0 : i32
      %dma_start3A_168 = tpu.memref_slice %arg6[%dma_start3A_166, %dma_start3A_167] : memref<256x128xf32, #tpu.memory_space<vmem>> -> memref<128x128xf32, #tpu.memory_space<vmem>>
      %dma_start3A_169 = arith.constant 0 : i32
      %dma_start3A_170 = tpu.memref_slice %arg14[%add3A_137, %dma_start3A_169] : memref<5248x128xf32, #tpu.memory_space<vmem_shared>> -> memref<128x128xf32, #tpu.memory_space<vmem_shared>>
      tpu.enqueue_dma source(%dma_start3A_170 : memref<128x128xf32, #tpu.memory_space<vmem_shared>>) target(%dma_start3A_168 : memref<128x128xf32, #tpu.memory_space<vmem>>) target_semaphore(%run_scoped3A : memref<!tpu.dma_semaphore, #tpu.memory_space<semaphore_mem>>)
      %dma_wait3A = arith.constant 0 : i32
      %dma_wait3A_171 = arith.constant 0 : i32
      %dma_wait3A_172 = tpu.memref_slice %arg6[%dma_wait3A, %dma_wait3A_171] : memref<256x128xf32, #tpu.memory_space<vmem>> -> memref<128x128xf32, #tpu.memory_space<vmem>>
      %dma_wait3A_173 = arith.constant 0 : i32
      %dma_wait3A_174 = tpu.memref_slice %arg14[%add3A_137, %dma_wait3A_173] : memref<5248x128xf32, #tpu.memory_space<vmem_shared>> -> memref<128x128xf32, #tpu.memory_space<vmem_shared>>
      %dma_wait3A_175 = arith.constant 0 : i32
      %dma_wait3A_176 = arith.constant 0 : i32
      %dma_wait3A_177 = tpu.memref_slice %arg6[%dma_wait3A_175, %dma_wait3A_176] : memref<256x128xf32, #tpu.memory_space<vmem>> -> memref<128x128xf32, #tpu.memory_space<vmem>>
      %dma_wait3A_178 = arith.constant 0 : i32
      %dma_wait3A_179 = tpu.memref_slice %arg14[%add3A_137, %dma_wait3A_178] : memref<5248x128xf32, #tpu.memory_space<vmem_shared>> -> memref<128x128xf32, #tpu.memory_space<vmem_shared>>
      tpu.wait_dma2 semaphore(%run_scoped3A : memref<!tpu.dma_semaphore, #tpu.memory_space<semaphore_mem>>) src(%dma_wait3A_179 : memref<128x128xf32, #tpu.memory_space<vmem_shared>>) dst(%dma_wait3A_177 : memref<128x128xf32, #tpu.memory_space<vmem>>)
      tpu.yield
    }) : () -> ()
    %scan3A_138 = arith.constant 0 : i32
    %scan3A_139 = arith.constant 128 : i32
    %scan3A_140 = arith.addi %scan3A_138, %scan3A_139 : i32
    %scan3A_141 = arith.constant 1 : i32
    scf.for %scan3A_162 = %scan3A_138 to %scan3A_140 step %scan3A_141  : i32 {
      %mul3A_163 = arith.constant 1 : i32
      %mul3A_164 = arith.muli %scan3A_162, %mul3A_163 : i32
      %add3A_165 = arith.constant 0 : i32
      %add3A_166 = arith.addi %add3A_165, %mul3A_164 : i32
      %add3A_167 = arith.constant 128 : i32
      %add3A_168 = arith.addi %add3A_167, %add3A_166 : i32
      %broadcast_in_dim3A_169 = vector.broadcast %add3A_168 : i32 to vector<16xi32>
      %gather3A = tpu.vector_load_idx %arg12[%broadcast_in_dim3A_169] : memref<320xf32, #tpu.memory_space<vmem>>[vector<16xi32>], vector<16xf32>,
      %max3A = arith.constant 1.000000e+00 : f32
      %max3A_170 = vector.broadcast %max3A : f32 to vector<16xf32>
      %max3A_171 = arith.maximumf %gather3A, %max3A_170 : vector<16xf32>
      %div3A_172 = arith.constant 1.000000e+00 : f32
      %div3A_173 = vector.broadcast %div3A_172 : f32 to vector<16xf32>
      %div3A_174 = arith.divf %div3A_173, %max3A_171 : vector<16xf32>
      %get3A_175 = arith.index_cast %add3A_166 : i32 to index
      %get3A_176 = arith.constant 0 : index
      %get3A_177 = tpu.vector_load %arg6[%get3A_175, %get3A_176] {strides = array<i32>} : memref<256x128xf32, #tpu.memory_space<vmem>>, vector<16xf32>,
      %get3A_178 = arith.index_cast %add3A_166 : i32 to index
      %get3A_179 = arith.constant 16 : index
      %get3A_180 = tpu.vector_load %arg6[%get3A_178, %get3A_179] {strides = array<i32>} : memref<256x128xf32, #tpu.memory_space<vmem>>, vector<16xf32>,
      %get3A_181 = arith.index_cast %add3A_166 : i32 to index
      %get3A_182 = arith.constant 32 : index
      %get3A_183 = tpu.vector_load %arg6[%get3A_181, %get3A_182] {strides = array<i32>} : memref<256x128xf32, #tpu.memory_space<vmem>>, vector<16xf32>,
      %get3A_184 = arith.index_cast %add3A_166 : i32 to index
      %get3A_185 = arith.constant 48 : index
      %get3A_186 = tpu.vector_load %arg6[%get3A_184, %get3A_185] {strides = array<i32>} : memref<256x128xf32, #tpu.memory_space<vmem>>, vector<16xf32>,
      %get3A_187 = arith.index_cast %add3A_166 : i32 to index
      %get3A_188 = arith.constant 64 : index
      %get3A_189 = tpu.vector_load %arg6[%get3A_187, %get3A_188] {strides = array<i32>} : memref<256x128xf32, #tpu.memory_space<vmem>>, vector<16xf32>,
      %get3A_190 = arith.index_cast %add3A_166 : i32 to index
      %get3A_191 = arith.constant 80 : index
      %get3A_192 = tpu.vector_load %arg6[%get3A_190, %get3A_191] {strides = array<i32>} : memref<256x128xf32, #tpu.memory_space<vmem>>, vector<16xf32>,
      %get3A_193 = arith.index_cast %add3A_166 : i32 to index
      %get3A_194 = arith.constant 96 : index
      %get3A_195 = tpu.vector_load %arg6[%get3A_193, %get3A_194] {strides = array<i32>} : memref<256x128xf32, #tpu.memory_space<vmem>>, vector<16xf32>,
      %get3A_196 = arith.index_cast %add3A_166 : i32 to index
      %get3A_197 = arith.constant 112 : index
      %get3A_198 = tpu.vector_load %arg6[%get3A_196, %get3A_197] {strides = array<i32>} : memref<256x128xf32, #tpu.memory_space<vmem>>, vector<16xf32>,
      %mul3A_199 = arith.mulf %get3A_177, %div3A_174 : vector<16xf32>
      %swap3A = arith.index_cast %add3A_166 : i32 to index
      %swap3A_200 = arith.constant 0 : index
      %swap3A_201 = tpu.vector_load %arg6[%swap3A, %swap3A_200] {strides = array<i32>} : memref<256x128xf32, #tpu.memory_space<vmem>>, vector<16xf32>,
      tpu.vector_store %arg6[%swap3A, %swap3A_200], %mul3A_199 {strides = array<i32>} : memref<256x128xf32, #tpu.memory_space<vmem>>, vector<16xf32>,
      %mul3A_202 = arith.mulf %get3A_180, %div3A_174 : vector<16xf32>
      %swap3A_203 = arith.index_cast %add3A_166 : i32 to index
      %swap3A_204 = arith.constant 16 : index
      %swap3A_205 = tpu.vector_load %arg6[%swap3A_203, %swap3A_204] {strides = array<i32>} : memref<256x128xf32, #tpu.memory_space<vmem>>, vector<16xf32>,
      tpu.vector_store %arg6[%swap3A_203, %swap3A_204], %mul3A_202 {strides = array<i32>} : memref<256x128xf32, #tpu.memory_space<vmem>>, vector<16xf32>,
      %mul3A_206 = arith.mulf %get3A_183, %div3A_174 : vector<16xf32>
      %swap3A_207 = arith.index_cast %add3A_166 : i32 to index
      %swap3A_208 = arith.constant 32 : index
      %swap3A_209 = tpu.vector_load %arg6[%swap3A_207, %swap3A_208] {strides = array<i32>} : memref<256x128xf32, #tpu.memory_space<vmem>>, vector<16xf32>,
      tpu.vector_store %arg6[%swap3A_207, %swap3A_208], %mul3A_206 {strides = array<i32>} : memref<256x128xf32, #tpu.memory_space<vmem>>, vector<16xf32>,
      %mul3A_210 = arith.mulf %get3A_186, %div3A_174 : vector<16xf32>
      %swap3A_211 = arith.index_cast %add3A_166 : i32 to index
      %swap3A_212 = arith.constant 48 : index
      %swap3A_213 = tpu.vector_load %arg6[%swap3A_211, %swap3A_212] {strides = array<i32>} : memref<256x128xf32, #tpu.memory_space<vmem>>, vector<16xf32>,
      tpu.vector_store %arg6[%swap3A_211, %swap3A_212], %mul3A_210 {strides = array<i32>} : memref<256x128xf32, #tpu.memory_space<vmem>>, vector<16xf32>,
      %mul3A_214 = arith.mulf %get3A_189, %div3A_174 : vector<16xf32>
      %swap3A_215 = arith.index_cast %add3A_166 : i32 to index
      %swap3A_216 = arith.constant 64 : index
      %swap3A_217 = tpu.vector_load %arg6[%swap3A_215, %swap3A_216] {strides = array<i32>} : memref<256x128xf32, #tpu.memory_space<vmem>>, vector<16xf32>,
      tpu.vector_store %arg6[%swap3A_215, %swap3A_216], %mul3A_214 {strides = array<i32>} : memref<256x128xf32, #tpu.memory_space<vmem>>, vector<16xf32>,
      %mul3A_218 = arith.mulf %get3A_192, %div3A_174 : vector<16xf32>
      %swap3A_219 = arith.index_cast %add3A_166 : i32 to index
      %swap3A_220 = arith.constant 80 : index
      %swap3A_221 = tpu.vector_load %arg6[%swap3A_219, %swap3A_220] {strides = array<i32>} : memref<256x128xf32, #tpu.memory_space<vmem>>, vector<16xf32>,
      tpu.vector_store %arg6[%swap3A_219, %swap3A_220], %mul3A_218 {strides = array<i32>} : memref<256x128xf32, #tpu.memory_space<vmem>>, vector<16xf32>,
      %mul3A_222 = arith.mulf %get3A_195, %div3A_174 : vector<16xf32>
      %swap3A_223 = arith.index_cast %add3A_166 : i32 to index
      %swap3A_224 = arith.constant 96 : index
      %swap3A_225 = tpu.vector_load %arg6[%swap3A_223, %swap3A_224] {strides = array<i32>} : memref<256x128xf32, #tpu.memory_space<vmem>>, vector<16xf32>,
      tpu.vector_store %arg6[%swap3A_223, %swap3A_224], %mul3A_222 {strides = array<i32>} : memref<256x128xf32, #tpu.memory_space<vmem>>, vector<16xf32>,
      %mul3A_226 = arith.mulf %get3A_198, %div3A_174 : vector<16xf32>
      %swap3A_227 = arith.index_cast %add3A_166 : i32 to index
      %swap3A_228 = arith.constant 112 : index
      %swap3A_229 = tpu.vector_load %arg6[%swap3A_227, %swap3A_228] {strides = array<i32>} : memref<256x128xf32, #tpu.memory_space<vmem>>, vector<16xf32>,
      tpu.vector_store %arg6[%swap3A_227, %swap3A_228], %mul3A_226 {strides = array<i32>} : memref<256x128xf32, #tpu.memory_space<vmem>>, vector<16xf32>,
    }
    %scan3A_142 = arith.constant 128 : i32
    %lt3A_143 = arith.constant 31 : i32
    %lt3A_144 = arith.cmpi slt, %add3A, %lt3A_143 : i32
    %convert_element_type3A_145 = arith.extui %lt3A_144 : i1 to i32
    %cond3A_146 = arith.constant 0 : i32
    %cond3A_147 = arith.cmpi ne, %convert_element_type3A_145, %cond3A_146 : i32
    scf.if %cond3A_147 {
      %add3A_162 = arith.constant 128 : i32
      %add3A_163 = arith.addi %mul3A_2, %add3A_162 : i32
      "tpu.region"() ({
        %run_scoped3A = tpu.sem_alloc : memref<!tpu.dma_semaphore, #tpu.memory_space<semaphore_mem>>
        %dma_start3A = arith.constant 0 : i32
        %dma_start3A_164 = arith.constant 0 : i32
        %dma_start3A_165 = tpu.memref_slice %arg6[%dma_start3A, %dma_start3A_164] : memref<256x128xf32, #tpu.memory_space<vmem>> -> memref<128x128xf32, #tpu.memory_space<vmem>>
        %dma_start3A_166 = arith.constant 0 : i32
        %dma_start3A_167 = tpu.memref_slice %arg5[%add3A_163, %dma_start3A_166] : memref<10000x128xf32, #tpu.memory_space<hbm>> -> memref<128x128xf32, #tpu.memory_space<hbm>>
        %dma_start3A_168 = arith.constant 0 : i32
        %dma_start3A_169 = tpu.memref_slice %arg5[%add3A_163, %dma_start3A_168] : memref<10000x128xf32, #tpu.memory_space<hbm>> -> memref<128x128xf32, #tpu.memory_space<hbm>>
        %dma_start3A_170 = arith.constant 0 : i32
        %dma_start3A_171 = arith.constant 0 : i32
        %dma_start3A_172 = tpu.memref_slice %arg6[%dma_start3A_170, %dma_start3A_171] : memref<256x128xf32, #tpu.memory_space<vmem>> -> memref<128x128xf32, #tpu.memory_space<vmem>>
        tpu.enqueue_dma source(%dma_start3A_172 : memref<128x128xf32, #tpu.memory_space<vmem>>) target(%dma_start3A_169 : memref<128x128xf32, #tpu.memory_space<hbm>>) target_semaphore(%run_scoped3A : memref<!tpu.dma_semaphore, #tpu.memory_space<semaphore_mem>>)
        %dma_wait3A = arith.constant 0 : i32
        %dma_wait3A_173 = arith.constant 0 : i32
        %dma_wait3A_174 = tpu.memref_slice %arg6[%dma_wait3A, %dma_wait3A_173] : memref<256x128xf32, #tpu.memory_space<vmem>> -> memref<128x128xf32, #tpu.memory_space<vmem>>
        %dma_wait3A_175 = arith.constant 0 : i32
        %dma_wait3A_176 = tpu.memref_slice %arg5[%add3A_163, %dma_wait3A_175] : memref<10000x128xf32, #tpu.memory_space<hbm>> -> memref<128x128xf32, #tpu.memory_space<hbm>>
        %dma_wait3A_177 = arith.constant 0 : i32
        %dma_wait3A_178 = tpu.memref_slice %arg5[%add3A_163, %dma_wait3A_177] : memref<10000x128xf32, #tpu.memory_space<hbm>> -> memref<128x128xf32, #tpu.memory_space<hbm>>
        %dma_wait3A_179 = arith.constant 0 : i32
        %dma_wait3A_180 = arith.constant 0 : i32
        %dma_wait3A_181 = tpu.memref_slice %arg6[%dma_wait3A_179, %dma_wait3A_180] : memref<256x128xf32, #tpu.memory_space<vmem>> -> memref<128x128xf32, #tpu.memory_space<vmem>>
        tpu.wait_dma2 semaphore(%run_scoped3A : memref<!tpu.dma_semaphore, #tpu.memory_space<semaphore_mem>>) src(%dma_wait3A_181 : memref<128x128xf32, #tpu.memory_space<vmem>>) dst(%dma_wait3A_178 : memref<128x128xf32, #tpu.memory_space<hbm>>)
        tpu.yield
      }) : () -> ()
    } else {
    }
    %mul3A_148 = arith.constant 320 : i32
    %mul3A_149 = arith.muli %arg1, %mul3A_148 : i32
    %add3A_150 = arith.constant 256 : i32
    %add3A_151 = arith.addi %mul3A_149, %add3A_150 : i32
    "tpu.region"() ({
      %run_scoped3A = tpu.sem_alloc : memref<!tpu.dma_semaphore, #tpu.memory_space<semaphore_mem>>
      %dma_start3A = arith.constant 0 : i32
      %dma_start3A_162 = arith.constant 0 : i32
      %dma_start3A_163 = tpu.memref_slice %arg6[%dma_start3A, %dma_start3A_162] : memref<256x128xf32, #tpu.memory_space<vmem>> -> memref<64x128xf32, #tpu.memory_space<vmem>>
      %dma_start3A_164 = arith.constant 0 : i32
      %dma_start3A_165 = tpu.memref_slice %arg14[%add3A_151, %dma_start3A_164] : memref<5248x128xf32, #tpu.memory_space<vmem_shared>> -> memref<64x128xf32, #tpu.memory_space<vmem_shared>>
      %dma_start3A_166 = arith.constant 0 : i32
      %dma_start3A_167 = arith.constant 0 : i32
      %dma_start3A_168 = tpu.memref_slice %arg6[%dma_start3A_166, %dma_start3A_167] : memref<256x128xf32, #tpu.memory_space<vmem>> -> memref<64x128xf32, #tpu.memory_space<vmem>>
      %dma_start3A_169 = arith.constant 0 : i32
      %dma_start3A_170 = tpu.memref_slice %arg14[%add3A_151, %dma_start3A_169] : memref<5248x128xf32, #tpu.memory_space<vmem_shared>> -> memref<64x128xf32, #tpu.memory_space<vmem_shared>>
      tpu.enqueue_dma source(%dma_start3A_170 : memref<64x128xf32, #tpu.memory_space<vmem_shared>>) target(%dma_start3A_168 : memref<64x128xf32, #tpu.memory_space<vmem>>) target_semaphore(%run_scoped3A : memref<!tpu.dma_semaphore, #tpu.memory_space<semaphore_mem>>)
      %dma_wait3A = arith.constant 0 : i32
      %dma_wait3A_171 = arith.constant 0 : i32
      %dma_wait3A_172 = tpu.memref_slice %arg6[%dma_wait3A, %dma_wait3A_171] : memref<256x128xf32, #tpu.memory_space<vmem>> -> memref<64x128xf32, #tpu.memory_space<vmem>>
      %dma_wait3A_173 = arith.constant 0 : i32
      %dma_wait3A_174 = tpu.memref_slice %arg14[%add3A_151, %dma_wait3A_173] : memref<5248x128xf32, #tpu.memory_space<vmem_shared>> -> memref<64x128xf32, #tpu.memory_space<vmem_shared>>
      %dma_wait3A_175 = arith.constant 0 : i32
      %dma_wait3A_176 = arith.constant 0 : i32
      %dma_wait3A_177 = tpu.memref_slice %arg6[%dma_wait3A_175, %dma_wait3A_176] : memref<256x128xf32, #tpu.memory_space<vmem>> -> memref<64x128xf32, #tpu.memory_space<vmem>>
      %dma_wait3A_178 = arith.constant 0 : i32
      %dma_wait3A_179 = tpu.memref_slice %arg14[%add3A_151, %dma_wait3A_178] : memref<5248x128xf32, #tpu.memory_space<vmem_shared>> -> memref<64x128xf32, #tpu.memory_space<vmem_shared>>
      tpu.wait_dma2 semaphore(%run_scoped3A : memref<!tpu.dma_semaphore, #tpu.memory_space<semaphore_mem>>) src(%dma_wait3A_179 : memref<64x128xf32, #tpu.memory_space<vmem_shared>>) dst(%dma_wait3A_177 : memref<64x128xf32, #tpu.memory_space<vmem>>)
      tpu.yield
    }) : () -> ()
    %scan3A_152 = arith.constant 0 : i32
    %scan3A_153 = arith.constant 64 : i32
    %scan3A_154 = arith.addi %scan3A_152, %scan3A_153 : i32
    %scan3A_155 = arith.constant 1 : i32
    scf.for %scan3A_162 = %scan3A_152 to %scan3A_154 step %scan3A_155  : i32 {
      %mul3A_163 = arith.constant 1 : i32
      %mul3A_164 = arith.muli %scan3A_162, %mul3A_163 : i32
      %add3A_165 = arith.constant 0 : i32
      %add3A_166 = arith.addi %add3A_165, %mul3A_164 : i32
      %add3A_167 = arith.constant 256 : i32
      %add3A_168 = arith.addi %add3A_167, %add3A_166 : i32
      %broadcast_in_dim3A_169 = vector.broadcast %add3A_168 : i32 to vector<16xi32>
      %gather3A = tpu.vector_load_idx %arg12[%broadcast_in_dim3A_169] : memref<320xf32, #tpu.memory_space<vmem>>[vector<16xi32>], vector<16xf32>,
      %max3A = arith.constant 1.000000e+00 : f32
      %max3A_170 = vector.broadcast %max3A : f32 to vector<16xf32>
      %max3A_171 = arith.maximumf %gather3A, %max3A_170 : vector<16xf32>
      %div3A_172 = arith.constant 1.000000e+00 : f32
      %div3A_173 = vector.broadcast %div3A_172 : f32 to vector<16xf32>
      %div3A_174 = arith.divf %div3A_173, %max3A_171 : vector<16xf32>
      %get3A_175 = arith.index_cast %add3A_166 : i32 to index
      %get3A_176 = arith.constant 0 : index
      %get3A_177 = tpu.vector_load %arg6[%get3A_175, %get3A_176] {strides = array<i32>} : memref<256x128xf32, #tpu.memory_space<vmem>>, vector<16xf32>,
      %get3A_178 = arith.index_cast %add3A_166 : i32 to index
      %get3A_179 = arith.constant 16 : index
      %get3A_180 = tpu.vector_load %arg6[%get3A_178, %get3A_179] {strides = array<i32>} : memref<256x128xf32, #tpu.memory_space<vmem>>, vector<16xf32>,
      %get3A_181 = arith.index_cast %add3A_166 : i32 to index
      %get3A_182 = arith.constant 32 : index
      %get3A_183 = tpu.vector_load %arg6[%get3A_181, %get3A_182] {strides = array<i32>} : memref<256x128xf32, #tpu.memory_space<vmem>>, vector<16xf32>,
      %get3A_184 = arith.index_cast %add3A_166 : i32 to index
      %get3A_185 = arith.constant 48 : index
      %get3A_186 = tpu.vector_load %arg6[%get3A_184, %get3A_185] {strides = array<i32>} : memref<256x128xf32, #tpu.memory_space<vmem>>, vector<16xf32>,
      %get3A_187 = arith.index_cast %add3A_166 : i32 to index
      %get3A_188 = arith.constant 64 : index
      %get3A_189 = tpu.vector_load %arg6[%get3A_187, %get3A_188] {strides = array<i32>} : memref<256x128xf32, #tpu.memory_space<vmem>>, vector<16xf32>,
      %get3A_190 = arith.index_cast %add3A_166 : i32 to index
      %get3A_191 = arith.constant 80 : index
      %get3A_192 = tpu.vector_load %arg6[%get3A_190, %get3A_191] {strides = array<i32>} : memref<256x128xf32, #tpu.memory_space<vmem>>, vector<16xf32>,
      %get3A_193 = arith.index_cast %add3A_166 : i32 to index
      %get3A_194 = arith.constant 96 : index
      %get3A_195 = tpu.vector_load %arg6[%get3A_193, %get3A_194] {strides = array<i32>} : memref<256x128xf32, #tpu.memory_space<vmem>>, vector<16xf32>,
      %get3A_196 = arith.index_cast %add3A_166 : i32 to index
      %get3A_197 = arith.constant 112 : index
      %get3A_198 = tpu.vector_load %arg6[%get3A_196, %get3A_197] {strides = array<i32>} : memref<256x128xf32, #tpu.memory_space<vmem>>, vector<16xf32>,
      %mul3A_199 = arith.mulf %get3A_177, %div3A_174 : vector<16xf32>
      %swap3A = arith.index_cast %add3A_166 : i32 to index
      %swap3A_200 = arith.constant 0 : index
      %swap3A_201 = tpu.vector_load %arg6[%swap3A, %swap3A_200] {strides = array<i32>} : memref<256x128xf32, #tpu.memory_space<vmem>>, vector<16xf32>,
      tpu.vector_store %arg6[%swap3A, %swap3A_200], %mul3A_199 {strides = array<i32>} : memref<256x128xf32, #tpu.memory_space<vmem>>, vector<16xf32>,
      %mul3A_202 = arith.mulf %get3A_180, %div3A_174 : vector<16xf32>
      %swap3A_203 = arith.index_cast %add3A_166 : i32 to index
      %swap3A_204 = arith.constant 16 : index
      %swap3A_205 = tpu.vector_load %arg6[%swap3A_203, %swap3A_204] {strides = array<i32>} : memref<256x128xf32, #tpu.memory_space<vmem>>, vector<16xf32>,
      tpu.vector_store %arg6[%swap3A_203, %swap3A_204], %mul3A_202 {strides = array<i32>} : memref<256x128xf32, #tpu.memory_space<vmem>>, vector<16xf32>,
      %mul3A_206 = arith.mulf %get3A_183, %div3A_174 : vector<16xf32>
      %swap3A_207 = arith.index_cast %add3A_166 : i32 to index
      %swap3A_208 = arith.constant 32 : index
      %swap3A_209 = tpu.vector_load %arg6[%swap3A_207, %swap3A_208] {strides = array<i32>} : memref<256x128xf32, #tpu.memory_space<vmem>>, vector<16xf32>,
      tpu.vector_store %arg6[%swap3A_207, %swap3A_208], %mul3A_206 {strides = array<i32>} : memref<256x128xf32, #tpu.memory_space<vmem>>, vector<16xf32>,
      %mul3A_210 = arith.mulf %get3A_186, %div3A_174 : vector<16xf32>
      %swap3A_211 = arith.index_cast %add3A_166 : i32 to index
      %swap3A_212 = arith.constant 48 : index
      %swap3A_213 = tpu.vector_load %arg6[%swap3A_211, %swap3A_212] {strides = array<i32>} : memref<256x128xf32, #tpu.memory_space<vmem>>, vector<16xf32>,
      tpu.vector_store %arg6[%swap3A_211, %swap3A_212], %mul3A_210 {strides = array<i32>} : memref<256x128xf32, #tpu.memory_space<vmem>>, vector<16xf32>,
      %mul3A_214 = arith.mulf %get3A_189, %div3A_174 : vector<16xf32>
      %swap3A_215 = arith.index_cast %add3A_166 : i32 to index
      %swap3A_216 = arith.constant 64 : index
      %swap3A_217 = tpu.vector_load %arg6[%swap3A_215, %swap3A_216] {strides = array<i32>} : memref<256x128xf32, #tpu.memory_space<vmem>>, vector<16xf32>,
      tpu.vector_store %arg6[%swap3A_215, %swap3A_216], %mul3A_214 {strides = array<i32>} : memref<256x128xf32, #tpu.memory_space<vmem>>, vector<16xf32>,
      %mul3A_218 = arith.mulf %get3A_192, %div3A_174 : vector<16xf32>
      %swap3A_219 = arith.index_cast %add3A_166 : i32 to index
      %swap3A_220 = arith.constant 80 : index
      %swap3A_221 = tpu.vector_load %arg6[%swap3A_219, %swap3A_220] {strides = array<i32>} : memref<256x128xf32, #tpu.memory_space<vmem>>, vector<16xf32>,
      tpu.vector_store %arg6[%swap3A_219, %swap3A_220], %mul3A_218 {strides = array<i32>} : memref<256x128xf32, #tpu.memory_space<vmem>>, vector<16xf32>,
      %mul3A_222 = arith.mulf %get3A_195, %div3A_174 : vector<16xf32>
      %swap3A_223 = arith.index_cast %add3A_166 : i32 to index
      %swap3A_224 = arith.constant 96 : index
      %swap3A_225 = tpu.vector_load %arg6[%swap3A_223, %swap3A_224] {strides = array<i32>} : memref<256x128xf32, #tpu.memory_space<vmem>>, vector<16xf32>,
      tpu.vector_store %arg6[%swap3A_223, %swap3A_224], %mul3A_222 {strides = array<i32>} : memref<256x128xf32, #tpu.memory_space<vmem>>, vector<16xf32>,
      %mul3A_226 = arith.mulf %get3A_198, %div3A_174 : vector<16xf32>
      %swap3A_227 = arith.index_cast %add3A_166 : i32 to index
      %swap3A_228 = arith.constant 112 : index
      %swap3A_229 = tpu.vector_load %arg6[%swap3A_227, %swap3A_228] {strides = array<i32>} : memref<256x128xf32, #tpu.memory_space<vmem>>, vector<16xf32>,
      tpu.vector_store %arg6[%swap3A_227, %swap3A_228], %mul3A_226 {strides = array<i32>} : memref<256x128xf32, #tpu.memory_space<vmem>>, vector<16xf32>,
    }
    %scan3A_156 = arith.constant 64 : i32
    %lt3A_157 = arith.constant 31 : i32
    %lt3A_158 = arith.cmpi slt, %add3A, %lt3A_157 : i32
    %convert_element_type3A_159 = arith.extui %lt3A_158 : i1 to i32
    %cond3A_160 = arith.constant 0 : i32
    %cond3A_161 = arith.cmpi ne, %convert_element_type3A_159, %cond3A_160 : i32
    scf.if %cond3A_161 {
      %add3A_162 = arith.constant 256 : i32
      %add3A_163 = arith.addi %mul3A_2, %add3A_162 : i32
      "tpu.region"() ({
        %run_scoped3A = tpu.sem_alloc : memref<!tpu.dma_semaphore, #tpu.memory_space<semaphore_mem>>
        %dma_start3A = arith.constant 0 : i32
        %dma_start3A_164 = arith.constant 0 : i32
        %dma_start3A_165 = tpu.memref_slice %arg6[%dma_start3A, %dma_start3A_164] : memref<256x128xf32, #tpu.memory_space<vmem>> -> memref<64x128xf32, #tpu.memory_space<vmem>>
        %dma_start3A_166 = arith.constant 0 : i32
        %dma_start3A_167 = tpu.memref_slice %arg5[%add3A_163, %dma_start3A_166] : memref<10000x128xf32, #tpu.memory_space<hbm>> -> memref<64x128xf32, #tpu.memory_space<hbm>>
        %dma_start3A_168 = arith.constant 0 : i32
        %dma_start3A_169 = tpu.memref_slice %arg5[%add3A_163, %dma_start3A_168] : memref<10000x128xf32, #tpu.memory_space<hbm>> -> memref<64x128xf32, #tpu.memory_space<hbm>>
        %dma_start3A_170 = arith.constant 0 : i32
        %dma_start3A_171 = arith.constant 0 : i32
        %dma_start3A_172 = tpu.memref_slice %arg6[%dma_start3A_170, %dma_start3A_171] : memref<256x128xf32, #tpu.memory_space<vmem>> -> memref<64x128xf32, #tpu.memory_space<vmem>>
        tpu.enqueue_dma source(%dma_start3A_172 : memref<64x128xf32, #tpu.memory_space<vmem>>) target(%dma_start3A_169 : memref<64x128xf32, #tpu.memory_space<hbm>>) target_semaphore(%run_scoped3A : memref<!tpu.dma_semaphore, #tpu.memory_space<semaphore_mem>>)
        %dma_wait3A = arith.constant 0 : i32
        %dma_wait3A_173 = arith.constant 0 : i32
        %dma_wait3A_174 = tpu.memref_slice %arg6[%dma_wait3A, %dma_wait3A_173] : memref<256x128xf32, #tpu.memory_space<vmem>> -> memref<64x128xf32, #tpu.memory_space<vmem>>
        %dma_wait3A_175 = arith.constant 0 : i32
        %dma_wait3A_176 = tpu.memref_slice %arg5[%add3A_163, %dma_wait3A_175] : memref<10000x128xf32, #tpu.memory_space<hbm>> -> memref<64x128xf32, #tpu.memory_space<hbm>>
        %dma_wait3A_177 = arith.constant 0 : i32
        %dma_wait3A_178 = tpu.memref_slice %arg5[%add3A_163, %dma_wait3A_177] : memref<10000x128xf32, #tpu.memory_space<hbm>> -> memref<64x128xf32, #tpu.memory_space<hbm>>
        %dma_wait3A_179 = arith.constant 0 : i32
        %dma_wait3A_180 = arith.constant 0 : i32
        %dma_wait3A_181 = tpu.memref_slice %arg6[%dma_wait3A_179, %dma_wait3A_180] : memref<256x128xf32, #tpu.memory_space<vmem>> -> memref<64x128xf32, #tpu.memory_space<vmem>>
        tpu.wait_dma2 semaphore(%run_scoped3A : memref<!tpu.dma_semaphore, #tpu.memory_space<semaphore_mem>>) src(%dma_wait3A_181 : memref<64x128xf32, #tpu.memory_space<vmem>>) dst(%dma_wait3A_178 : memref<64x128xf32, #tpu.memory_space<hbm>>)
        tpu.yield
      }) : () -> ()
    } else {
    }
    return
  }
}

</mosaic_0001>

<sc_bundles>
// kernel: kernel.3.cloned.1.call-start
scs
__scs_entry_jumppad:
0x0: {  	(pc) =	sbr.rel $0x88, $3  }
0x1: {  	(tag) =	ssettag $0x0;
	lr =	simm.s32 $0x1  }
0x2: {  	[smem:$0x3F9F] =	sst lr;
	_ =	strace $0xD0000000  }
0x3: {  	_ = 	snop  }
0x4: {  	_ = 	snop  }
0x5: {  	_ = 	snop  }
0x6: {  	_ = 	snop  }
0x7: {  	_ = 	snop  }
__scs_overlays_trampoline_lowered:
0x8: {  	[smem:$0x3FAE] =	sst s0  }
0x9: {  	[smem:$0x3FAF] =	sst s1  }
0xa: {  	[smem:$0x3FB0] =	sst s2  }
0xb: {  	[smem:$0x3FB1] =	sst s3  }
0xc: {  	[smem:$0x3FB2] =	sst s4  }
0xd: {  	[smem:$0x3FB3] =	sst s5  }
0xe: {  	[smem:$0x3FB4] =	sst s6  }
0xf: {  	[smem:$0x3FB5] =	sst s7  }
0x10: {  	[smem:$0x3FB6] =	sst s8  }
0x11: {  	[smem:$0x3FB7] =	sst s9;
	s0 =	simm.s32 @!p0 $0x0  }
0x12: {  	s1 =	sld [smem:$0x3F9D];
	s0 =	simm.s32 @p0 $0x1  }
0x13: {  	[smem:$0x3FB8] =	sst s0;
	s0 =	simm.s32 @!p1 $0x0  }
0x14: {  	s2 =	sld [smem:$0x3F9C];
	s0 =	simm.s32 @p1 $0x1  }
0x15: {  	[smem:$0x3FB9] =	sst s0;
	s0 =	simm.s32 @!p2 $0x0  }
0x16: {  	s3 =	sld [smem:$0x3FDB];
	s0 =	simm.s32 @p2 $0x1  }
0x17: {  	s4 =	simm.s32 $0x1BF5;
	[smem:$0x3FBB] =	sst s0  }
0x18: {  	s0 =	sld [smem:$0x3F9E];
	_ =	swait.ge [sflag:s4], $0x0  }
0x19: {  	s7 =	sld [smem:$0x3F9F]  }
0x1a: {  	s8 =	sadd.s32 $0xFFFFE003, lr  }
0x1b: {  	s9 =	sadd.s32 $0xFFFFFEF7, lr;
	s5 =	simm.s32 $0xFFFFFFFF;
	p2 =	slt.u32 s8, $0xFFFFF086  }
0x1c: {  	p1 =	slt.u32 s9, $0xF7A;
	s5 =	simm.s32 @!p2 $0x0  }
0x1d: {  	s5 =	simm.s32 @p1 $0x1;
	p0 =	seq.s32 s7, s2  }
0x1e: {  	s7 =	smul.u32 @!p0 $0xF7A, s2;
	p2 =	seq.s32 @!p0 s5, $0x0  }
0x1f: {  	s9 =	smul.u32 $0xF7A, s1;
	s8 =	simm.s32 @!p0 $0x1BF5;
	p2 =	por !p2, p0  }
0x20: {  	[sflag:s8] =	ssyncset.s32 @!p0 $0xFFFFF086;
	s6 =	sadd.s32 @!p0 s3, s7;
	s7 =	simm.s32 @!p0 $0x108  }
0x21: {  	s3 =	sadd.s32 s3, s9;
	s6 =	sadd.s32 @!p0 $0x88, s6;
	s7 =	simm.s32 @p2 $0x1082  }
0x22: {  	[simem:s7], [sflag:s8] =	dma.local @!p0 [hbm:s6], $0xF7A  }
0x23: {  	s9 =	sor.u32 $0xD0000000, s2;
	s6 =	simm.s32 $0x108;
	_ =	swait.ge @!p0 [sflag:s8], $0x0  }
0x24: {  	s3 =	sadd.s32 $0x88, s3;
	s6 =	simm.s32 @!p1 $0x1082;
	[sflag:s4] =	ssyncset.s32 $0xFFFFF086  }
0x25: {  	[simem:s6], [sflag:s4] =	dma.local [hbm:s3], $0xF7A  }
0x26: {  	[smem:$0x3F9F] =	sst s1;
	(tag) =	ssettag s2;
	_ =	strace s9  }
0x27: {  	s1 =	sld [smem:$0x3FAF]  }
0x28: {  	s2 =	sld [smem:$0x3FB0]  }
0x29: {  	s4 =	sld [smem:$0x3FB2]  }
0x2a: {  	p0 =	seq.s32 s5, $0x0;
	s5 =	sld [smem:$0x3FB3]  }
0x2b: {  	s6 =	sld [smem:$0x3FB4]  }
0x2c: {  	s7 =	sld [smem:$0x3FB5]  }
0x2d: {  	s3 =	simm.s32 $0x108;
	s8 =	sld [smem:$0x3FB6]  }
0x2e: {  	s3 =	simm.s32 @!p0 $0x1082;
	s9 =	sld [smem:$0x3FB7]  }
0x2f: {  	lr =	sadd.s32 s0, s3;
	s0 =	sld [smem:$0x3FAE]  }
0x30: {  	s3 =	sld [smem:$0x3FB1]  }
0x31: {  	[smem:$0x3FBA] =	sst s10  }
0x32: {  	s10 =	sld [smem:$0x3FB8];
	_ =	sdelay $0x3  }
0x33: {  	p0 =	seq.s32 s10, $0x1;
	s10 =	sld [smem:$0x3FBA];
	_ =	sdelay $0x3  }
0x34: {  	[smem:$0x3FBA] =	sst s10  }
0x35: {  	s10 =	sld [smem:$0x3FB9];
	_ =	sdelay $0x3  }
0x36: {  	p1 =	seq.s32 s10, $0x1;
	s10 =	sld [smem:$0x3FBA];
	_ =	sdelay $0x3  }
0x37: {  	[smem:$0x3FBA] =	sst s10  }
0x38: {  	s10 =	sld [smem:$0x3FBB]  }
0x39: {  	_ = 	snop;
	(pc) =	sbr.ind lr, $3  }
0x3a: {  	_ = 	snop  }
0x3b: {  	_ = 	snop  }
0x3c: {  	p2 =	seq.s32 s10, $0x1;
	s10 =	sld [smem:$0x3FBA]  }
0x3d: {  	_ =	shalt  }
0x3e: {  	_ =	shalt  }
0x3f: {  	_ =	shalt  }
0x40: {  	_ =	shalt  }
0x41: {  	_ =	shalt  }
0x42: {  	_ =	shalt  }
0x43: {  	_ =	shalt  }
0x44: {  	_ =	shalt  }
0x45: {  	_ =	shalt  }
0x46: {  	_ =	shalt  }
0x47: {  	_ =	shalt  }
0x48: {  	_ =	shalt  }
0x49: {  	_ =	shalt  }
0x4a: {  	_ =	shalt  }
0x4b: {  	_ =	shalt  }
0x4c: {  	_ =	shalt  }
0x4d: {  	_ =	shalt  }
0x4e: {  	_ =	shalt  }
0x4f: {  	_ =	shalt  }
0x50: {  	_ =	shalt  }
0x51: {  	_ =	shalt  }
0x52: {  	_ =	shalt  }
0x53: {  	_ =	shalt  }
0x54: {  	_ =	shalt  }
0x55: {  	_ =	shalt  }
0x56: {  	_ =	shalt  }
0x57: {  	_ =	shalt  }
0x58: {  	_ =	shalt  }
0x59: {  	_ =	shalt  }
0x5a: {  	_ =	shalt  }
0x5b: {  	_ =	shalt  }
0x5c: {  	_ =	shalt  }
0x5d: {  	_ =	shalt  }
0x5e: {  	_ =	shalt  }
0x5f: {  	_ =	shalt  }
0x60: {  	_ =	shalt  }
0x61: {  	_ =	shalt  }
0x62: {  	_ =	shalt  }
0x63: {  	_ =	shalt  }
0x64: {  	_ =	shalt  }
0x65: {  	_ =	shalt  }
0x66: {  	_ =	shalt  }
0x67: {  	_ =	shalt  }
0x68: {  	_ =	shalt  }
0x69: {  	_ =	shalt  }
0x6a: {  	_ =	shalt  }
0x6b: {  	_ =	shalt  }
0x6c: {  	_ =	shalt  }
0x6d: {  	_ =	shalt  }
0x6e: {  	_ =	shalt  }
0x6f: {  	_ =	shalt  }
0x70: {  	_ =	shalt  }
0x71: {  	_ =	shalt  }
0x72: {  	_ =	shalt  }
0x73: {  	_ =	shalt  }
0x74: {  	_ =	shalt  }
0x75: {  	_ =	shalt  }
0x76: {  	_ =	shalt  }
0x77: {  	_ =	shalt  }
0x78: {  	_ =	shalt  }
0x79: {  	_ =	shalt  }
0x7a: {  	_ =	shalt  }
0x7b: {  	_ =	shalt  }
0x7c: {  	_ =	shalt  }
0x7d: {  	_ =	shalt  }
0x7e: {  	_ =	shalt  }
0x7f: {  	_ =	shalt  }
0x80: {  	_ =	shalt  }
0x81: {  	_ =	shalt  }
0x82: {  	_ =	shalt  }
0x83: {  	_ =	shalt  }
0x84: {  	_ =	shalt  }
0x85: {  	_ =	shalt  }
0x86: {  	_ =	shalt  }
0x87: {  	_ =	shalt  }
.Lfunc_end0:
.L_simem_size_0:
called_computation_lowered:
.L_overlay_start_0:
0x88: {  	s2 =	sld [smem:$0x3FD9]  }
0x89: {  	s3 =	sld [smem:$0x3FFE];
	_ =	sdelay $0x1  }
0x8a: {  	s1 =	srdreg.scid  }
0x8b: {  	s0 =	sand.u32 $0x1, s1  }
0x8c: {  	s17 =	sshll.u32 s0, $0xA;
	s2 =	sadd.s32 s3, s2  }
0x8d: {  	s2 =	sadd.s32 s2, s17  }
0x8e: {  	[smem:$0x3FC6] =	sst s2  }
0x8f: {  	_ = 	snop  }
0x90: {  	s2 =	sld [smem:$0x3FC9]  }
0x91: {  	s18 =	sld [smem:$0x3FC8]  }
0x92: {  	s4 =	sld [smem:$0x3FD0];
	(tm) =	ssettm $0x1  }
0x93: {  	s5 =	sld [smem:$0x3FFB];
	_ =	sdelay $0x3  }
0x94: {  	_ =	strace s5  }
0x95: {  	s5 =	sld [smem:$0x3FFC];
	_ =	sdelay $0x3  }
0x96: {  	_ =	strace s5  }
0x97: {  	s5 =	sld [smem:$0x3FFD];
	_ =	sdelay $0x3  }
0x98: {  	_ =	strace s5  }
0x99: {  	_ =	strace $0x8FFFFFFF  }
0x9a: {  	s19 =	sld [smem:$0x3FDB];
	_ =	sdelay $0x1  }
0x9b: {  	s6 =	simm.s32 $_scs_section_size  }
0x9c: {  	s7 =	simm.s32 $_size__tile_overlayer_lowered;
	s8 =	simm.s32 $_tile_overlayer_lowered  }
0x9d: {  	s22 =	simm.s32 $0x1BFF;
	s21 =	sshll.u32 s8, $0x1;
	s5 =	sadd.s32 s6, s19  }
0x9e: {  	s9 =	simm.s32 $0x0;
	s20 =	sshll.u32 s7, $0x1;
	s7 =	sadd.s32 s21, s5  }
0x9f: {  	[timem:s9], [sflag:s22] =	dma.local [hbm:s7], s20  }
0xa0: {  	_ =	swait.ge [sflag:s22], s20  }
0xa1: {  	s6 =	ssub.s32 $0x0, s20;
	[sflag:s22] =	ssyncset.done $0x0  }
0xa2: {  	[sflag:s22] =	ssyncadd.s32 s6;
	_ =	sdelay $0x1  }
0xa3: {  	s23 =	simm.s32 $0x1B8B  }
0xa4: {  	_ =	swait.ge [sflag:s23], $0x1  }
0xa5: {  	[sflag:s23] =	ssyncset.done $0x0  }
0xa6: {  	s25 =	simm.s32 $0x1B8E;
	s24 =	sld [smem:$0x3FFE];
	[sflag:s23] =	ssyncadd.s32 $0xFFFFFFFF  }
0xa7: {  	s26 =	simm.s32 $execute0_lowered;
	[smem:$0x3FD2] =	sst s25  }
0xa8: {  	s7 =	sshll.u32 s26, $0x1;
	_ =	strace $0x80000046;
	[dreg:$0x1] =	wrdreg $0xFFFFFFFF  }
0xa9: {  	s28 =	simm.s32 $_size_execute0_lowered;
	s5 =	sadd.s32 s5, s7;
	[dreg:$0x0] =	wrdreg $0x0  }
0xaa: {  	s7 =	sshll.u32 s28, $0x1;
	[dreg:$0x2] =	wrdreg s5  }
0xab: {  	[dreg:$0x3] =	wrdreg s7  }
0xac: {  	[dreg:$0x4] =	wrdreg $0xC0  }
0xad: {  	_ =	task [dreg:s9], $0x5FFFF  }
0xae: {  	[dreg:$0x1] =	wrdreg $0xFFFFFFFF  }
0xaf: {  	[dreg:$0x0] =	wrdreg $0x60  }
0xb0: {  	[dreg:$0x2] =	wrdreg s2  }
0xb1: {  	[dreg:$0x3] =	wrdreg s24  }
0xb2: {  	[dreg:$0x4] =	wrdreg s18  }
0xb3: {  	[dreg:$0x5] =	wrdreg s4  }
0xb4: {  	[dreg:$0x6] =	wrdreg $0x107000  }
0xb5: {  	[dreg:$0x7] =	wrdreg $0x9  }
0xb6: {  	_ =	task.clear_ibuf [dreg:s9], $0x8FFFF;
	_ =	strace $0x90000046  }
0xb7: {  	s29 =	simm.s32 $0x9;
	_ =	strace $0x80000048  }
0xb8: {  	_ =	swait.ge [sflag:s29], $0x1  }
0xb9: {  	[sflag:s29] =	ssyncadd.s32 $0xFFFFFFFF  }
0xba: {  	_ =	strace $0x90000048  }
0xbb: {  	_ =	sfence  }
0xbc: {  	s30 =	sld [smem:$0x0];
	_ =	sdelay $0x2  }
0xbd: {  	s31 =	sshll.u32 s1, $0xD;
	s1 =	sshrl.u32 s1, $0x2  }
0xbe: {  	s3 =	sand.u32 $0x4000, s31;
	s1 =	sadd.s32 s1, s30  }
0xbf: {  	s0 =	sor.u32 s3, s0;
	s1 =	sshll.u32 s1, $0x11  }
0xc0: {  	s0 =	sor.u32 s1, s0  }
0xc1: {  	s0 =	sadd.s32 $0x8F2B, s0  }
0xc2: {  	[sflag:s0] =	ssyncadd.remote.s32 $0x1  }
0xc3: {  	_ =	sfence.sel $0xFFFF  }
0xc4: {  	[dreg:$0x0] =	wrdreg $0xFFFFFFFF;
	(pc) =	sbr.abs _section_cstart, $3  }
0xc5: {  	[dreg:$0x1] =	wrdreg $0xFFFFFFFF  }
0xc6: {  	_ =	task.clear_ibuf [dreg:s9], $0x2FFFF;
	_ =	strace $0x9FFFFFFF  }
0xc7: {  	(tm) =	ssettm $0x7FFFFFFF  }
tec
execute0_lowered:
.L_overlay_start_1:
0x0: {  	(tag) =	ssettag $0x1  }
0x1: {  	s0 =	rddreg [dreg:$0x0]  }
0x2: {  	s3 =	rddreg [dreg:$0x2]  }
0x3: {  	s1 =	srdreg.scid;
	s2 =	rddreg [dreg:$0x3]  }
0x4: {  	s11 =	stileid.u32;
	s5 =	rddreg [dreg:$0x4];
	s7 =	simm.s32 $0x0  }
0x5: {  	s28 =	simm.s32 $0x4000;
	s29 =	simm.s32 $0x2;
	s30 =	simm.s32 $0x10400  }
0x6: {  	s31 =	simm.s32 $0x8000;
	s1 =	sand.u32 $0x1, s1;
	[smem:$0x7FF] =	sst s7  }
0x7: {  	s8 =	smul.u32 $0x29000, s11;
	s22 =	sadd.s32 $0x26C00, s2;
	s4 =	sshll.u32 s1, $0x4  }
0x8: {  	_ =	strace $0x80000047;
	s9 =	ssub.s32 $0x2, s1;
	s1 =	smul.u32 $0x1400, s1  }
0x9: {  	[dreg:$0xa] =	wrdreg s22;
	s6 =	sor.u32 s11, s4;
	s11 =	smul.u32 $0x28000, s11  }
0xa: {  	s22 =	simm.s32 $0x10500;
	s10 =	sshrl.u32 s9, $0x1;
	s4 =	smul.u32 $0x140, s6  }
0xb: {  	s8 =	sshrl.u32 s8, $0x2;
	s9 =	ssub.s32 s9, s10;
	s19 =	smul.u32 $0xA000, s6  }
0xc: {  	s8 =	sadd.s32 s8, s5;
	s20 =	smul.u32 $0x1400, s6;
	p0 =	seq.s32 s6, $0x1F  }
0xd: {  	v0 =	vmov s1;
	s1 =	simm.s32 $0x0;
	s12 =	sadd.s32 $0x4000, s8;
	[dreg:$0x6] =	wrdreg s8  }
0xe: {  	s11 =	sshrl.u32 s11, $0x2;
	s8 =	sadd.s32 $0x8000, s8;
	[dreg:$0x7] =	wrdreg s12  }
0xf: {  	s26 =	smax.u32 s9, $0x1;
	[dreg:$0x8] =	wrdreg s8;
	s11 =	sadd.s32 s11, s5  }
0x10: {  	s10 =	sshrl.u32 s19, $0x3;
	s21 =	sadd.s32 s2, s20;
	[dreg:$0xf] =	wrdreg s26  }
0x11: {  	s20 =	simm.s32 $0x3;
	s26 =	simm.s32 $0x10380;
	v1 =	vmov s4;
	s4 =	simm.s32 $0x10480  }
0x12: {  	[dreg:$0x9] =	wrdreg s21;
	s2 =	sadd.s32 s2, s10;
	s23 =	sadd.s32 $0x4000, s11  }
0x13: {  	s25 =	sadd.s32 $0x8000, s11;
	s21 =	simm.s32 $0x1;
	[dreg:$0xb] =	wrdreg s23  }
0x14: {  	s24 =	sadd.s32 $0x800, s2;
	[dreg:$0xd] =	wrdreg s25;
	s2 =	sadd.s32 $0x1000, s2  }
0x15: {  	s23 =	simm.s32 $0x80;
	s25 =	simm.s32 $0x4;
	[dreg:$0xc] =	wrdreg s24  }
0x16: {  	v2 =	vimm.f32 $0.0e+00;
	v3 =	vlaneseq.u32;
	v4 =	vimm.f32 $1.000000000e+00;
	[dreg:$0xe] =	wrdreg s2;
	s24 =	simm.s32 $0x10300;
	s2 =	simm.s32 $0xC000  }
.LBB2_1:
0x17: {  	s8 =	rddreg [dreg:$0x1];
	s9 =	simm.s32 $0x10680  }
0x18: {  	[tilespmem:s9], [sflag:$0x3] =	stream.linear.gather [hbm4b:s8+s7], $0x30, $0x38;
	[tilespmem:$0x1AB00] =	vst v63  }
0x19: {  	_ =	swait.ge [sflag:s20], $0x30  }
0x1a: {  	[sflag:s20] =	ssyncset.done $0x0  }
0x1b: {  	[sflag:s20] =	ssyncadd.s32 $0xFFFFFFD0  }
0x1c: {  	v5 =	vld [tilespmem:s6+$0x10680];
	[tilespmem:$0x10500] =	vst v2  }
0x1d: {  	[tilespmem:$0x10510] =	vst v2  }
0x1e: {  	[tilespmem:$0x10520] =	vst v2  }
0x1f: {  	[tilespmem:$0x10530] =	vst v2  }
0x20: {  	[tilespmem:$0x10540] =	vst v2  }
0x21: {  	[tilespmem:$0x10550] =	vst v2  }
0x22: {  	[tilespmem:$0x10560] =	vst v2  }
0x23: {  	[tilespmem:$0x10570] =	vst v2  }
0x24: {  	[tilespmem:$0x10580] =	vst v2  }
0x25: {  	[tilespmem:$0x10590] =	vst v2  }
0x26: {  	[tilespmem:$0x105A0] =	vst v2  }
0x27: {  	[tilespmem:$0x105B0] =	vst v2  }
0x28: {  	[tilespmem:$0x105C0] =	vst v2  }
0x29: {  	[tilespmem:$0x105D0] =	vst v2  }
0x2a: {  	[tilespmem:$0x105E0] =	vst v2  }
0x2b: {  	[tilespmem:$0x105F0] =	vst v2  }
0x2c: {  	[tilespmem:$0x10600] =	vst v2  }
0x2d: {  	[tilespmem:$0x10610] =	vst v2  }
0x2e: {  	[tilespmem:$0x10620] =	vst v2  }
0x2f: {  	s10 =	simm.s32 $0x200;
	s9 =	simm.s32 $0x0;
	[tilespmem:$0x10630] =	vst v2  }
.LBB2_2:
0x30: {  	p1 =	sne.s32 s10, $0xFE00;
	[tilespmem:s9+$0x70] =	vst v2  }
0x31: {  	[tilespmem:s9+$0x0] =	vst v2  }
0x32: {  	[tilespmem:s9+$0x10] =	vst v2  }
.Ltmp0:
0x33: {  	[tilespmem:s9+$0x20] =	vst v2;
	(pc) =	sbr.rel @p1 .LBB2_2-.Ltmp0, $4  }
0x34: {  	[tilespmem:s9+$0x30] =	vst v2  }
0x35: {  	[tilespmem:s9+$0x40] =	vst v2  }
0x36: {  	[tilespmem:s9+$0x50] =	vst v2  }
0x37: {  	[tilespmem:s9+$0x60] =	vst v2;
	s9 =	sshra.s32 s10, $0x2;
	s10 =	sadd.s32 $0x200, s10  }
0x38: {  	(v2sf) =	vpush v5, $0x0  }
0x39: {  	(v2sf) =	vpush v5, $0x1;
	_ =	sdelay $0x4  }
0x3a: {  	[tilespmem:s9+$0x70] =	vst v2  }
0x3b: {  	[tilespmem:s9+$0x0] =	vst v2  }
0x3c: {  	[tilespmem:s9+$0x10] =	vst v2  }
0x3d: {  	[tilespmem:s9+$0x20] =	vst v2  }
0x3e: {  	[tilespmem:s9+$0x30] =	vst v2  }
0x3f: {  	[tilespmem:s9+$0x40] =	vst v2  }
0x40: {  	[tilespmem:s9+$0x50] =	vst v2  }
0x41: {  	[tilespmem:s9+$0x60] =	vst v2;
	s8 =	rddreg [dreg:$0x6]  }
0x42: {  	[spmem:s8] =	stream.linear.scatter [tilespmem:s7], [sflag:$0x3], $0x4000, $0x38;
	[tilespmem:$0x1AB00] =	vst v63  }
0x43: {  	s19 =	spop (v2sf)  }
0x44: {  	s18 =	spop (v2sf);
	s16 =	sand.u32 $0xF, s19  }
0x45: {  	s10 =	sshra.s32 s19, $0x1F;
	p1 =	slt.s32 s19, $0x1;
	_ =	swait.ge [sflag:s20], $0x4000  }
0x46: {  	p2 =	sne.s32 s16, $0x0;
	s17 =	sshrl.u32 s10, $0x1C;
	s10 =	simm.s32 $0x1  }
0x47: {  	[sflag:s20] =	ssyncset.done $0x0;
	s14 =	rddreg [dreg:$0x7];
	p1 =	por !p1, !p2  }
0x48: {  	s9 =	sadd.s32 s17, s19;
	[sflag:s20] =	ssyncadd.s32 $0xFFFFC000;
	p1 =	por !p1, !p1  }
0x49: {  	[spmem:s14] =	stream.linear.scatter [tilespmem:s7], [sflag:$0x3], $0x4000, $0x38;
	[tilespmem:$0x1AB00] =	vst v63  }
0x4a: {  	s9 =	sshrl.u32 s9, $0x4;
	s10 =	simm.s32 @!p1 $0x0  }
0x4b: {  	_ =	swait.ge [sflag:s20], $0x4000;
	s9 =	ssub.s32 s9, s10  }
0x4c: {  	[sflag:s20] =	ssyncset.done $0x0;
	s17 =	sshll.u32 s9, $0x4  }
0x4d: {  	s15 =	rddreg [dreg:$0x8];
	[sflag:s20] =	ssyncadd.s32 $0xFFFFC000;
	s9 =	ssub.s32 s18, s17  }
0x4e: {  	[spmem:s15] =	stream.linear.scatter [tilespmem:s7], [sflag:$0x3], $0x2400, $0x38;
	[tilespmem:$0x1AB00] =	vst v63  }
0x4f: {  	s9 =	sadd.s32 $0xFF, s9  }
0x50: {  	s8 =	sand.u32 $0xFF, s9  }
0x51: {  	s12 =	sshra.s32 s9, $0x1F;
	p3 =	slt.s32 s9, $0x1;
	p4 =	sne.s32 s8, $0x0  }
0x52: {  	s13 =	sshrl.u32 s12, $0x18;
	p1 =	por !p3, !p4  }
0x53: {  	s10 =	simm.s32 $0x1;
	s9 =	sadd.s32 s13, s9;
	p1 =	por !p1, !p1  }
0x54: {  	s9 =	sshra.s32 s9, $0x8;
	s10 =	simm.s32 @!p1 $0x0  }
0x55: {  	s12 =	ssub.s32 s9, s10  }
0x56: {  	_ =	swait.ge [sflag:s20], $0x2400;
	p1 =	slt.s32 s12, $0x1  }
0x57: {  	[sflag:s20] =	ssyncset.done $0x0;
	p2 =	slt.s32 @!p1 s17, $0x4E100  }
0x58: {  	[sflag:s20] =	ssyncadd.s32 $0xFFFFDC00;
	s9 =	smov.u32 s17;
	p2 =	por !p2, p1  }
0x59: {  	[bflag:$0x0] =	sbarrier.arrive $0xFFFF;
	s14 =	sadd.s32 $0x1, s12;
	s9 =	simm.s32 @p2 $0x4E100  }
0x5a: {  	p5 =	slt.s32 s12, $0x0;
	s13 =	simm.s32 @!p1 $0x0;
	s10 =	sshll.u32 @!p1 s9, $0x4  }
0x5b: {  	s15 =	sand.u32 $0x1, s14;
	s9 =	sshrl.u32 @!p1 s9, $0x3;
	s10 =	sadd.s32 @!p1 s0, s10  }
0x5c: {  	[tilespmem:s13], [sflag:$0x1] =	stream.linear.gather @!p1 [hbm4b:s10+s13], $0x8000, $0x38;
	[tilespmem:$0x1AB00] =	vst v63  }
0x5d: {  	p6 =	seq.s32 s15, $0x1;
	s9 =	sadd.s32 @!p1 s3, s9;
	s10 =	simm.s32 @!p1 $0x10000  }
0x5e: {  	[tilespmem:s10], [sflag:$0x1] =	stream.linear.gather @!p1 [hbm4b:s9+s13], $0x100, $0x38;
	[tilespmem:$0x1AB00] =	vst v63  }
0x5f: {  	s16 =	sshrl.u32 s14, $0x1F;
	p1 =	por !p5, !p6  }
0x60: {  	s9 =	sadd.s32 s16, s14;
	s10 =	simm.s32 $0x1;
	p1 =	por !p1, !p1  }
0x61: {  	s9 =	sshra.s32 s9, $0x1;
	s10 =	simm.s32 @!p1 $0x0  }
0x62: {  	s13 =	ssub.s32 s9, s10  }
0x63: {  	p1 =	slt.s32 s13, $0x1  }
.Ltmp1:
0x64: {  	_ = 	snop;
	(pc) =	sbr.rel @!p1 .LBB2_4-.Ltmp1, $2  }
0x65: {  	_ =	sdelay $0x2  }
0x66: {  	s14 =	simm.s32 $0x1  }
.LBB2_7:
0x67: {  	s8 =	simm.s32 $0x0  }
0x68: {  	[bflag:$0x0] =	sbarrier.arrive $0xFFFF;
	v5 =	vmov s8  }
0x69: {  	[tilespmem:s8], [sflag:$0x3] =	stream.linear.gather [spmem:s11], $0x4000, $0x38;
	[tilespmem:$0x1AB00] =	vst v63  }
0x6a: {  	_ =	swait.ge [sflag:s20], $0x4000  }
0x6b: {  	[sflag:s20] =	ssyncset.done $0x0  }
0x6c: {  	[sflag:s20] =	ssyncadd.s32 $0xFFFFC000  }
0x6d: {  	v5 =	vld.idx.msk [tilespmem:v5+s22+$0x0], $0xffff;
	_ =	sdelay $0x4  }
0x6e: {  	v5 =	vmax.f32 v5, $1.000000000e+00  }
0x6f: {  	(erf) = vrcp.f32 v5;
	_ =	sdelay $0x1  }
0x70: {  	s9 =	simm.s32 $0x40  }
0x71: {  	v7 =	vld [tilespmem:s9+$0x30]  }
0x72: {  	v6 =	vld [tilespmem:s9+$0xFFFFFFC0]  }
0x73: {  	v8 =	vld [tilespmem:s9+$0xFFFFFFD0]  }
0x74: {  	v9 =	vld [tilespmem:s9+$0xFFFFFFE0]  }
0x75: {  	v10 =	vld [tilespmem:s9+$0x10]  }
0x76: {  	v5 =	vld [tilespmem:s9+$0xFFFFFFF0]  }
0x77: {  	v11 =	vld [tilespmem:s9+$0x0];
	v12 =	vpop (erf)  }
0x78: {  	v13 =	vld [tilespmem:s9+$0x20];
	v6 =	vmul.f32 v12, v6  }
0x79: {  	v8 =	vmul.f32 v12, v8  }
0x7a: {  	v9 =	vmul.f32 v9, v12;
	[tilespmem:s9+$0xFFFFFFC0] =	vst v6  }
0x7b: {  	v14 =	vmul.f32 v5, v12;
	[tilespmem:s9+$0xFFFFFFD0] =	vst v8  }
0x7c: {  	s19 =	simm.s32 $0x1;
	v5 =	vmul.f32 v10, v12;
	v6 =	vmul.f32 v11, v12;
	[tilespmem:s9+$0xFFFFFFE0] =	vst v9  }
0x7d: {  	s10 =	simm.s32 $0x2;
	v7 =	vmul.f32 v7, v12;
	v8 =	vmul.f32 v13, v12;
	v9 =	vmov s19;
	[tilespmem:s9+$0xFFFFFFF0] =	vst v14  }
.LBB2_8:
0x7e: {  	p1 =	sne.s32 s10, $0x7F;
	[tilespmem:s9+$0x0] =	vst v6  }
0x7f: {  	[tilespmem:s9+$0x10] =	vst v5  }
0x80: {  	[tilespmem:s9+$0x20] =	vst v8  }
0x81: {  	[tilespmem:s9+$0x30] =	vst v7  }
0x82: {  	v5 =	vld.idx.msk [tilespmem:v9+s22+$0x0], $0xffff;
	_ =	sdelay $0x5  }
0x83: {  	v5 =	vmax.f32 v5, $1.000000000e+00  }
0x84: {  	s9 =	sadd.s32 $0x80, s9;
	(erf) = vrcp.f32 v5  }
0x85: {  	v5 =	vld [tilespmem:s9+$0xFFFFFFF0]  }
0x86: {  	v7 =	vld [tilespmem:s9+$0x30]  }
0x87: {  	v8 =	vld [tilespmem:s9+$0x10]  }
0x88: {  	v6 =	vld [tilespmem:s9+$0xFFFFFFD0]  }
0x89: {  	v9 =	vld [tilespmem:s9+$0xFFFFFFC0]  }
0x8a: {  	v10 =	vld [tilespmem:s9+$0xFFFFFFE0]  }
0x8b: {  	v11 =	vld [tilespmem:s9+$0x0]  }
0x8c: {  	v12 =	vld [tilespmem:s9+$0x20]  }
0x8d: {  	v13 =	vpop (erf)  }
0x8e: {  	v9 =	vmul.f32 v13, v9;
	v14 =	vmul.f32 v13, v6  }
.Ltmp2:
0x8f: {  	v15 =	vmul.f32 v5, v13;
	v10 =	vmul.f32 v10, v13;
	(pc) =	sbr.rel @p1 .LBB2_8-.Ltmp2, $4  }
0x90: {  	v5 =	vmul.f32 v8, v13;
	[tilespmem:s9+$0xFFFFFFC0] =	vst v9;
	v6 =	vmul.f32 v11, v13  }
0x91: {  	v7 =	vmul.f32 v7, v13;
	[tilespmem:s9+$0xFFFFFFD0] =	vst v14;
	v8 =	vmul.f32 v12, v13  }
0x92: {  	[tilespmem:s9+$0xFFFFFFE0] =	vst v10  }
0x93: {  	v9 =	vmov s10;
	s10 =	sadd.s32 $0x1, s10;
	[tilespmem:s9+$0xFFFFFFF0] =	vst v15  }
0x94: {  	[tilespmem:s9+$0x0] =	vst v6  }
0x95: {  	[tilespmem:s9+$0x10] =	vst v5  }
0x96: {  	[tilespmem:s9+$0x20] =	vst v8  }
0x97: {  	[tilespmem:s9+$0x30] =	vst v7  }
0x98: {  	v5 =	vld.idx.msk [tilespmem:v9+s22+$0x0], $0xffff;
	_ =	sdelay $0x4  }
0x99: {  	v5 =	vmax.f32 v5, $1.000000000e+00  }
0x9a: {  	(erf) = vrcp.f32 v5;
	_ =	sdelay $0x3  }
0x9b: {  	s8 =	sadd.s32 $0x80, s9  }
0x9c: {  	v5 =	vld [tilespmem:s8+$0xFFFFFFC0]  }
0x9d: {  	v6 =	vld [tilespmem:s8+$0xFFFFFFD0]  }
0x9e: {  	v7 =	vld [tilespmem:s8+$0xFFFFFFE0]  }
0x9f: {  	v8 =	vld [tilespmem:s8+$0xFFFFFFF0]  }
0xa0: {  	v9 =	vld [tilespmem:s8+$0x0];
	v10 =	vpop (erf)  }
0xa1: {  	v11 =	vld [tilespmem:s8+$0x10];
	v5 =	vmul.f32 v10, v5  }
0xa2: {  	v12 =	vld [tilespmem:s8+$0x20];
	v6 =	vmul.f32 v10, v6  }
0xa3: {  	v13 =	vld [tilespmem:s8+$0x30];
	v7 =	vmul.f32 v7, v10;
	[tilespmem:s8+$0xFFFFFFC0] =	vst v5  }
0xa4: {  	v5 =	vmul.f32 v8, v10;
	[tilespmem:s8+$0xFFFFFFD0] =	vst v6  }
0xa5: {  	v6 =	vmul.f32 v9, v10;
	[tilespmem:s8+$0xFFFFFFE0] =	vst v7  }
0xa6: {  	v7 =	vmul.f32 v11, v10;
	[tilespmem:s8+$0xFFFFFFF0] =	vst v5  }
0xa7: {  	v5 =	vmul.f32 v12, v10;
	[tilespmem:s8+$0x0] =	vst v6  }
0xa8: {  	v6 =	vmul.f32 v13, v10;
	[tilespmem:s8+$0x10] =	vst v7  }
0xa9: {  	[tilespmem:s8+$0x20] =	vst v5  }
0xaa: {  	s9 =	rddreg [dreg:$0xa];
	[tilespmem:s8+$0x30] =	vst v6;
	s8 =	simm.s32 @p0 $0x0  }
0xab: {  	[hbm4b:s9+s8] =	stream.linear.scatter @p0 [tilespmem:s8], [sflag:$0x3], $0x2800, $0x38;
	[tilespmem:$0x1AB00] =	vst v63  }
0xac: {  	s8 =	simm.s32 @p0 $0x3  }
0xad: {  	_ =	swait.ge @p0 [sflag:s8], $0x2800  }
0xae: {  	[sflag:s8] =	ssyncset.done @p0 $0x0  }
0xaf: {  	s9 =	rddreg [dreg:$0x9];
	[sflag:s8] =	ssyncadd.s32 @p0 $0xFFFFD800;
	s8 =	simm.s32 @!p0 $0x0  }
0xb0: {  	[hbm4b:s9+s8] =	stream.linear.scatter @!p0 [tilespmem:s8], [sflag:$0x3], $0x4000, $0x38;
	[tilespmem:$0x1AB00] =	vst v63  }
0xb1: {  	s8 =	simm.s32 @!p0 $0x3  }
0xb2: {  	_ =	swait.ge @!p0 [sflag:s8], $0x4000  }
0xb3: {  	s17 =	simm.s32 $0x80;
	[sflag:s8] =	ssyncset.done @!p0 $0x0  }
0xb4: {  	v5 =	vmov s17;
	s18 =	rddreg [dreg:$0xb];
	[sflag:s8] =	ssyncadd.s32 @!p0 $0xFFFFC000  }
0xb5: {  	[tilespmem:s7], [sflag:$0x3] =	stream.linear.gather [spmem:s18], $0x4000, $0x38;
	[tilespmem:$0x1AB00] =	vst v63  }
0xb6: {  	_ =	swait.ge [sflag:s20], $0x4000  }
0xb7: {  	[sflag:s20] =	ssyncset.done $0x0  }
0xb8: {  	[sflag:s20] =	ssyncadd.s32 $0xFFFFC000  }
0xb9: {  	v5 =	vld.idx.msk [tilespmem:v5+s22+$0x0], $0xffff;
	_ =	sdelay $0x4  }
0xba: {  	v5 =	vmax.f32 v5, $1.000000000e+00  }
0xbb: {  	(erf) = vrcp.f32 v5;
	_ =	sdelay $0x1  }
0xbc: {  	s9 =	simm.s32 $0x40  }
0xbd: {  	v7 =	vld [tilespmem:s9+$0x30]  }
0xbe: {  	v6 =	vld [tilespmem:s9+$0xFFFFFFC0]  }
0xbf: {  	v8 =	vld [tilespmem:s9+$0xFFFFFFD0]  }
0xc0: {  	v9 =	vld [tilespmem:s9+$0xFFFFFFE0]  }
0xc1: {  	v10 =	vld [tilespmem:s9+$0x10]  }
0xc2: {  	v5 =	vld [tilespmem:s9+$0xFFFFFFF0]  }
0xc3: {  	v11 =	vld [tilespmem:s9+$0x0];
	v62 =	vpop (erf)  }
0xc4: {  	v63 =	vld [tilespmem:s9+$0x20];
	v6 =	vmul.f32 v62, v6  }
0xc5: {  	v8 =	vmul.f32 v62, v8  }
0xc6: {  	v9 =	vmul.f32 v9, v62;
	[tilespmem:s9+$0xFFFFFFC0] =	vst v6  }
0xc7: {  	v14 =	vmul.f32 v5, v62;
	[tilespmem:s9+$0xFFFFFFD0] =	vst v8  }
0xc8: {  	s19 =	simm.s32 $0x81;
	v5 =	vmul.f32 v10, v62;
	v6 =	vmul.f32 v11, v62;
	[tilespmem:s9+$0xFFFFFFE0] =	vst v9  }
0xc9: {  	s10 =	simm.s32 $0x82;
	v7 =	vmul.f32 v7, v62;
	v8 =	vmul.f32 v63, v62;
	v9 =	vmov s19;
	[tilespmem:s9+$0xFFFFFFF0] =	vst v14  }
.LBB2_10:
0xca: {  	p1 =	sne.s32 s10, $0xFF;
	[tilespmem:s9+$0x0] =	vst v6  }
0xcb: {  	[tilespmem:s9+$0x10] =	vst v5  }
0xcc: {  	[tilespmem:s9+$0x20] =	vst v8  }
0xcd: {  	[tilespmem:s9+$0x30] =	vst v7  }
0xce: {  	v5 =	vld.idx.msk [tilespmem:v9+s22+$0x0], $0xffff;
	_ =	sdelay $0x5  }
0xcf: {  	v5 =	vmax.f32 v5, $1.000000000e+00  }
0xd0: {  	s9 =	sadd.s32 $0x80, s9;
	(erf) = vrcp.f32 v5  }
0xd1: {  	v5 =	vld [tilespmem:s9+$0xFFFFFFF0]  }
0xd2: {  	v7 =	vld [tilespmem:s9+$0x30]  }
0xd3: {  	v8 =	vld [tilespmem:s9+$0x10]  }
0xd4: {  	v6 =	vld [tilespmem:s9+$0xFFFFFFD0]  }
0xd5: {  	v9 =	vld [tilespmem:s9+$0xFFFFFFC0]  }
0xd6: {  	v10 =	vld [tilespmem:s9+$0xFFFFFFE0]  }
0xd7: {  	v11 =	vld [tilespmem:s9+$0x0]  }
0xd8: {  	v12 =	vld [tilespmem:s9+$0x20]  }
0xd9: {  	v13 =	vpop (erf)  }
0xda: {  	v9 =	vmul.f32 v13, v9;
	v14 =	vmul.f32 v13, v6  }
.Ltmp3:
0xdb: {  	v15 =	vmul.f32 v5, v13;
	v10 =	vmul.f32 v10, v13;
	(pc) =	sbr.rel @p1 .LBB2_10-.Ltmp3, $4  }
0xdc: {  	v5 =	vmul.f32 v8, v13;
	[tilespmem:s9+$0xFFFFFFC0] =	vst v9;
	v6 =	vmul.f32 v11, v13  }
0xdd: {  	v7 =	vmul.f32 v7, v13;
	[tilespmem:s9+$0xFFFFFFD0] =	vst v14;
	v8 =	vmul.f32 v12, v13  }
0xde: {  	[tilespmem:s9+$0xFFFFFFE0] =	vst v10  }
0xdf: {  	v9 =	vmov s10;
	s10 =	sadd.s32 $0x1, s10;
	[tilespmem:s9+$0xFFFFFFF0] =	vst v15  }
0xe0: {  	[tilespmem:s9+$0x0] =	vst v6  }
0xe1: {  	[tilespmem:s9+$0x10] =	vst v5  }
0xe2: {  	[tilespmem:s9+$0x20] =	vst v8  }
0xe3: {  	[tilespmem:s9+$0x30] =	vst v7  }
0xe4: {  	v5 =	vld.idx.msk [tilespmem:v9+s22+$0x0], $0xffff;
	_ =	sdelay $0x4  }
0xe5: {  	v5 =	vmax.f32 v5, $1.000000000e+00  }
0xe6: {  	(erf) = vrcp.f32 v5;
	_ =	sdelay $0x3  }
0xe7: {  	s8 =	sadd.s32 $0x80, s9  }
0xe8: {  	v5 =	vld [tilespmem:s8+$0xFFFFFFC0]  }
0xe9: {  	v6 =	vld [tilespmem:s8+$0xFFFFFFD0]  }
0xea: {  	v7 =	vld [tilespmem:s8+$0xFFFFFFE0]  }
0xeb: {  	v8 =	vld [tilespmem:s8+$0xFFFFFFF0]  }
0xec: {  	v9 =	vld [tilespmem:s8+$0x0];
	v10 =	vpop (erf)  }
0xed: {  	v11 =	vld [tilespmem:s8+$0x10];
	v5 =	vmul.f32 v10, v5  }
0xee: {  	v12 =	vld [tilespmem:s8+$0x20];
	v6 =	vmul.f32 v10, v6  }
0xef: {  	v13 =	vld [tilespmem:s8+$0x30];
	v7 =	vmul.f32 v7, v10;
	[tilespmem:s8+$0xFFFFFFC0] =	vst v5  }
0xf0: {  	v5 =	vmul.f32 v8, v10;
	[tilespmem:s8+$0xFFFFFFD0] =	vst v6  }
0xf1: {  	v6 =	vmul.f32 v9, v10;
	[tilespmem:s8+$0xFFFFFFE0] =	vst v7  }
0xf2: {  	v7 =	vmul.f32 v11, v10;
	[tilespmem:s8+$0xFFFFFFF0] =	vst v5  }
0xf3: {  	v5 =	vmul.f32 v12, v10;
	[tilespmem:s8+$0x0] =	vst v6  }
0xf4: {  	v6 =	vmul.f32 v13, v10;
	[tilespmem:s8+$0x10] =	vst v7  }
0xf5: {  	[tilespmem:s8+$0x20] =	vst v5  }
0xf6: {  	s9 =	rddreg [dreg:$0xc];
	[tilespmem:s8+$0x30] =	vst v6;
	s8 =	simm.s32 @!p0 $0x0  }
0xf7: {  	[hbm4b:s9+s8] =	stream.linear.scatter @!p0 [tilespmem:s8], [sflag:$0x3], $0x4000, $0x38;
	[tilespmem:$0x1AB00] =	vst v63  }
0xf8: {  	s8 =	simm.s32 @!p0 $0x3  }
0xf9: {  	_ =	swait.ge @!p0 [sflag:s8], $0x4000  }
0xfa: {  	s17 =	simm.s32 $0x100;
	[sflag:s8] =	ssyncset.done @!p0 $0x0  }
0xfb: {  	v5 =	vmov s17;
	s18 =	rddreg [dreg:$0xd];
	[sflag:s8] =	ssyncadd.s32 @!p0 $0xFFFFC000  }
0xfc: {  	[tilespmem:s7], [sflag:$0x3] =	stream.linear.gather [spmem:s18], $0x2000, $0x38;
	[tilespmem:$0x1AB00] =	vst v63  }
0xfd: {  	_ =	swait.ge [sflag:s20], $0x2000  }
0xfe: {  	[sflag:s20] =	ssyncset.done $0x0  }
0xff: {  	[sflag:s20] =	ssyncadd.s32 $0xFFFFE000  }
0x100: {  	v5 =	vld.idx.msk [tilespmem:v5+s22+$0x0], $0xffff;
	_ =	sdelay $0x4  }
0x101: {  	v5 =	vmax.f32 v5, $1.000000000e+00  }
0x102: {  	(erf) = vrcp.f32 v5;
	_ =	sdelay $0x1  }
0x103: {  	s9 =	simm.s32 $0x40  }
0x104: {  	v7 =	vld [tilespmem:s9+$0x30]  }
0x105: {  	v6 =	vld [tilespmem:s9+$0xFFFFFFC0]  }
0x106: {  	v8 =	vld [tilespmem:s9+$0xFFFFFFD0]  }
0x107: {  	v9 =	vld [tilespmem:s9+$0xFFFFFFE0]  }
0x108: {  	v10 =	vld [tilespmem:s9+$0x10]  }
0x109: {  	v5 =	vld [tilespmem:s9+$0xFFFFFFF0]  }
0x10a: {  	v11 =	vld [tilespmem:s9+$0x0];
	v62 =	vpop (erf)  }
0x10b: {  	v63 =	vld [tilespmem:s9+$0x20];
	v6 =	vmul.f32 v62, v6  }
0x10c: {  	v8 =	vmul.f32 v62, v8  }
0x10d: {  	v9 =	vmul.f32 v9, v62;
	[tilespmem:s9+$0xFFFFFFC0] =	vst v6  }
0x10e: {  	v14 =	vmul.f32 v5, v62;
	[tilespmem:s9+$0xFFFFFFD0] =	vst v8  }
0x10f: {  	s19 =	simm.s32 $0x101;
	v5 =	vmul.f32 v10, v62;
	v6 =	vmul.f32 v11, v62;
	[tilespmem:s9+$0xFFFFFFE0] =	vst v9  }
0x110: {  	s10 =	simm.s32 $0x102;
	v7 =	vmul.f32 v7, v62;
	v8 =	vmul.f32 v63, v62;
	v9 =	vmov s19;
	[tilespmem:s9+$0xFFFFFFF0] =	vst v14  }
.LBB2_12:
0x111: {  	p1 =	sne.s32 s10, $0x13F;
	[tilespmem:s9+$0x0] =	vst v6  }
0x112: {  	[tilespmem:s9+$0x10] =	vst v5  }
0x113: {  	[tilespmem:s9+$0x20] =	vst v8  }
0x114: {  	[tilespmem:s9+$0x30] =	vst v7  }
0x115: {  	v5 =	vld.idx.msk [tilespmem:v9+s22+$0x0], $0xffff;
	_ =	sdelay $0x5  }
0x116: {  	v5 =	vmax.f32 v5, $1.000000000e+00  }
0x117: {  	s9 =	sadd.s32 $0x80, s9;
	(erf) = vrcp.f32 v5  }
0x118: {  	v5 =	vld [tilespmem:s9+$0xFFFFFFF0]  }
0x119: {  	v7 =	vld [tilespmem:s9+$0x30]  }
0x11a: {  	v8 =	vld [tilespmem:s9+$0x10]  }
0x11b: {  	v6 =	vld [tilespmem:s9+$0xFFFFFFD0]  }
0x11c: {  	v9 =	vld [tilespmem:s9+$0xFFFFFFC0]  }
0x11d: {  	v10 =	vld [tilespmem:s9+$0xFFFFFFE0]  }
0x11e: {  	v11 =	vld [tilespmem:s9+$0x0]  }
0x11f: {  	v12 =	vld [tilespmem:s9+$0x20]  }
0x120: {  	v13 =	vpop (erf)  }
0x121: {  	v9 =	vmul.f32 v13, v9;
	v14 =	vmul.f32 v13, v6  }
.Ltmp4:
0x122: {  	v15 =	vmul.f32 v5, v13;
	v10 =	vmul.f32 v10, v13;
	(pc) =	sbr.rel @p1 .LBB2_12-.Ltmp4, $4  }
0x123: {  	v5 =	vmul.f32 v8, v13;
	[tilespmem:s9+$0xFFFFFFC0] =	vst v9;
	v6 =	vmul.f32 v11, v13  }
0x124: {  	v7 =	vmul.f32 v7, v13;
	[tilespmem:s9+$0xFFFFFFD0] =	vst v14;
	v8 =	vmul.f32 v12, v13  }
0x125: {  	[tilespmem:s9+$0xFFFFFFE0] =	vst v10  }
0x126: {  	v9 =	vmov s10;
	s10 =	sadd.s32 $0x1, s10;
	[tilespmem:s9+$0xFFFFFFF0] =	vst v15  }
0x127: {  	[tilespmem:s9+$0x0] =	vst v6  }
0x128: {  	[tilespmem:s9+$0x10] =	vst v5  }
0x129: {  	[tilespmem:s9+$0x20] =	vst v8  }
0x12a: {  	[tilespmem:s9+$0x30] =	vst v7  }
0x12b: {  	v5 =	vld.idx.msk [tilespmem:v9+s22+$0x0], $0xffff;
	_ =	sdelay $0x4  }
0x12c: {  	v5 =	vmax.f32 v5, $1.000000000e+00  }
0x12d: {  	(erf) = vrcp.f32 v5;
	_ =	sdelay $0x3  }
0x12e: {  	s8 =	sadd.s32 $0x80, s9  }
0x12f: {  	v5 =	vld [tilespmem:s8+$0xFFFFFFC0]  }
0x130: {  	v6 =	vld [tilespmem:s8+$0xFFFFFFD0]  }
0x131: {  	v7 =	vld [tilespmem:s8+$0xFFFFFFE0]  }
0x132: {  	v8 =	vld [tilespmem:s8+$0xFFFFFFF0]  }
0x133: {  	v63 =	vld [tilespmem:s8+$0x0];
	v10 =	vpop (erf)  }
0x134: {  	v11 =	vld [tilespmem:s8+$0x10];
	v5 =	vmul.f32 v10, v5  }
0x135: {  	v12 =	vld [tilespmem:s8+$0x20];
	v6 =	vmul.f32 v10, v6  }
0x136: {  	v13 =	vld [tilespmem:s8+$0x30];
	v7 =	vmul.f32 v7, v10;
	[tilespmem:s8+$0xFFFFFFC0] =	vst v5  }
0x137: {  	v5 =	vmul.f32 v8, v10;
	[tilespmem:s8+$0xFFFFFFD0] =	vst v6  }
0x138: {  	v6 =	vmul.f32 v63, v10;
	[tilespmem:s8+$0xFFFFFFE0] =	vst v7  }
0x139: {  	v7 =	vmul.f32 v11, v10;
	[tilespmem:s8+$0xFFFFFFF0] =	vst v5  }
0x13a: {  	v5 =	vmul.f32 v12, v10;
	[tilespmem:s8+$0x0] =	vst v6  }
0x13b: {  	v6 =	vmul.f32 v13, v10;
	[tilespmem:s8+$0x10] =	vst v7  }
0x13c: {  	[tilespmem:s8+$0x20] =	vst v5  }
0x13d: {  	s9 =	rddreg [dreg:$0xe];
	[tilespmem:s8+$0x30] =	vst v6;
	s8 =	simm.s32 @!p0 $0x0  }
0x13e: {  	[hbm4b:s9+s8] =	stream.linear.scatter @!p0 [tilespmem:s8], [sflag:$0x3], $0x2000, $0x38;
	[tilespmem:$0x1AB00] =	vst v63  }
0x13f: {  	s8 =	simm.s32 @!p0 $0x3  }
0x140: {  	_ =	swait.ge @!p0 [sflag:s8], $0x2000  }
0x141: {  	s1 =	sadd.s32 $0x1, s1;
	s19 =	rddreg [dreg:$0xf]  }
0x142: {  	p1 =	sne.s32 s1, s19  }
.Ltmp5:
0x143: {  	_ = 	snop;
	(pc) =	sbr.rel @p1 .LBB2_1-.Ltmp5, $4  }
.Ltmp6:
0x144: {  	_ = 	snop;
	(pc) =	sbr.rel @!p1 .LBB2_14-.Ltmp6, $4  }
0x145: {  	_ = 	snop  }
0x146: {  	[sflag:s8] =	ssyncset.done @!p0 $0x0  }
0x147: {  	[sflag:s8] =	ssyncadd.s32 @!p0 $0xFFFFE000  }
0x148: {  	_ = 	snop  }
.LBB2_6:
0x149: {  	s13 =	sadd.s32 $0xFFFFFFFF, s13  }
0x14a: {  	p1 =	sne.s32 s13, $0x0  }
.Ltmp7:
0x14b: {  	_ = 	snop;
	(pc) =	sbr.rel @!p1 .LBB2_7-.Ltmp7, $2  }
0x14c: {  	_ =	sdelay $0x2  }
0x14d: {  	s17 =	sadd.s32 $0x200, s17;
	s14 =	sadd.s32 $0x2, s14  }
.LBB2_4:
0x14e: {  	_ =	swait.ge [sflag:s21], $0x8000;
	p1 =	sge.s32 s14, s12;
	s15 =	sadd.s32 $0x100, s17  }
0x14f: {  	[sflag:s21] =	ssyncset.done $0x0;
	p2 =	slt.s32 @!p1 s15, $0x4E100  }
0x150: {  	s9 =	smov.u32 s15;
	[sflag:s21] =	ssyncadd.s32 $0xFFFF8000;
	p2 =	por !p2, p1  }
0x151: {  	_ =	swait.ge [sflag:s21], $0x100;
	s9 =	simm.s32 @p2 $0x4E100  }
0x152: {  	s16 =	simm.s32 @!p1 $0x0;
	[sflag:s21] =	ssyncset.done $0x0;
	s10 =	sshll.u32 @!p1 s9, $0x4  }
0x153: {  	s8 =	simm.s32 @!p1 $0x8000;
	[sflag:s21] =	ssyncadd.s32 $0xFFFFFF00;
	s10 =	sadd.s32 @!p1 s0, s10  }
0x154: {  	[tilespmem:s8], [sflag:$0x2] =	stream.linear.gather @!p1 [hbm4b:s10+s16], $0x8000, $0x38;
	[tilespmem:$0x1AB00] =	vst v63  }
0x155: {  	p2 =	slt.s32 s17, $0x4E100;
	s8 =	sshrl.u32 @!p1 s9, $0x3  }
0x156: {  	s9 =	simm.s32 @!p1 $0x10180;
	s10 =	smov.u32 s17;
	s8 =	sadd.s32 @!p1 s3, s8  }
0x157: {  	[tilespmem:s9], [sflag:$0x2] =	stream.linear.gather @!p1 [hbm4b:s8+s16], $0x100, $0x38;
	[tilespmem:$0x1AB00] =	vst v63  }
0x158: {  	p3 =	slt.s32 s15, s18;
	s10 =	simm.s32 @!p2 $0x4E100;
	v5 =	vld [tilespmem:$0x10000]  }
0x159: {  	p2 =	sgt.s32 s19, s17;
	s16 =	smov.u32 s17;
	s9 =	smov.u32 s18  }
0x15a: {  	v6 =	vor.u32 s10, v3;
	s16 =	smov.u32 @p2 s19;
	s9 =	smov.u32 @p3 s15  }
0x15b: {  	vm0 =	vge.s32 v6, s16;
	vm1 =	vlt.s32 v6, s9  }
0x15c: {  	vm0 =	vmand vm0, vm1  }
0x15d: {  	v6 =	vsub.s32 v5, v1;
	_ =	sdelay $0x1  }
0x15e: {  	v5 =	vsub.s32 v5, v0  }
0x15f: {  	v5 =	vnsel vm0, $0x1400, v5  }
0x160: {  	[tilespmem:$0x10300] =	vst v5  }
0x161: {  	[tilespmem:v6+s22+$0x0] =	vst.idx.add.f32.msk vm0, v4  }
0x162: {  	v5 =	vld [tilespmem:$0x10010]  }
0x163: {  	s8 =	sadd.s32 $0x10, s10  }
0x164: {  	v6 =	vor.u32 s8, v3  }
0x165: {  	vm10 =	vge.s32 v6, s16;
	vm11 =	vlt.s32 v6, s9  }
0x166: {  	vm0 =	vmand vm10, vm11  }
0x167: {  	v6 =	vsub.s32 v5, v1;
	_ =	sdelay $0x1  }
0x168: {  	v5 =	vsub.s32 v5, v0  }
0x169: {  	v5 =	vnsel vm0, $0x1400, v5  }
0x16a: {  	[tilespmem:$0x10310] =	vst v5  }
0x16b: {  	[tilespmem:v6+s22+$0x0] =	vst.idx.add.f32.msk vm0, v4  }
0x16c: {  	v5 =	vld [tilespmem:$0x10020]  }
0x16d: {  	s8 =	sadd.s32 $0x20, s10  }
0x16e: {  	v6 =	vor.u32 s8, v3  }
0x16f: {  	vm12 =	vge.s32 v6, s16;
	vm13 =	vlt.s32 v6, s9  }
0x170: {  	vm0 =	vmand vm12, vm13  }
0x171: {  	v6 =	vsub.s32 v5, v1;
	_ =	sdelay $0x1  }
0x172: {  	v5 =	vsub.s32 v5, v0  }
0x173: {  	v5 =	vnsel vm0, $0x1400, v5  }
0x174: {  	[tilespmem:$0x10320] =	vst v5  }
0x175: {  	[tilespmem:v6+s22+$0x0] =	vst.idx.add.f32.msk vm0, v4  }
0x176: {  	v5 =	vld [tilespmem:$0x10030]  }
0x177: {  	s8 =	sadd.s32 $0x30, s10  }
0x178: {  	v6 =	vor.u32 s8, v3  }
0x179: {  	vm14 =	vge.s32 v6, s16;
	vm15 =	vlt.s32 v6, s9  }
0x17a: {  	vm0 =	vmand vm14, vm15  }
0x17b: {  	v6 =	vsub.s32 v5, v1;
	_ =	sdelay $0x1  }
0x17c: {  	v5 =	vsub.s32 v5, v0  }
0x17d: {  	v5 =	vnsel vm0, $0x1400, v5  }
0x17e: {  	[tilespmem:$0x10330] =	vst v5  }
0x17f: {  	[tilespmem:v6+s22+$0x0] =	vst.idx.add.f32.msk vm0, v4  }
0x180: {  	v5 =	vld [tilespmem:$0x10040]  }
0x181: {  	s8 =	sadd.s32 $0x40, s10  }
0x182: {  	v6 =	vor.u32 s8, v3  }
0x183: {  	vm4 =	vge.s32 v6, s16;
	vm5 =	vlt.s32 v6, s9  }
0x184: {  	vm0 =	vmand vm4, vm5  }
0x185: {  	v6 =	vsub.s32 v5, v1;
	_ =	sdelay $0x1  }
0x186: {  	v5 =	vsub.s32 v5, v0  }
0x187: {  	v5 =	vnsel vm0, $0x1400, v5  }
0x188: {  	[tilespmem:$0x10340] =	vst v5  }
0x189: {  	[tilespmem:v6+s22+$0x0] =	vst.idx.add.f32.msk vm0, v4  }
0x18a: {  	v5 =	vld [tilespmem:$0x10050]  }
0x18b: {  	s8 =	sadd.s32 $0x50, s10  }
0x18c: {  	v6 =	vor.u32 s8, v3  }
0x18d: {  	vm6 =	vge.s32 v6, s16;
	vm7 =	vlt.s32 v6, s9  }
0x18e: {  	vm0 =	vmand vm6, vm7  }
0x18f: {  	v6 =	vsub.s32 v5, v1;
	_ =	sdelay $0x1  }
0x190: {  	v5 =	vsub.s32 v5, v0  }
0x191: {  	v5 =	vnsel vm0, $0x1400, v5  }
0x192: {  	[tilespmem:$0x10350] =	vst v5  }
0x193: {  	[tilespmem:v6+s22+$0x0] =	vst.idx.add.f32.msk vm0, v4  }
0x194: {  	v5 =	vld [tilespmem:$0x10060]  }
0x195: {  	s8 =	sadd.s32 $0x60, s10  }
0x196: {  	v6 =	vor.u32 s8, v3  }
0x197: {  	vm8 =	vge.s32 v6, s16;
	vm9 =	vlt.s32 v6, s9  }
0x198: {  	vm0 =	vmand vm8, vm9  }
0x199: {  	v6 =	vsub.s32 v5, v1;
	_ =	sdelay $0x1  }
0x19a: {  	v5 =	vsub.s32 v5, v0  }
0x19b: {  	v5 =	vnsel vm0, $0x1400, v5  }
0x19c: {  	[tilespmem:$0x10360] =	vst v5  }
0x19d: {  	[tilespmem:v6+s22+$0x0] =	vst.idx.add.f32.msk vm0, v4  }
0x19e: {  	v5 =	vld [tilespmem:$0x10070]  }
0x19f: {  	s8 =	sadd.s32 $0x70, s10  }
0x1a0: {  	v6 =	vor.u32 s8, v3  }
0x1a1: {  	vm10 =	vge.s32 v6, s16;
	vm11 =	vlt.s32 v6, s9  }
0x1a2: {  	vm0 =	vmand vm10, vm11  }
0x1a3: {  	v6 =	vsub.s32 v5, v1;
	_ =	sdelay $0x1  }
0x1a4: {  	v5 =	vsub.s32 v5, v0  }
0x1a5: {  	v5 =	vnsel vm0, $0x1400, v5  }
0x1a6: {  	[tilespmem:$0x10370] =	vst v5  }
0x1a7: {  	[tilespmem:v6+s22+$0x0] =	vst.idx.add.f32.msk vm0, v4  }
0x1a8: {  	v5 =	vld [tilespmem:$0x10080]  }
0x1a9: {  	s8 =	sadd.s32 $0x80, s10  }
0x1aa: {  	v6 =	vor.u32 s8, v3  }
0x1ab: {  	vm12 =	vge.s32 v6, s16;
	vm13 =	vlt.s32 v6, s9  }
0x1ac: {  	vm0 =	vmand vm12, vm13  }
0x1ad: {  	v6 =	vsub.s32 v5, v1;
	_ =	sdelay $0x1  }
0x1ae: {  	v5 =	vsub.s32 v5, v0  }
0x1af: {  	v5 =	vnsel vm0, $0x1400, v5  }
0x1b0: {  	[tilespmem:$0x10380] =	vst v5  }
0x1b1: {  	[tilespmem:v6+s22+$0x0] =	vst.idx.add.f32.msk vm0, v4  }
0x1b2: {  	v5 =	vld [tilespmem:$0x10090]  }
0x1b3: {  	s8 =	sadd.s32 $0x90, s10  }
0x1b4: {  	v6 =	vor.u32 s8, v3  }
0x1b5: {  	vm14 =	vge.s32 v6, s16;
	vm15 =	vlt.s32 v6, s9  }
0x1b6: {  	vm0 =	vmand vm14, vm15  }
0x1b7: {  	v6 =	vsub.s32 v5, v1;
	_ =	sdelay $0x1  }
0x1b8: {  	v5 =	vsub.s32 v5, v0  }
0x1b9: {  	v5 =	vnsel vm0, $0x1400, v5  }
0x1ba: {  	[tilespmem:$0x10390] =	vst v5  }
0x1bb: {  	[tilespmem:v6+s22+$0x0] =	vst.idx.add.f32.msk vm0, v4  }
0x1bc: {  	v5 =	vld [tilespmem:$0x100A0]  }
0x1bd: {  	s8 =	sadd.s32 $0xA0, s10  }
0x1be: {  	v6 =	vor.u32 s8, v3  }
0x1bf: {  	vm4 =	vge.s32 v6, s16;
	vm5 =	vlt.s32 v6, s9  }
0x1c0: {  	vm0 =	vmand vm4, vm5  }
0x1c1: {  	v6 =	vsub.s32 v5, v1;
	_ =	sdelay $0x1  }
0x1c2: {  	v5 =	vsub.s32 v5, v0  }
0x1c3: {  	v5 =	vnsel vm0, $0x1400, v5  }
0x1c4: {  	[tilespmem:$0x103A0] =	vst v5  }
0x1c5: {  	[tilespmem:v6+s22+$0x0] =	vst.idx.add.f32.msk vm0, v4  }
0x1c6: {  	v5 =	vld [tilespmem:$0x100B0]  }
0x1c7: {  	s8 =	sadd.s32 $0xB0, s10  }
0x1c8: {  	v6 =	vor.u32 s8, v3  }
0x1c9: {  	vm6 =	vge.s32 v6, s16;
	vm7 =	vlt.s32 v6, s9  }
0x1ca: {  	vm0 =	vmand vm6, vm7  }
0x1cb: {  	v6 =	vsub.s32 v5, v1;
	_ =	sdelay $0x1  }
0x1cc: {  	v5 =	vsub.s32 v5, v0  }
0x1cd: {  	v5 =	vnsel vm0, $0x1400, v5  }
0x1ce: {  	[tilespmem:$0x103B0] =	vst v5  }
0x1cf: {  	[tilespmem:v6+s22+$0x0] =	vst.idx.add.f32.msk vm0, v4  }
0x1d0: {  	v5 =	vld [tilespmem:$0x100C0]  }
0x1d1: {  	s8 =	sadd.s32 $0xC0, s10  }
0x1d2: {  	v6 =	vor.u32 s8, v3  }
0x1d3: {  	vm8 =	vge.s32 v6, s16;
	vm9 =	vlt.s32 v6, s9  }
0x1d4: {  	vm0 =	vmand vm8, vm9  }
0x1d5: {  	v6 =	vsub.s32 v5, v1;
	_ =	sdelay $0x1  }
0x1d6: {  	v5 =	vsub.s32 v5, v0  }
0x1d7: {  	v5 =	vnsel vm0, $0x1400, v5  }
0x1d8: {  	[tilespmem:$0x103C0] =	vst v5  }
0x1d9: {  	[tilespmem:v6+s22+$0x0] =	vst.idx.add.f32.msk vm0, v4  }
0x1da: {  	v5 =	vld [tilespmem:$0x100D0]  }
0x1db: {  	s8 =	sadd.s32 $0xD0, s10  }
0x1dc: {  	v6 =	vor.u32 s8, v3  }
0x1dd: {  	vm10 =	vge.s32 v6, s16;
	vm11 =	vlt.s32 v6, s9  }
0x1de: {  	vm0 =	vmand vm10, vm11  }
0x1df: {  	v6 =	vsub.s32 v5, v1;
	_ =	sdelay $0x1  }
0x1e0: {  	v5 =	vsub.s32 v5, v0  }
0x1e1: {  	v5 =	vnsel vm0, $0x1400, v5  }
0x1e2: {  	[tilespmem:$0x103D0] =	vst v5  }
0x1e3: {  	[tilespmem:v6+s22+$0x0] =	vst.idx.add.f32.msk vm0, v4  }
0x1e4: {  	v5 =	vld [tilespmem:$0x100E0]  }
0x1e5: {  	s8 =	sadd.s32 $0xE0, s10  }
0x1e6: {  	v6 =	vor.u32 s8, v3  }
0x1e7: {  	vm12 =	vge.s32 v6, s16;
	vm13 =	vlt.s32 v6, s9  }
0x1e8: {  	vm0 =	vmand vm12, vm13  }
0x1e9: {  	v6 =	vsub.s32 v5, v1;
	_ =	sdelay $0x1  }
0x1ea: {  	v5 =	vsub.s32 v5, v0  }
0x1eb: {  	v5 =	vnsel vm0, $0x1400, v5  }
0x1ec: {  	[tilespmem:$0x103E0] =	vst v5  }
0x1ed: {  	[tilespmem:v6+s22+$0x0] =	vst.idx.add.f32.msk vm0, v4  }
0x1ee: {  	v5 =	vld [tilespmem:$0x100F0]  }
0x1ef: {  	s10 =	sadd.s32 $0xF0, s10  }
0x1f0: {  	v6 =	vor.u32 s10, v3  }
0x1f1: {  	vm14 =	vge.s32 v6, s16;
	vm15 =	vlt.s32 v6, s9  }
0x1f2: {  	vm0 =	vmand vm14, vm15  }
0x1f3: {  	v6 =	vsub.s32 v5, v1;
	_ =	sdelay $0x1  }
0x1f4: {  	v5 =	vsub.s32 v5, v0  }
0x1f5: {  	v5 =	vnsel vm0, $0x1400, v5  }
0x1f6: {  	[tilespmem:$0x103F0] =	vst v5  }
0x1f7: {  	[tilespmem:v6+s22+$0x0] =	vst.idx.add.f32.msk vm0, v4  }
0x1f8: {  	[spmem:s5] =	stream.indirect.scatter.add.f32 [tilespmem:s7], [sflag:$0x4], $0x80, s24, s23, $0xb8;
	[tilespmem:$0x1AB00] =	vst v63  }
0x1f9: {  	_ =	swait.ge [sflag:s25], $0x4000  }
0x1fa: {  	[sflag:s25] =	ssyncset.done $0x0  }
.Ltmp8:
0x1fb: {  	[sflag:s25] =	ssyncadd.s32 $0xFFFFC000;
	(pc) =	sbr.rel @p1 .LBB2_6-.Ltmp8, $4  }
0x1fc: {  	[spmem:s5] =	stream.indirect.scatter.add.f32 [tilespmem:s28], [sflag:$0x4], $0x80, s26, s23, $0xb8;
	[tilespmem:$0x1AB00] =	vst v63  }
0x1fd: {  	_ =	swait.ge [sflag:s25], $0x4000  }
0x1fe: {  	[sflag:s25] =	ssyncset.done $0x0  }
0x1ff: {  	[sflag:s25] =	ssyncadd.s32 $0xFFFFC000  }
0x200: {  	s8 =	sadd.s32 $0x1, s14  }
0x201: {  	_ =	swait.ge [sflag:s29], $0x8000;
	p1 =	sge.s32 s8, s12;
	s8 =	sadd.s32 $0x200, s17  }
0x202: {  	[sflag:s29] =	ssyncset.done $0x0;
	p2 =	slt.s32 @!p1 s8, $0x4E100  }
0x203: {  	[sflag:s29] =	ssyncadd.s32 $0xFFFF8000;
	s9 =	smov.u32 s8;
	p2 =	por !p2, p1  }
0x204: {  	_ =	swait.ge [sflag:s29], $0x100;
	s9 =	simm.s32 @p2 $0x4E100  }
0x205: {  	s16 =	simm.s32 @!p1 $0x0;
	[sflag:s29] =	ssyncset.done $0x0;
	s10 =	sshll.u32 @!p1 s9, $0x4  }
0x206: {  	[sflag:s29] =	ssyncadd.s32 $0xFFFFFF00;
	s9 =	sshrl.u32 @!p1 s9, $0x3;
	s10 =	sadd.s32 @!p1 s0, s10  }
0x207: {  	[tilespmem:s16], [sflag:$0x1] =	stream.linear.gather @!p1 [hbm4b:s10+s16], $0x8000, $0x38;
	[tilespmem:$0x1AB00] =	vst v63  }
0x208: {  	s9 =	sadd.s32 @!p1 s3, s9;
	s10 =	simm.s32 @!p1 $0x10000  }
0x209: {  	[tilespmem:s10], [sflag:$0x1] =	stream.linear.gather @!p1 [hbm4b:s9+s16], $0x100, $0x38;
	[tilespmem:$0x1AB00] =	vst v63  }
0x20a: {  	p2 =	slt.s32 s8, s18;
	p1 =	slt.s32 s15, $0x4E100;
	s10 =	smov.u32 s15;
	v5 =	vld [tilespmem:$0x10180]  }
0x20b: {  	s9 =	smov.u32 s18;
	s10 =	simm.s32 @!p1 $0x4E100;
	p1 =	sgt.s32 s19, s15  }
0x20c: {  	s9 =	smov.u32 @p2 s8;
	s15 =	smov.u32 @p1 s19;
	v6 =	vor.u32 s10, v3  }
0x20d: {  	vm0 =	vge.s32 v6, s15;
	vm1 =	vlt.s32 v6, s9  }
0x20e: {  	vm0 =	vmand vm0, vm1  }
0x20f: {  	v6 =	vsub.s32 v5, v1;
	_ =	sdelay $0x1  }
0x210: {  	v5 =	vsub.s32 v5, v0  }
0x211: {  	v5 =	vnsel vm0, $0x1400, v5  }
0x212: {  	[tilespmem:$0x10400] =	vst v5  }
0x213: {  	[tilespmem:v6+s22+$0x0] =	vst.idx.add.f32.msk vm0, v4  }
0x214: {  	v5 =	vld [tilespmem:$0x10190]  }
0x215: {  	s16 =	sadd.s32 $0x10, s10  }
0x216: {  	v6 =	vor.u32 s16, v3  }
0x217: {  	vm10 =	vge.s32 v6, s15;
	vm11 =	vlt.s32 v6, s9  }
0x218: {  	vm0 =	vmand vm10, vm11  }
0x219: {  	v6 =	vsub.s32 v5, v1;
	_ =	sdelay $0x1  }
0x21a: {  	v5 =	vsub.s32 v5, v0  }
0x21b: {  	v5 =	vnsel vm0, $0x1400, v5  }
0x21c: {  	[tilespmem:$0x10410] =	vst v5  }
0x21d: {  	[tilespmem:v6+s22+$0x0] =	vst.idx.add.f32.msk vm0, v4  }
0x21e: {  	v5 =	vld [tilespmem:$0x101A0]  }
0x21f: {  	s16 =	sadd.s32 $0x20, s10  }
0x220: {  	v6 =	vor.u32 s16, v3  }
0x221: {  	vm12 =	vge.s32 v6, s15;
	vm13 =	vlt.s32 v6, s9  }
0x222: {  	vm0 =	vmand vm12, vm13  }
0x223: {  	v6 =	vsub.s32 v5, v1;
	_ =	sdelay $0x1  }
0x224: {  	v5 =	vsub.s32 v5, v0  }
0x225: {  	v5 =	vnsel vm0, $0x1400, v5  }
0x226: {  	[tilespmem:$0x10420] =	vst v5  }
0x227: {  	[tilespmem:v6+s22+$0x0] =	vst.idx.add.f32.msk vm0, v4  }
0x228: {  	v5 =	vld [tilespmem:$0x101B0]  }
0x229: {  	s16 =	sadd.s32 $0x30, s10  }
0x22a: {  	v6 =	vor.u32 s16, v3  }
0x22b: {  	vm14 =	vge.s32 v6, s15;
	vm15 =	vlt.s32 v6, s9  }
0x22c: {  	vm0 =	vmand vm14, vm15  }
0x22d: {  	v6 =	vsub.s32 v5, v1;
	_ =	sdelay $0x1  }
0x22e: {  	v5 =	vsub.s32 v5, v0  }
0x22f: {  	v5 =	vnsel vm0, $0x1400, v5  }
0x230: {  	[tilespmem:$0x10430] =	vst v5  }
0x231: {  	[tilespmem:v6+s22+$0x0] =	vst.idx.add.f32.msk vm0, v4  }
0x232: {  	v5 =	vld [tilespmem:$0x101C0]  }
0x233: {  	s16 =	sadd.s32 $0x40, s10  }
0x234: {  	v6 =	vor.u32 s16, v3  }
0x235: {  	vm4 =	vge.s32 v6, s15;
	vm5 =	vlt.s32 v6, s9  }
0x236: {  	vm0 =	vmand vm4, vm5  }
0x237: {  	v6 =	vsub.s32 v5, v1;
	_ =	sdelay $0x1  }
0x238: {  	v5 =	vsub.s32 v5, v0  }
0x239: {  	v5 =	vnsel vm0, $0x1400, v5  }
0x23a: {  	[tilespmem:$0x10440] =	vst v5  }
0x23b: {  	[tilespmem:v6+s22+$0x0] =	vst.idx.add.f32.msk vm0, v4  }
0x23c: {  	v5 =	vld [tilespmem:$0x101D0]  }
0x23d: {  	s16 =	sadd.s32 $0x50, s10  }
0x23e: {  	v6 =	vor.u32 s16, v3  }
0x23f: {  	vm6 =	vge.s32 v6, s15;
	vm7 =	vlt.s32 v6, s9  }
0x240: {  	vm0 =	vmand vm6, vm7  }
0x241: {  	v6 =	vsub.s32 v5, v1;
	_ =	sdelay $0x1  }
0x242: {  	v5 =	vsub.s32 v5, v0  }
0x243: {  	v5 =	vnsel vm0, $0x1400, v5  }
0x244: {  	[tilespmem:$0x10450] =	vst v5  }
0x245: {  	[tilespmem:v6+s22+$0x0] =	vst.idx.add.f32.msk vm0, v4  }
0x246: {  	v5 =	vld [tilespmem:$0x101E0]  }
0x247: {  	s16 =	sadd.s32 $0x60, s10  }
0x248: {  	v6 =	vor.u32 s16, v3  }
0x249: {  	vm8 =	vge.s32 v6, s15;
	vm9 =	vlt.s32 v6, s9  }
0x24a: {  	vm0 =	vmand vm8, vm9  }
0x24b: {  	v6 =	vsub.s32 v5, v1;
	_ =	sdelay $0x1  }
0x24c: {  	v5 =	vsub.s32 v5, v0  }
0x24d: {  	v5 =	vnsel vm0, $0x1400, v5  }
0x24e: {  	[tilespmem:$0x10460] =	vst v5  }
0x24f: {  	[tilespmem:v6+s22+$0x0] =	vst.idx.add.f32.msk vm0, v4  }
0x250: {  	v5 =	vld [tilespmem:$0x101F0]  }
0x251: {  	s16 =	sadd.s32 $0x70, s10  }
0x252: {  	v6 =	vor.u32 s16, v3  }
0x253: {  	vm10 =	vge.s32 v6, s15;
	vm11 =	vlt.s32 v6, s9  }
0x254: {  	vm0 =	vmand vm10, vm11  }
0x255: {  	v6 =	vsub.s32 v5, v1;
	_ =	sdelay $0x1  }
0x256: {  	v5 =	vsub.s32 v5, v0  }
0x257: {  	v5 =	vnsel vm0, $0x1400, v5  }
0x258: {  	[tilespmem:$0x10470] =	vst v5  }
0x259: {  	[tilespmem:v6+s22+$0x0] =	vst.idx.add.f32.msk vm0, v4  }
0x25a: {  	v5 =	vld [tilespmem:$0x10200]  }
0x25b: {  	s16 =	sadd.s32 $0x80, s10  }
0x25c: {  	v6 =	vor.u32 s16, v3  }
0x25d: {  	vm12 =	vge.s32 v6, s15;
	vm13 =	vlt.s32 v6, s9  }
0x25e: {  	vm0 =	vmand vm12, vm13  }
0x25f: {  	v6 =	vsub.s32 v5, v1;
	_ =	sdelay $0x1  }
0x260: {  	v5 =	vsub.s32 v5, v0  }
0x261: {  	v5 =	vnsel vm0, $0x1400, v5  }
0x262: {  	[tilespmem:$0x10480] =	vst v5  }
0x263: {  	[tilespmem:v6+s22+$0x0] =	vst.idx.add.f32.msk vm0, v4  }
0x264: {  	v5 =	vld [tilespmem:$0x10210]  }
0x265: {  	s16 =	sadd.s32 $0x90, s10  }
0x266: {  	v6 =	vor.u32 s16, v3  }
0x267: {  	vm14 =	vge.s32 v6, s15;
	vm15 =	vlt.s32 v6, s9  }
0x268: {  	vm0 =	vmand vm14, vm15  }
0x269: {  	v6 =	vsub.s32 v5, v1;
	_ =	sdelay $0x1  }
0x26a: {  	v5 =	vsub.s32 v5, v0  }
0x26b: {  	v5 =	vnsel vm0, $0x1400, v5  }
0x26c: {  	[tilespmem:$0x10490] =	vst v5  }
0x26d: {  	[tilespmem:v6+s22+$0x0] =	vst.idx.add.f32.msk vm0, v4  }
0x26e: {  	v5 =	vld [tilespmem:$0x10220]  }
0x26f: {  	s16 =	sadd.s32 $0xA0, s10  }
0x270: {  	v6 =	vor.u32 s16, v3  }
0x271: {  	vm4 =	vge.s32 v6, s15;
	vm5 =	vlt.s32 v6, s9  }
0x272: {  	vm0 =	vmand vm4, vm5  }
0x273: {  	v6 =	vsub.s32 v5, v1;
	_ =	sdelay $0x1  }
0x274: {  	v5 =	vsub.s32 v5, v0  }
0x275: {  	v5 =	vnsel vm0, $0x1400, v5  }
0x276: {  	[tilespmem:$0x104A0] =	vst v5  }
0x277: {  	[tilespmem:v6+s22+$0x0] =	vst.idx.add.f32.msk vm0, v4  }
0x278: {  	v5 =	vld [tilespmem:$0x10230]  }
0x279: {  	s16 =	sadd.s32 $0xB0, s10  }
0x27a: {  	v6 =	vor.u32 s16, v3  }
0x27b: {  	vm6 =	vge.s32 v6, s15;
	vm7 =	vlt.s32 v6, s9  }
0x27c: {  	vm0 =	vmand vm6, vm7  }
0x27d: {  	v6 =	vsub.s32 v5, v1;
	_ =	sdelay $0x1  }
0x27e: {  	v5 =	vsub.s32 v5, v0  }
0x27f: {  	v5 =	vnsel vm0, $0x1400, v5  }
0x280: {  	[tilespmem:$0x104B0] =	vst v5  }
0x281: {  	[tilespmem:v6+s22+$0x0] =	vst.idx.add.f32.msk vm0, v4  }
0x282: {  	v5 =	vld [tilespmem:$0x10240]  }
0x283: {  	s16 =	sadd.s32 $0xC0, s10  }
0x284: {  	v6 =	vor.u32 s16, v3  }
0x285: {  	vm8 =	vge.s32 v6, s15;
	vm9 =	vlt.s32 v6, s9  }
0x286: {  	vm0 =	vmand vm8, vm9  }
0x287: {  	v6 =	vsub.s32 v5, v1;
	_ =	sdelay $0x1  }
0x288: {  	v5 =	vsub.s32 v5, v0  }
0x289: {  	v5 =	vnsel vm0, $0x1400, v5  }
0x28a: {  	[tilespmem:$0x104C0] =	vst v5  }
0x28b: {  	[tilespmem:v6+s22+$0x0] =	vst.idx.add.f32.msk vm0, v4  }
0x28c: {  	v5 =	vld [tilespmem:$0x10250]  }
0x28d: {  	s16 =	sadd.s32 $0xD0, s10  }
0x28e: {  	v6 =	vor.u32 s16, v3  }
0x28f: {  	vm10 =	vge.s32 v6, s15;
	vm11 =	vlt.s32 v6, s9  }
0x290: {  	vm0 =	vmand vm10, vm11  }
0x291: {  	v6 =	vsub.s32 v5, v1;
	_ =	sdelay $0x1  }
0x292: {  	v5 =	vsub.s32 v5, v0  }
0x293: {  	v5 =	vnsel vm0, $0x1400, v5  }
0x294: {  	[tilespmem:$0x104D0] =	vst v5  }
0x295: {  	[tilespmem:v6+s22+$0x0] =	vst.idx.add.f32.msk vm0, v4  }
0x296: {  	v5 =	vld [tilespmem:$0x10260]  }
0x297: {  	s16 =	sadd.s32 $0xE0, s10  }
0x298: {  	v6 =	vor.u32 s16, v3  }
0x299: {  	vm12 =	vge.s32 v6, s15;
	vm13 =	vlt.s32 v6, s9  }
0x29a: {  	vm0 =	vmand vm12, vm13  }
0x29b: {  	v6 =	vsub.s32 v5, v1;
	_ =	sdelay $0x1  }
0x29c: {  	v5 =	vsub.s32 v5, v0  }
0x29d: {  	v5 =	vnsel vm0, $0x1400, v5  }
0x29e: {  	[tilespmem:$0x104E0] =	vst v5  }
0x29f: {  	[tilespmem:v6+s22+$0x0] =	vst.idx.add.f32.msk vm0, v4  }
0x2a0: {  	v5 =	vld [tilespmem:$0x10270]  }
0x2a1: {  	s16 =	sadd.s32 $0xF0, s10  }
0x2a2: {  	v6 =	vor.u32 s16, v3  }
0x2a3: {  	vm14 =	vge.s32 v6, s15;
	vm15 =	vlt.s32 v6, s9  }
0x2a4: {  	vm0 =	vmand vm14, vm15  }
0x2a5: {  	v6 =	vsub.s32 v5, v1;
	_ =	sdelay $0x1  }
0x2a6: {  	v5 =	vsub.s32 v5, v0  }
0x2a7: {  	v5 =	vnsel vm0, $0x1400, v5  }
0x2a8: {  	[tilespmem:$0x104F0] =	vst v5  }
0x2a9: {  	[tilespmem:v6+s22+$0x0] =	vst.idx.add.f32.msk vm0, v4  }
0x2aa: {  	[spmem:s5] =	stream.indirect.scatter.add.f32 [tilespmem:s31], [sflag:$0x4], $0x80, s30, s23, $0xb8;
	[tilespmem:$0x1AB00] =	vst v63  }
0x2ab: {  	_ =	swait.ge [sflag:s25], $0x4000  }
0x2ac: {  	[sflag:s25] =	ssyncset.done $0x0  }
.Ltmp9:
0x2ad: {  	[sflag:s25] =	ssyncadd.s32 $0xFFFFC000;
	(pc) =	sbr.rel .LBB2_6-.Ltmp9, $4  }
0x2ae: {  	[spmem:s5] =	stream.indirect.scatter.add.f32 [tilespmem:s2], [sflag:$0x3], $0x80, s4, s23, $0xb8;
	[tilespmem:$0x1AB00] =	vst v63  }
0x2af: {  	_ =	swait.ge [sflag:s20], $0x4000  }
0x2b0: {  	[sflag:s20] =	ssyncset.done $0x0  }
0x2b1: {  	[sflag:s20] =	ssyncadd.s32 $0xFFFFC000  }
.LBB2_14:
0x2b2: {  	_ =	sfence.sel $0x180000  }
0x2b3: {  	[bflag:$0x0] =	sbarrier.arrive $0xFFFF  }
0x2b4: {  	_ =	strace $0x90000047  }
0x2b5: {  	s0 =	stileid.u32;
	[bflag:$0x2] =	sbarrier.arrive $0xFFFF  }
0x2b6: {  	p0 =	sne.s32 s0, $0x0;
	s0 =	rddreg [dreg:$0x5]  }
0x2b7: {  	s0 =	sadd.s32 @!p0 $0x100000, s0  }
0x2b8: {  	[sflag:s0] =	ssyncadd.tile.s32 @!p0 $0x1;
	_ =	shalt  }
.Lfunc_end2:
_tile_overlayer_lowered:
.L_overlay_start_2:
0x2b9: {  	(tag) =	ssettag $0x2  }
0x2ba: {  	s0 =	rddreg [dreg:$0x0];
	s2 =	stileid.u32  }
0x2bb: {  	s1 =	rddreg [dreg:$0x1];
	p0 =	sne.s32 s2, $0x0  }
0x2bc: {  	s3 =	rddreg [dreg:$0x2];
	[bflag:$0x3] =	sbarrier.arrive $0xFFFF;
	s2 =	simm.s32 @!p0 $0x1C03  }
0x2bd: {  	[timem:s3], [sflag:s2] =	dma.local @!p0 [hbm:s0], s1  }
0x2be: {  	s0 =	simm.s32 @!p0 $0x3  }
0x2bf: {  	_ =	swait.ge @!p0 [sflag:s0], s1  }
0x2c0: {  	s1 =	ssub.s32 @!p0 $0x0, s1;
	[sflag:s0] =	ssyncset.done @!p0 $0x0  }
0x2c1: {  	[sflag:s0] =	ssyncadd.s32 @!p0 s1  }
0x2c2: {  	[bflag:$0x3] =	sbarrier.arrive $0xFFFF  }
0x2c3: {  	_ =	shalt  }

</sc_bundles>
